<compile_context>
chip_gen: v7x
topology: tpu7x:2x2x1
jax: 0.10.2.dev20260603
libtpu: 0.0.44.dev20260713+nightly
codegen_flags: <defaults>
</compile_context>

<pallas_src>
import functools
import math

import jax
import jax.numpy as jnp
from jax import lax
from jax.experimental import pallas as pl
from jax.experimental.layout import Layout
from jax.experimental.layout import with_layout_constraint
from jax.experimental.pallas import tpu as pltpu
from jax.experimental.pallas import tpu_sc as plsc

D_MODEL = 64
SCALE = math.sqrt(D_MODEL)
B_SZ, S_SZ = 4096, 200
NC, NS, LANES = 2, 16, 16
NW = NC * NS
BPW = B_SZ // NW
NBUF = 4
NGRP = S_SZ // NBUF

_mesh = plsc.VectorSubcoreMesh(core_axis_name="c", subcore_axis_name="s")


@functools.partial(
    pl.kernel,
    mesh=_mesh,
    compiler_params=pltpu.CompilerParams(
        use_tc_tiling_on_sc=False, needs_layout_passes=False),
    out_type=jax.ShapeDtypeStruct((S_SZ, 8, NW, 8, BPW), jnp.float32),
    scratch_types=[
        pltpu.VMEM((S_SZ, BPW), jnp.int32),
        pltpu.VMEM((NBUF, BPW, 2 * D_MODEL), jnp.float32),
        pltpu.VMEM((NBUF, 8, 8, BPW + 1), jnp.float32),
        pltpu.SemaphoreType.DMA((NBUF,)),
        pltpu.SemaphoreType.DMA((NBUF,)),
        pltpu.SemaphoreType.DMA((NBUF,)),
    ],
)
def _emb_lookup(idx_hbm, lut_hbm, out_hbm, idx_v, gbuf, tbuf, gsem, gsem2, ssem):
    wid = lax.axis_index("s") * NC + lax.axis_index("c")
    wb = wid * BPW
    pltpu.sync_copy(idx_hbm.at[:, pl.ds(wb, BPW)], idx_v)

    lane = lax.iota(jnp.int32, LANES)

    HB = BPW // 2

    def start_gather(s, b):
        pltpu.make_async_copy(
            lut_hbm.at[idx_v.at[s, pl.ds(0, HB)]],
            gbuf.at[b, pl.ds(0, HB)], gsem.at[b]).start()
        pltpu.make_async_copy(
            lut_hbm.at[idx_v.at[s, pl.ds(HB, HB)]],
            gbuf.at[b, pl.ds(HB, HB)], gsem2.at[b]).start()

    def wait_gather(s, b):
        pltpu.make_async_copy(
            lut_hbm.at[idx_v.at[s, pl.ds(0, HB)]],
            gbuf.at[b, pl.ds(0, HB)], gsem.at[b]).wait()
        pltpu.make_async_copy(
            lut_hbm.at[idx_v.at[s, pl.ds(HB, HB)]],
            gbuf.at[b, pl.ds(HB, HB)], gsem2.at[b]).wait()

    def out_slot(s):
        return out_hbm.at[s, :, wid]

    def tbuf_src(b):
        return tbuf.at[b, :, :, pl.ds(0, BPW)]

    DH = [(16 * k + lane) // 8 for k in range(D_MODEL // LANES)]
    DL = [lax.rem(16 * k + lane, 8) for k in range(D_MODEL // LANES)]

    def transpose_scale(b):
        def row_body(jg, carry):
            j0 = jg * 4
            jvec0 = jnp.full((LANES,), j0, jnp.int32)
            for dj in range(4):
                j = j0 + dj
                jvec = jvec0 + dj
                for k in range(D_MODEL // LANES):
                    v = gbuf[b, j, pl.ds(k * LANES, LANES)]
                    plsc.store_scatter(tbuf.at[b], [DH[k], DL[k], jvec], v * SCALE)
            return carry
        lax.fori_loop(0, BPW // 4, row_body, 0)

    for b in range(NBUF):
        start_gather(b, b)

    def group(g, carry):
        for b in range(NBUF):
            s = g * NBUF + b
            wait_gather(s, b)
            @pl.when(g > 0)
            def _():
                pltpu.make_async_copy(tbuf_src(b), out_slot(s - NBUF), ssem.at[b]).wait()
            transpose_scale(b)
            pltpu.make_async_copy(tbuf_src(b), out_slot(s), ssem.at[b]).start()
            @pl.when(g < NGRP - 1)
            def _():
                start_gather(s + NBUF, b)
        return carry

    lax.fori_loop(0, NGRP, group, 0)

    for b in range(NBUF):
        s = (NGRP - 1) * NBUF + b
        pltpu.make_async_copy(tbuf_src(b), out_slot(s), ssem.at[b]).wait()


def kernel(indices, lut):
    idx_t = jnp.transpose(indices).astype(jnp.int32)
    lut128 = jnp.pad(lut, ((0, 0), (0, D_MODEL)))
    out5 = _emb_lookup(idx_t, lut128)
    return out5.transpose(2, 4, 0, 1, 3).reshape(B_SZ, S_SZ, D_MODEL)

# --- scband reference (transcript-rebuilt; emitter-appended) ---
"""Pipeline reference for scband-embeddings-86689619902649 (READ-ONLY COPY).

The authoritative reference and input builder live on the scoring server;
editing this copy changes nothing except your own understanding.
"""

import jax, jax.numpy as jnp
import numpy as np
import math

D_MODEL = 64
VOCAB = 1000000

def setup_inputs(seed: int = 0) -> dict:
    key = jax.random.key(seed)
    k1, k2 = jax.random.split(key)
    indices = jax.random.randint(k1, (4096, 200), 0, VOCAB, dtype=jnp.int64 if jax.config.jax_enable_x64 else jnp.int32)
    lut = jax.random.normal(k2, (VOCAB, D_MODEL), dtype=jnp.float32)
    return {"indices": indices, "lut": lut}

def reference(indices, lut):
    # Embedding lookup followed by scale by sqrt(d_model)
    emb = jnp.take(lut, indices, axis=0)
    return emb * math.sqrt(D_MODEL)

if __name__ == "__main__":
    import jax
    _d = setup_inputs()
    print(jax.jit(kernel)(*tuple(_d.values())))

</pallas_src>

<mosaic_0001>
#map = affine_map<(d0, d1) -> (0, 0)>
#map1 = affine_map<(d0, d1) -> (0, 0, 0, 0, 0)>
module attributes {stable_mosaic.version = 14 : i64} {
  func.func @_emb_lookup(%arg0: i32, %arg1: i32, %arg2: memref<200x4096xi32, #tpu.memory_space<hbm>>, %arg3: memref<1000000x128xf32, #tpu.memory_space<hbm>>, %arg4: memref<200x8x32x8x128xf32, #tpu.memory_space<hbm>>, %arg5: memref<200x128xi32, #tpu.memory_space<vmem>>, %arg6: memref<4x128x128xf32, #tpu.memory_space<vmem>>, %arg7: memref<4x8x8x129xf32, #tpu.memory_space<vmem>>, %arg8: memref<4x!tpu.dma_semaphore, #tpu.memory_space<semaphore_mem>>, %arg9: memref<4x!tpu.dma_semaphore, #tpu.memory_space<semaphore_mem>>, %arg10: memref<4x!tpu.dma_semaphore, #tpu.memory_space<semaphore_mem>>) attributes {dimension_semantics = [#tpu.dimension_semantics<core_parallel>, #tpu.dimension_semantics<subcore_parallel>], iteration_bounds = array<i64: 2, 16>, scalar_prefetch = 0 : i64, scratch_operands = 6 : i64, tpu.core_type = #tpu.core_type<sc_vector_subcore>, window_params = [{transform_indices = #map}, {transform_indices = #map}, {transform_indices = #map1}]} {
    %mul3A = arith.constant 2 : i32
    %mul3A_0 = arith.muli %arg1, %mul3A : i32
    %add3A = arith.addi %mul3A_0, %arg0 : i32
    %mul3A_1 = arith.constant 128 : i32
    %mul3A_2 = arith.muli %add3A, %mul3A_1 : i32
    "tpu.region"() ({
      %run_scoped3A = tpu.sem_alloc : memref<!tpu.dma_semaphore, #tpu.memory_space<semaphore_mem>>
      %dma_start3A_378 = arith.constant 0 : i32
      %dma_start3A_379 = tpu.memref_slice %arg2[%dma_start3A_378, %mul3A_2] : memref<200x4096xi32, #tpu.memory_space<hbm>> -> memref<200x128xi32, #tpu.memory_space<hbm>>
      %dma_start3A_380 = arith.constant 0 : i32
      %dma_start3A_381 = tpu.memref_slice %arg2[%dma_start3A_380, %mul3A_2] : memref<200x4096xi32, #tpu.memory_space<hbm>> -> memref<200x128xi32, #tpu.memory_space<hbm>>
      tpu.enqueue_dma source(%dma_start3A_381 : memref<200x128xi32, #tpu.memory_space<hbm>>) target(%arg5 : memref<200x128xi32, #tpu.memory_space<vmem>>) target_semaphore(%run_scoped3A : memref<!tpu.dma_semaphore, #tpu.memory_space<semaphore_mem>>)
      %dma_wait3A_382 = arith.constant 0 : i32
      %dma_wait3A_383 = tpu.memref_slice %arg2[%dma_wait3A_382, %mul3A_2] : memref<200x4096xi32, #tpu.memory_space<hbm>> -> memref<200x128xi32, #tpu.memory_space<hbm>>
      %dma_wait3A_384 = arith.constant 0 : i32
      %dma_wait3A_385 = tpu.memref_slice %arg2[%dma_wait3A_384, %mul3A_2] : memref<200x4096xi32, #tpu.memory_space<hbm>> -> memref<200x128xi32, #tpu.memory_space<hbm>>
      tpu.wait_dma2 semaphore(%run_scoped3A : memref<!tpu.dma_semaphore, #tpu.memory_space<semaphore_mem>>) src(%dma_wait3A_385 : memref<200x128xi32, #tpu.memory_space<hbm>>) dst(%arg5 : memref<200x128xi32, #tpu.memory_space<vmem>>)
      tpu.yield
    }) : () -> ()
    %iota3A = tpu.iota {dimensions = array<i32: 0>} : vector<16xi32>
    %add3A_3 = arith.constant 0 : i32
    %add3A_4 = vector.broadcast %add3A_3 : i32 to vector<16xi32>
    %add3A_5 = arith.addi %add3A_4, %iota3A : vector<16xi32>
    %jit3A = arith.constant 8 : i32
    %div3A = vector.broadcast %jit3A : i32 to vector<16xi32>
    %div3A_6 = arith.divsi %add3A_5, %div3A : vector<16xi32>
    %sign3A = arith.constant 0 : i32
    %sign3A_7 = vector.broadcast %sign3A : i32 to vector<16xi32>
    %sign3A_8 = arith.cmpi sgt, %add3A_5, %sign3A_7 : vector<16xi32>
    %sign3A_9 = arith.extui %sign3A_8 : vector<16xi1> to vector<16xi32>
    %sign3A_10 = arith.constant 0 : i32
    %sign3A_11 = vector.broadcast %sign3A_10 : i32 to vector<16xi32>
    %sign3A_12 = arith.cmpi slt, %add3A_5, %sign3A_11 : vector<16xi32>
    %sign3A_13 = arith.extui %sign3A_12 : vector<16xi1> to vector<16xi32>
    %sign3A_14 = arith.subi %sign3A_9, %sign3A_13 : vector<16xi32>
    %sign3A_15 = arith.constant 0 : i32
    %sign3A_16 = arith.cmpi sgt, %jit3A, %sign3A_15 : i32
    %sign3A_17 = arith.extui %sign3A_16 : i1 to i32
    %sign3A_18 = arith.constant 0 : i32
    %sign3A_19 = arith.cmpi slt, %jit3A, %sign3A_18 : i32
    %sign3A_20 = arith.extui %sign3A_19 : i1 to i32
    %sign3A_21 = arith.subi %sign3A_17, %sign3A_20 : i32
    %ne3A = vector.broadcast %sign3A_21 : i32 to vector<16xi32>
    %ne3A_22 = arith.cmpi ne, %sign3A_14, %ne3A : vector<16xi32>
    %rem3A = vector.broadcast %jit3A : i32 to vector<16xi32>
    %rem3A_23 = arith.remsi %add3A_5, %rem3A : vector<16xi32>
    %ne3A_24 = arith.constant 0 : i32
    %ne3A_25 = vector.broadcast %ne3A_24 : i32 to vector<16xi32>
    %ne3A_26 = arith.cmpi ne, %rem3A_23, %ne3A_25 : vector<16xi32>
    %and3A = arith.andi %ne3A_22, %ne3A_26 : vector<16xi1>
    %sub3A = arith.constant 1 : i32
    %sub3A_27 = vector.broadcast %sub3A : i32 to vector<16xi32>
    %sub3A_28 = arith.subi %div3A_6, %sub3A_27 : vector<16xi32>
    %select_n3A = arith.select %and3A, %sub3A_28, %div3A_6 : vector<16xi1>, vector<16xi32>
    %add3A_29 = arith.constant 16 : i32
    %add3A_30 = vector.broadcast %add3A_29 : i32 to vector<16xi32>
    %add3A_31 = arith.addi %add3A_30, %iota3A : vector<16xi32>
    %jit3A_32 = arith.constant 8 : i32
    %div3A_33 = vector.broadcast %jit3A_32 : i32 to vector<16xi32>
    %div3A_34 = arith.divsi %add3A_31, %div3A_33 : vector<16xi32>
    %sign3A_35 = arith.constant 0 : i32
    %sign3A_36 = vector.broadcast %sign3A_35 : i32 to vector<16xi32>
    %sign3A_37 = arith.cmpi sgt, %add3A_31, %sign3A_36 : vector<16xi32>
    %sign3A_38 = arith.extui %sign3A_37 : vector<16xi1> to vector<16xi32>
    %sign3A_39 = arith.constant 0 : i32
    %sign3A_40 = vector.broadcast %sign3A_39 : i32 to vector<16xi32>
    %sign3A_41 = arith.cmpi slt, %add3A_31, %sign3A_40 : vector<16xi32>
    %sign3A_42 = arith.extui %sign3A_41 : vector<16xi1> to vector<16xi32>
    %sign3A_43 = arith.subi %sign3A_38, %sign3A_42 : vector<16xi32>
    %sign3A_44 = arith.constant 0 : i32
    %sign3A_45 = arith.cmpi sgt, %jit3A_32, %sign3A_44 : i32
    %sign3A_46 = arith.extui %sign3A_45 : i1 to i32
    %sign3A_47 = arith.constant 0 : i32
    %sign3A_48 = arith.cmpi slt, %jit3A_32, %sign3A_47 : i32
    %sign3A_49 = arith.extui %sign3A_48 : i1 to i32
    %sign3A_50 = arith.subi %sign3A_46, %sign3A_49 : i32
    %ne3A_51 = vector.broadcast %sign3A_50 : i32 to vector<16xi32>
    %ne3A_52 = arith.cmpi ne, %sign3A_43, %ne3A_51 : vector<16xi32>
    %rem3A_53 = vector.broadcast %jit3A_32 : i32 to vector<16xi32>
    %rem3A_54 = arith.remsi %add3A_31, %rem3A_53 : vector<16xi32>
    %ne3A_55 = arith.constant 0 : i32
    %ne3A_56 = vector.broadcast %ne3A_55 : i32 to vector<16xi32>
    %ne3A_57 = arith.cmpi ne, %rem3A_54, %ne3A_56 : vector<16xi32>
    %and3A_58 = arith.andi %ne3A_52, %ne3A_57 : vector<16xi1>
    %sub3A_59 = arith.constant 1 : i32
    %sub3A_60 = vector.broadcast %sub3A_59 : i32 to vector<16xi32>
    %sub3A_61 = arith.subi %div3A_34, %sub3A_60 : vector<16xi32>
    %select_n3A_62 = arith.select %and3A_58, %sub3A_61, %div3A_34 : vector<16xi1>, vector<16xi32>
    %add3A_63 = arith.constant 32 : i32
    %add3A_64 = vector.broadcast %add3A_63 : i32 to vector<16xi32>
    %add3A_65 = arith.addi %add3A_64, %iota3A : vector<16xi32>
    %jit3A_66 = arith.constant 8 : i32
    %div3A_67 = vector.broadcast %jit3A_66 : i32 to vector<16xi32>
    %div3A_68 = arith.divsi %add3A_65, %div3A_67 : vector<16xi32>
    %sign3A_69 = arith.constant 0 : i32
    %sign3A_70 = vector.broadcast %sign3A_69 : i32 to vector<16xi32>
    %sign3A_71 = arith.cmpi sgt, %add3A_65, %sign3A_70 : vector<16xi32>
    %sign3A_72 = arith.extui %sign3A_71 : vector<16xi1> to vector<16xi32>
    %sign3A_73 = arith.constant 0 : i32
    %sign3A_74 = vector.broadcast %sign3A_73 : i32 to vector<16xi32>
    %sign3A_75 = arith.cmpi slt, %add3A_65, %sign3A_74 : vector<16xi32>
    %sign3A_76 = arith.extui %sign3A_75 : vector<16xi1> to vector<16xi32>
    %sign3A_77 = arith.subi %sign3A_72, %sign3A_76 : vector<16xi32>
    %sign3A_78 = arith.constant 0 : i32
    %sign3A_79 = arith.cmpi sgt, %jit3A_66, %sign3A_78 : i32
    %sign3A_80 = arith.extui %sign3A_79 : i1 to i32
    %sign3A_81 = arith.constant 0 : i32
    %sign3A_82 = arith.cmpi slt, %jit3A_66, %sign3A_81 : i32
    %sign3A_83 = arith.extui %sign3A_82 : i1 to i32
    %sign3A_84 = arith.subi %sign3A_80, %sign3A_83 : i32
    %ne3A_85 = vector.broadcast %sign3A_84 : i32 to vector<16xi32>
    %ne3A_86 = arith.cmpi ne, %sign3A_77, %ne3A_85 : vector<16xi32>
    %rem3A_87 = vector.broadcast %jit3A_66 : i32 to vector<16xi32>
    %rem3A_88 = arith.remsi %add3A_65, %rem3A_87 : vector<16xi32>
    %ne3A_89 = arith.constant 0 : i32
    %ne3A_90 = vector.broadcast %ne3A_89 : i32 to vector<16xi32>
    %ne3A_91 = arith.cmpi ne, %rem3A_88, %ne3A_90 : vector<16xi32>
    %and3A_92 = arith.andi %ne3A_86, %ne3A_91 : vector<16xi1>
    %sub3A_93 = arith.constant 1 : i32
    %sub3A_94 = vector.broadcast %sub3A_93 : i32 to vector<16xi32>
    %sub3A_95 = arith.subi %div3A_68, %sub3A_94 : vector<16xi32>
    %select_n3A_96 = arith.select %and3A_92, %sub3A_95, %div3A_68 : vector<16xi1>, vector<16xi32>
    %add3A_97 = arith.constant 48 : i32
    %add3A_98 = vector.broadcast %add3A_97 : i32 to vector<16xi32>
    %add3A_99 = arith.addi %add3A_98, %iota3A : vector<16xi32>
    %jit3A_100 = arith.constant 8 : i32
    %div3A_101 = vector.broadcast %jit3A_100 : i32 to vector<16xi32>
    %div3A_102 = arith.divsi %add3A_99, %div3A_101 : vector<16xi32>
    %sign3A_103 = arith.constant 0 : i32
    %sign3A_104 = vector.broadcast %sign3A_103 : i32 to vector<16xi32>
    %sign3A_105 = arith.cmpi sgt, %add3A_99, %sign3A_104 : vector<16xi32>
    %sign3A_106 = arith.extui %sign3A_105 : vector<16xi1> to vector<16xi32>
    %sign3A_107 = arith.constant 0 : i32
    %sign3A_108 = vector.broadcast %sign3A_107 : i32 to vector<16xi32>
    %sign3A_109 = arith.cmpi slt, %add3A_99, %sign3A_108 : vector<16xi32>
    %sign3A_110 = arith.extui %sign3A_109 : vector<16xi1> to vector<16xi32>
    %sign3A_111 = arith.subi %sign3A_106, %sign3A_110 : vector<16xi32>
    %sign3A_112 = arith.constant 0 : i32
    %sign3A_113 = arith.cmpi sgt, %jit3A_100, %sign3A_112 : i32
    %sign3A_114 = arith.extui %sign3A_113 : i1 to i32
    %sign3A_115 = arith.constant 0 : i32
    %sign3A_116 = arith.cmpi slt, %jit3A_100, %sign3A_115 : i32
    %sign3A_117 = arith.extui %sign3A_116 : i1 to i32
    %sign3A_118 = arith.subi %sign3A_114, %sign3A_117 : i32
    %ne3A_119 = vector.broadcast %sign3A_118 : i32 to vector<16xi32>
    %ne3A_120 = arith.cmpi ne, %sign3A_111, %ne3A_119 : vector<16xi32>
    %rem3A_121 = vector.broadcast %jit3A_100 : i32 to vector<16xi32>
    %rem3A_122 = arith.remsi %add3A_99, %rem3A_121 : vector<16xi32>
    %ne3A_123 = arith.constant 0 : i32
    %ne3A_124 = vector.broadcast %ne3A_123 : i32 to vector<16xi32>
    %ne3A_125 = arith.cmpi ne, %rem3A_122, %ne3A_124 : vector<16xi32>
    %and3A_126 = arith.andi %ne3A_120, %ne3A_125 : vector<16xi1>
    %sub3A_127 = arith.constant 1 : i32
    %sub3A_128 = vector.broadcast %sub3A_127 : i32 to vector<16xi32>
    %sub3A_129 = arith.subi %div3A_102, %sub3A_128 : vector<16xi32>
    %select_n3A_130 = arith.select %and3A_126, %sub3A_129, %div3A_102 : vector<16xi1>, vector<16xi32>
    %add3A_131 = arith.constant 0 : i32
    %add3A_132 = vector.broadcast %add3A_131 : i32 to vector<16xi32>
    %add3A_133 = arith.addi %add3A_132, %iota3A : vector<16xi32>
    %rem3A_134 = arith.constant 8 : i32
    %rem3A_135 = vector.broadcast %rem3A_134 : i32 to vector<16xi32>
    %rem3A_136 = arith.remsi %add3A_133, %rem3A_135 : vector<16xi32>
    %add3A_137 = arith.constant 16 : i32
    %add3A_138 = vector.broadcast %add3A_137 : i32 to vector<16xi32>
    %add3A_139 = arith.addi %add3A_138, %iota3A : vector<16xi32>
    %rem3A_140 = arith.constant 8 : i32
    %rem3A_141 = vector.broadcast %rem3A_140 : i32 to vector<16xi32>
    %rem3A_142 = arith.remsi %add3A_139, %rem3A_141 : vector<16xi32>
    %add3A_143 = arith.constant 32 : i32
    %add3A_144 = vector.broadcast %add3A_143 : i32 to vector<16xi32>
    %add3A_145 = arith.addi %add3A_144, %iota3A : vector<16xi32>
    %rem3A_146 = arith.constant 8 : i32
    %rem3A_147 = vector.broadcast %rem3A_146 : i32 to vector<16xi32>
    %rem3A_148 = arith.remsi %add3A_145, %rem3A_147 : vector<16xi32>
    %add3A_149 = arith.constant 48 : i32
    %add3A_150 = vector.broadcast %add3A_149 : i32 to vector<16xi32>
    %add3A_151 = arith.addi %add3A_150, %iota3A : vector<16xi32>
    %rem3A_152 = arith.constant 8 : i32
    %rem3A_153 = vector.broadcast %rem3A_152 : i32 to vector<16xi32>
    %rem3A_154 = arith.remsi %add3A_151, %rem3A_153 : vector<16xi32>
    %dma_start3A = arith.constant 0 : i32
    %dma_start3A_155 = arith.constant 0 : i32
    %dma_start3A_156 = arith.constant 0 : i32
    %dma_start3A_157 = arith.constant 0 : i32
    %dma_start3A_158 = arith.constant 0 : i32
    %dma_start3A_159 = tpu.memref_slice %arg6[%dma_start3A_155, %dma_start3A_157, %dma_start3A_158] : memref<4x128x128xf32, #tpu.memory_space<vmem>> -> memref<1x64x128xf32, #tpu.memory_space<vmem>>
    %dma_start3A_160 = tpu.memref_squeeze %dma_start3A_159 : memref<1x64x128xf32, #tpu.memory_space<vmem>> -> memref<64x128xf32, #tpu.memory_space<vmem>>
    %dma_start3A_161 = arith.constant 0 : i32
    %dma_start3A_162 = tpu.memref_slice %arg5[%dma_start3A, %dma_start3A_161] : memref<200x128xi32, #tpu.memory_space<vmem>> -> memref<1x64xi32, #tpu.memory_space<vmem>>
    %dma_start3A_163 = tpu.memref_squeeze %dma_start3A_162 : memref<1x64xi32, #tpu.memory_space<vmem>> -> memref<64xi32, #tpu.memory_space<vmem>>
    %dma_start3A_164 = arith.constant 0 : i32
    %dma_start3A_165 = arith.constant 0 : i32
    %dma_start3A_166 = tpu.memref_slice %arg3[%dma_start3A_164, %dma_start3A_165] : memref<1000000x128xf32, #tpu.memory_space<hbm>> -> memref<1000000x128xf32, #tpu.memory_space<hbm>>
    %dma_start3A_167 = tpu.memref_slice %arg8[%dma_start3A_156] : memref<4x!tpu.dma_semaphore, #tpu.memory_space<semaphore_mem>> -> memref<1x!tpu.dma_semaphore, #tpu.memory_space<semaphore_mem>>
    %dma_start3A_168 = tpu.memref_squeeze %dma_start3A_167 : memref<1x!tpu.dma_semaphore, #tpu.memory_space<semaphore_mem>> -> memref<!tpu.dma_semaphore, #tpu.memory_space<semaphore_mem>>
    tpu.enqueue_indirect_dma source(%dma_start3A_166 : memref<1000000x128xf32, #tpu.memory_space<hbm>>) target(%dma_start3A_160 : memref<64x128xf32, #tpu.memory_space<vmem>>) offsets(%dma_start3A_163 : memref<64xi32, #tpu.memory_space<vmem>>) semaphore(%dma_start3A_168 : memref<!tpu.dma_semaphore, #tpu.memory_space<semaphore_mem>>)
    %dma_start3A_169 = arith.constant 0 : i32
    %dma_start3A_170 = arith.constant 0 : i32
    %dma_start3A_171 = arith.constant 0 : i32
    %dma_start3A_172 = arith.constant 64 : i32
    %dma_start3A_173 = arith.constant 0 : i32
    %dma_start3A_174 = tpu.memref_slice %arg6[%dma_start3A_170, %dma_start3A_172, %dma_start3A_173] : memref<4x128x128xf32, #tpu.memory_space<vmem>> -> memref<1x64x128xf32, #tpu.memory_space<vmem>>
    %dma_start3A_175 = tpu.memref_squeeze %dma_start3A_174 : memref<1x64x128xf32, #tpu.memory_space<vmem>> -> memref<64x128xf32, #tpu.memory_space<vmem>>
    %dma_start3A_176 = arith.constant 64 : i32
    %dma_start3A_177 = tpu.memref_slice %arg5[%dma_start3A_169, %dma_start3A_176] : memref<200x128xi32, #tpu.memory_space<vmem>> -> memref<1x64xi32, #tpu.memory_space<vmem>>
    %dma_start3A_178 = tpu.memref_squeeze %dma_start3A_177 : memref<1x64xi32, #tpu.memory_space<vmem>> -> memref<64xi32, #tpu.memory_space<vmem>>
    %dma_start3A_179 = arith.constant 0 : i32
    %dma_start3A_180 = arith.constant 0 : i32
    %dma_start3A_181 = tpu.memref_slice %arg3[%dma_start3A_179, %dma_start3A_180] : memref<1000000x128xf32, #tpu.memory_space<hbm>> -> memref<1000000x128xf32, #tpu.memory_space<hbm>>
    %dma_start3A_182 = tpu.memref_slice %arg9[%dma_start3A_171] : memref<4x!tpu.dma_semaphore, #tpu.memory_space<semaphore_mem>> -> memref<1x!tpu.dma_semaphore, #tpu.memory_space<semaphore_mem>>
    %dma_start3A_183 = tpu.memref_squeeze %dma_start3A_182 : memref<1x!tpu.dma_semaphore, #tpu.memory_space<semaphore_mem>> -> memref<!tpu.dma_semaphore, #tpu.memory_space<semaphore_mem>>
    tpu.enqueue_indirect_dma source(%dma_start3A_181 : memref<1000000x128xf32, #tpu.memory_space<hbm>>) target(%dma_start3A_175 : memref<64x128xf32, #tpu.memory_space<vmem>>) offsets(%dma_start3A_178 : memref<64xi32, #tpu.memory_space<vmem>>) semaphore(%dma_start3A_183 : memref<!tpu.dma_semaphore, #tpu.memory_space<semaphore_mem>>)
    %dma_start3A_184 = arith.constant 1 : i32
    %dma_start3A_185 = arith.constant 1 : i32
    %dma_start3A_186 = arith.constant 1 : i32
    %dma_start3A_187 = arith.constant 0 : i32
    %dma_start3A_188 = arith.constant 0 : i32
    %dma_start3A_189 = tpu.memref_slice %arg6[%dma_start3A_185, %dma_start3A_187, %dma_start3A_188] : memref<4x128x128xf32, #tpu.memory_space<vmem>> -> memref<1x64x128xf32, #tpu.memory_space<vmem>>
    %dma_start3A_190 = tpu.memref_squeeze %dma_start3A_189 : memref<1x64x128xf32, #tpu.memory_space<vmem>> -> memref<64x128xf32, #tpu.memory_space<vmem>>
    %dma_start3A_191 = arith.constant 0 : i32
    %dma_start3A_192 = tpu.memref_slice %arg5[%dma_start3A_184, %dma_start3A_191] : memref<200x128xi32, #tpu.memory_space<vmem>> -> memref<1x64xi32, #tpu.memory_space<vmem>>
    %dma_start3A_193 = tpu.memref_squeeze %dma_start3A_192 : memref<1x64xi32, #tpu.memory_space<vmem>> -> memref<64xi32, #tpu.memory_space<vmem>>
    %dma_start3A_194 = arith.constant 0 : i32
    %dma_start3A_195 = arith.constant 0 : i32
    %dma_start3A_196 = tpu.memref_slice %arg3[%dma_start3A_194, %dma_start3A_195] : memref<1000000x128xf32, #tpu.memory_space<hbm>> -> memref<1000000x128xf32, #tpu.memory_space<hbm>>
    %dma_start3A_197 = tpu.memref_slice %arg8[%dma_start3A_186] : memref<4x!tpu.dma_semaphore, #tpu.memory_space<semaphore_mem>> -> memref<1x!tpu.dma_semaphore, #tpu.memory_space<semaphore_mem>>
    %dma_start3A_198 = tpu.memref_squeeze %dma_start3A_197 : memref<1x!tpu.dma_semaphore, #tpu.memory_space<semaphore_mem>> -> memref<!tpu.dma_semaphore, #tpu.memory_space<semaphore_mem>>
    tpu.enqueue_indirect_dma source(%dma_start3A_196 : memref<1000000x128xf32, #tpu.memory_space<hbm>>) target(%dma_start3A_190 : memref<64x128xf32, #tpu.memory_space<vmem>>) offsets(%dma_start3A_193 : memref<64xi32, #tpu.memory_space<vmem>>) semaphore(%dma_start3A_198 : memref<!tpu.dma_semaphore, #tpu.memory_space<semaphore_mem>>)
    %dma_start3A_199 = arith.constant 1 : i32
    %dma_start3A_200 = arith.constant 1 : i32
    %dma_start3A_201 = arith.constant 1 : i32
    %dma_start3A_202 = arith.constant 64 : i32
    %dma_start3A_203 = arith.constant 0 : i32
    %dma_start3A_204 = tpu.memref_slice %arg6[%dma_start3A_200, %dma_start3A_202, %dma_start3A_203] : memref<4x128x128xf32, #tpu.memory_space<vmem>> -> memref<1x64x128xf32, #tpu.memory_space<vmem>>
    %dma_start3A_205 = tpu.memref_squeeze %dma_start3A_204 : memref<1x64x128xf32, #tpu.memory_space<vmem>> -> memref<64x128xf32, #tpu.memory_space<vmem>>
    %dma_start3A_206 = arith.constant 64 : i32
    %dma_start3A_207 = tpu.memref_slice %arg5[%dma_start3A_199, %dma_start3A_206] : memref<200x128xi32, #tpu.memory_space<vmem>> -> memref<1x64xi32, #tpu.memory_space<vmem>>
    %dma_start3A_208 = tpu.memref_squeeze %dma_start3A_207 : memref<1x64xi32, #tpu.memory_space<vmem>> -> memref<64xi32, #tpu.memory_space<vmem>>
    %dma_start3A_209 = arith.constant 0 : i32
    %dma_start3A_210 = arith.constant 0 : i32
    %dma_start3A_211 = tpu.memref_slice %arg3[%dma_start3A_209, %dma_start3A_210] : memref<1000000x128xf32, #tpu.memory_space<hbm>> -> memref<1000000x128xf32, #tpu.memory_space<hbm>>
    %dma_start3A_212 = tpu.memref_slice %arg9[%dma_start3A_201] : memref<4x!tpu.dma_semaphore, #tpu.memory_space<semaphore_mem>> -> memref<1x!tpu.dma_semaphore, #tpu.memory_space<semaphore_mem>>
    %dma_start3A_213 = tpu.memref_squeeze %dma_start3A_212 : memref<1x!tpu.dma_semaphore, #tpu.memory_space<semaphore_mem>> -> memref<!tpu.dma_semaphore, #tpu.memory_space<semaphore_mem>>
    tpu.enqueue_indirect_dma source(%dma_start3A_211 : memref<1000000x128xf32, #tpu.memory_space<hbm>>) target(%dma_start3A_205 : memref<64x128xf32, #tpu.memory_space<vmem>>) offsets(%dma_start3A_208 : memref<64xi32, #tpu.memory_space<vmem>>) semaphore(%dma_start3A_213 : memref<!tpu.dma_semaphore, #tpu.memory_space<semaphore_mem>>)
    %dma_start3A_214 = arith.constant 2 : i32
    %dma_start3A_215 = arith.constant 2 : i32
    %dma_start3A_216 = arith.constant 2 : i32
    %dma_start3A_217 = arith.constant 0 : i32
    %dma_start3A_218 = arith.constant 0 : i32
    %dma_start3A_219 = tpu.memref_slice %arg6[%dma_start3A_215, %dma_start3A_217, %dma_start3A_218] : memref<4x128x128xf32, #tpu.memory_space<vmem>> -> memref<1x64x128xf32, #tpu.memory_space<vmem>>
    %dma_start3A_220 = tpu.memref_squeeze %dma_start3A_219 : memref<1x64x128xf32, #tpu.memory_space<vmem>> -> memref<64x128xf32, #tpu.memory_space<vmem>>
    %dma_start3A_221 = arith.constant 0 : i32
    %dma_start3A_222 = tpu.memref_slice %arg5[%dma_start3A_214, %dma_start3A_221] : memref<200x128xi32, #tpu.memory_space<vmem>> -> memref<1x64xi32, #tpu.memory_space<vmem>>
    %dma_start3A_223 = tpu.memref_squeeze %dma_start3A_222 : memref<1x64xi32, #tpu.memory_space<vmem>> -> memref<64xi32, #tpu.memory_space<vmem>>
    %dma_start3A_224 = arith.constant 0 : i32
    %dma_start3A_225 = arith.constant 0 : i32
    %dma_start3A_226 = tpu.memref_slice %arg3[%dma_start3A_224, %dma_start3A_225] : memref<1000000x128xf32, #tpu.memory_space<hbm>> -> memref<1000000x128xf32, #tpu.memory_space<hbm>>
    %dma_start3A_227 = tpu.memref_slice %arg8[%dma_start3A_216] : memref<4x!tpu.dma_semaphore, #tpu.memory_space<semaphore_mem>> -> memref<1x!tpu.dma_semaphore, #tpu.memory_space<semaphore_mem>>
    %dma_start3A_228 = tpu.memref_squeeze %dma_start3A_227 : memref<1x!tpu.dma_semaphore, #tpu.memory_space<semaphore_mem>> -> memref<!tpu.dma_semaphore, #tpu.memory_space<semaphore_mem>>
    tpu.enqueue_indirect_dma source(%dma_start3A_226 : memref<1000000x128xf32, #tpu.memory_space<hbm>>) target(%dma_start3A_220 : memref<64x128xf32, #tpu.memory_space<vmem>>) offsets(%dma_start3A_223 : memref<64xi32, #tpu.memory_space<vmem>>) semaphore(%dma_start3A_228 : memref<!tpu.dma_semaphore, #tpu.memory_space<semaphore_mem>>)
    %dma_start3A_229 = arith.constant 2 : i32
    %dma_start3A_230 = arith.constant 2 : i32
    %dma_start3A_231 = arith.constant 2 : i32
    %dma_start3A_232 = arith.constant 64 : i32
    %dma_start3A_233 = arith.constant 0 : i32
    %dma_start3A_234 = tpu.memref_slice %arg6[%dma_start3A_230, %dma_start3A_232, %dma_start3A_233] : memref<4x128x128xf32, #tpu.memory_space<vmem>> -> memref<1x64x128xf32, #tpu.memory_space<vmem>>
    %dma_start3A_235 = tpu.memref_squeeze %dma_start3A_234 : memref<1x64x128xf32, #tpu.memory_space<vmem>> -> memref<64x128xf32, #tpu.memory_space<vmem>>
    %dma_start3A_236 = arith.constant 64 : i32
    %dma_start3A_237 = tpu.memref_slice %arg5[%dma_start3A_229, %dma_start3A_236] : memref<200x128xi32, #tpu.memory_space<vmem>> -> memref<1x64xi32, #tpu.memory_space<vmem>>
    %dma_start3A_238 = tpu.memref_squeeze %dma_start3A_237 : memref<1x64xi32, #tpu.memory_space<vmem>> -> memref<64xi32, #tpu.memory_space<vmem>>
    %dma_start3A_239 = arith.constant 0 : i32
    %dma_start3A_240 = arith.constant 0 : i32
    %dma_start3A_241 = tpu.memref_slice %arg3[%dma_start3A_239, %dma_start3A_240] : memref<1000000x128xf32, #tpu.memory_space<hbm>> -> memref<1000000x128xf32, #tpu.memory_space<hbm>>
    %dma_start3A_242 = tpu.memref_slice %arg9[%dma_start3A_231] : memref<4x!tpu.dma_semaphore, #tpu.memory_space<semaphore_mem>> -> memref<1x!tpu.dma_semaphore, #tpu.memory_space<semaphore_mem>>
    %dma_start3A_243 = tpu.memref_squeeze %dma_start3A_242 : memref<1x!tpu.dma_semaphore, #tpu.memory_space<semaphore_mem>> -> memref<!tpu.dma_semaphore, #tpu.memory_space<semaphore_mem>>
    tpu.enqueue_indirect_dma source(%dma_start3A_241 : memref<1000000x128xf32, #tpu.memory_space<hbm>>) target(%dma_start3A_235 : memref<64x128xf32, #tpu.memory_space<vmem>>) offsets(%dma_start3A_238 : memref<64xi32, #tpu.memory_space<vmem>>) semaphore(%dma_start3A_243 : memref<!tpu.dma_semaphore, #tpu.memory_space<semaphore_mem>>)
    %dma_start3A_244 = arith.constant 3 : i32
    %dma_start3A_245 = arith.constant 3 : i32
    %dma_start3A_246 = arith.constant 3 : i32
    %dma_start3A_247 = arith.constant 0 : i32
    %dma_start3A_248 = arith.constant 0 : i32
    %dma_start3A_249 = tpu.memref_slice %arg6[%dma_start3A_245, %dma_start3A_247, %dma_start3A_248] : memref<4x128x128xf32, #tpu.memory_space<vmem>> -> memref<1x64x128xf32, #tpu.memory_space<vmem>>
    %dma_start3A_250 = tpu.memref_squeeze %dma_start3A_249 : memref<1x64x128xf32, #tpu.memory_space<vmem>> -> memref<64x128xf32, #tpu.memory_space<vmem>>
    %dma_start3A_251 = arith.constant 0 : i32
    %dma_start3A_252 = tpu.memref_slice %arg5[%dma_start3A_244, %dma_start3A_251] : memref<200x128xi32, #tpu.memory_space<vmem>> -> memref<1x64xi32, #tpu.memory_space<vmem>>
    %dma_start3A_253 = tpu.memref_squeeze %dma_start3A_252 : memref<1x64xi32, #tpu.memory_space<vmem>> -> memref<64xi32, #tpu.memory_space<vmem>>
    %dma_start3A_254 = arith.constant 0 : i32
    %dma_start3A_255 = arith.constant 0 : i32
    %dma_start3A_256 = tpu.memref_slice %arg3[%dma_start3A_254, %dma_start3A_255] : memref<1000000x128xf32, #tpu.memory_space<hbm>> -> memref<1000000x128xf32, #tpu.memory_space<hbm>>
    %dma_start3A_257 = tpu.memref_slice %arg8[%dma_start3A_246] : memref<4x!tpu.dma_semaphore, #tpu.memory_space<semaphore_mem>> -> memref<1x!tpu.dma_semaphore, #tpu.memory_space<semaphore_mem>>
    %dma_start3A_258 = tpu.memref_squeeze %dma_start3A_257 : memref<1x!tpu.dma_semaphore, #tpu.memory_space<semaphore_mem>> -> memref<!tpu.dma_semaphore, #tpu.memory_space<semaphore_mem>>
    tpu.enqueue_indirect_dma source(%dma_start3A_256 : memref<1000000x128xf32, #tpu.memory_space<hbm>>) target(%dma_start3A_250 : memref<64x128xf32, #tpu.memory_space<vmem>>) offsets(%dma_start3A_253 : memref<64xi32, #tpu.memory_space<vmem>>) semaphore(%dma_start3A_258 : memref<!tpu.dma_semaphore, #tpu.memory_space<semaphore_mem>>)
    %dma_start3A_259 = arith.constant 3 : i32
    %dma_start3A_260 = arith.constant 3 : i32
    %dma_start3A_261 = arith.constant 3 : i32
    %dma_start3A_262 = arith.constant 64 : i32
    %dma_start3A_263 = arith.constant 0 : i32
    %dma_start3A_264 = tpu.memref_slice %arg6[%dma_start3A_260, %dma_start3A_262, %dma_start3A_263] : memref<4x128x128xf32, #tpu.memory_space<vmem>> -> memref<1x64x128xf32, #tpu.memory_space<vmem>>
    %dma_start3A_265 = tpu.memref_squeeze %dma_start3A_264 : memref<1x64x128xf32, #tpu.memory_space<vmem>> -> memref<64x128xf32, #tpu.memory_space<vmem>>
    %dma_start3A_266 = arith.constant 64 : i32
    %dma_start3A_267 = tpu.memref_slice %arg5[%dma_start3A_259, %dma_start3A_266] : memref<200x128xi32, #tpu.memory_space<vmem>> -> memref<1x64xi32, #tpu.memory_space<vmem>>
    %dma_start3A_268 = tpu.memref_squeeze %dma_start3A_267 : memref<1x64xi32, #tpu.memory_space<vmem>> -> memref<64xi32, #tpu.memory_space<vmem>>
    %dma_start3A_269 = arith.constant 0 : i32
    %dma_start3A_270 = arith.constant 0 : i32
    %dma_start3A_271 = tpu.memref_slice %arg3[%dma_start3A_269, %dma_start3A_270] : memref<1000000x128xf32, #tpu.memory_space<hbm>> -> memref<1000000x128xf32, #tpu.memory_space<hbm>>
    %dma_start3A_272 = tpu.memref_slice %arg9[%dma_start3A_261] : memref<4x!tpu.dma_semaphore, #tpu.memory_space<semaphore_mem>> -> memref<1x!tpu.dma_semaphore, #tpu.memory_space<semaphore_mem>>
    %dma_start3A_273 = tpu.memref_squeeze %dma_start3A_272 : memref<1x!tpu.dma_semaphore, #tpu.memory_space<semaphore_mem>> -> memref<!tpu.dma_semaphore, #tpu.memory_space<semaphore_mem>>
    tpu.enqueue_indirect_dma source(%dma_start3A_271 : memref<1000000x128xf32, #tpu.memory_space<hbm>>) target(%dma_start3A_265 : memref<64x128xf32, #tpu.memory_space<vmem>>) offsets(%dma_start3A_268 : memref<64xi32, #tpu.memory_space<vmem>>) semaphore(%dma_start3A_273 : memref<!tpu.dma_semaphore, #tpu.memory_space<semaphore_mem>>)
    %scan3A = arith.constant 0 : i32
    %scan3A_274 = arith.constant 0 : i32
    %scan3A_275 = arith.constant 50 : i32
    %scan3A_276 = arith.addi %scan3A_274, %scan3A_275 : i32
    %scan3A_277 = arith.constant 1 : i32
    scf.for %scan3A_378 = %scan3A_274 to %scan3A_276 step %scan3A_277  : i32 {
      %mul3A_379 = arith.constant 4 : i32
      %mul3A_380 = arith.muli %scan3A_378, %mul3A_379 : i32
      %add3A_381 = arith.constant 0 : i32
      %add3A_382 = arith.addi %mul3A_380, %add3A_381 : i32
      %dma_wait3A_383 = arith.constant 0 : i32
      %dma_wait3A_384 = arith.constant 0 : i32
      %dma_wait3A_385 = arith.constant 0 : i32
      %dma_wait3A_386 = arith.constant 0 : i32
      %dma_wait3A_387 = tpu.memref_slice %arg6[%dma_wait3A_383, %dma_wait3A_385, %dma_wait3A_386] : memref<4x128x128xf32, #tpu.memory_space<vmem>> -> memref<1x64x128xf32, #tpu.memory_space<vmem>>
      %dma_wait3A_388 = tpu.memref_squeeze %dma_wait3A_387 : memref<1x64x128xf32, #tpu.memory_space<vmem>> -> memref<64x128xf32, #tpu.memory_space<vmem>>
      %dma_wait3A_389 = arith.constant 0 : i32
      %dma_wait3A_390 = tpu.memref_slice %arg5[%add3A_382, %dma_wait3A_389] : memref<200x128xi32, #tpu.memory_space<vmem>> -> memref<1x64xi32, #tpu.memory_space<vmem>>
      %dma_wait3A_391 = tpu.memref_squeeze %dma_wait3A_390 : memref<1x64xi32, #tpu.memory_space<vmem>> -> memref<64xi32, #tpu.memory_space<vmem>>
      %dma_wait3A_392 = arith.constant 0 : i32
      %dma_wait3A_393 = arith.constant 0 : i32
      %dma_wait3A_394 = tpu.memref_slice %arg3[%dma_wait3A_392, %dma_wait3A_393] : memref<1000000x128xf32, #tpu.memory_space<hbm>> -> memref<1000000x128xf32, #tpu.memory_space<hbm>>
      %dma_wait3A_395 = tpu.memref_slice %arg8[%dma_wait3A_384] : memref<4x!tpu.dma_semaphore, #tpu.memory_space<semaphore_mem>> -> memref<1x!tpu.dma_semaphore, #tpu.memory_space<semaphore_mem>>
      %dma_wait3A_396 = tpu.memref_squeeze %dma_wait3A_395 : memref<1x!tpu.dma_semaphore, #tpu.memory_space<semaphore_mem>> -> memref<!tpu.dma_semaphore, #tpu.memory_space<semaphore_mem>>
      tpu.wait_indirect_dma semaphore(%dma_wait3A_396 : memref<!tpu.dma_semaphore, #tpu.memory_space<semaphore_mem>>) src(%dma_wait3A_394 : memref<1000000x128xf32, #tpu.memory_space<hbm>>) dst(%dma_wait3A_388 : memref<64x128xf32, #tpu.memory_space<vmem>>)
      %dma_wait3A_397 = arith.constant 0 : i32
      %dma_wait3A_398 = arith.constant 0 : i32
      %dma_wait3A_399 = arith.constant 64 : i32
      %dma_wait3A_400 = arith.constant 0 : i32
      %dma_wait3A_401 = tpu.memref_slice %arg6[%dma_wait3A_397, %dma_wait3A_399, %dma_wait3A_400] : memref<4x128x128xf32, #tpu.memory_space<vmem>> -> memref<1x64x128xf32, #tpu.memory_space<vmem>>
      %dma_wait3A_402 = tpu.memref_squeeze %dma_wait3A_401 : memref<1x64x128xf32, #tpu.memory_space<vmem>> -> memref<64x128xf32, #tpu.memory_space<vmem>>
      %dma_wait3A_403 = arith.constant 64 : i32
      %dma_wait3A_404 = tpu.memref_slice %arg5[%add3A_382, %dma_wait3A_403] : memref<200x128xi32, #tpu.memory_space<vmem>> -> memref<1x64xi32, #tpu.memory_space<vmem>>
      %dma_wait3A_405 = tpu.memref_squeeze %dma_wait3A_404 : memref<1x64xi32, #tpu.memory_space<vmem>> -> memref<64xi32, #tpu.memory_space<vmem>>
      %dma_wait3A_406 = arith.constant 0 : i32
      %dma_wait3A_407 = arith.constant 0 : i32
      %dma_wait3A_408 = tpu.memref_slice %arg3[%dma_wait3A_406, %dma_wait3A_407] : memref<1000000x128xf32, #tpu.memory_space<hbm>> -> memref<1000000x128xf32, #tpu.memory_space<hbm>>
      %dma_wait3A_409 = tpu.memref_slice %arg9[%dma_wait3A_398] : memref<4x!tpu.dma_semaphore, #tpu.memory_space<semaphore_mem>> -> memref<1x!tpu.dma_semaphore, #tpu.memory_space<semaphore_mem>>
      %dma_wait3A_410 = tpu.memref_squeeze %dma_wait3A_409 : memref<1x!tpu.dma_semaphore, #tpu.memory_space<semaphore_mem>> -> memref<!tpu.dma_semaphore, #tpu.memory_space<semaphore_mem>>
      tpu.wait_indirect_dma semaphore(%dma_wait3A_410 : memref<!tpu.dma_semaphore, #tpu.memory_space<semaphore_mem>>) src(%dma_wait3A_408 : memref<1000000x128xf32, #tpu.memory_space<hbm>>) dst(%dma_wait3A_402 : memref<64x128xf32, #tpu.memory_space<vmem>>)
      %gt3A = arith.constant 0 : i32
      %gt3A_411 = arith.cmpi sgt, %scan3A_378, %gt3A : i32
      %convert_element_type3A = arith.extui %gt3A_411 : i1 to i32
      %cond3A = arith.constant 0 : i32
      %cond3A_412 = arith.cmpi ne, %convert_element_type3A, %cond3A : i32
      scf.if %cond3A_412 {
        %sub3A_663 = arith.constant 4 : i32
        %sub3A_664 = arith.subi %add3A_382, %sub3A_663 : i32
        %dma_wait3A_665 = arith.constant 0 : i32
        %dma_wait3A_666 = arith.constant 0 : i32
        %dma_wait3A_667 = arith.constant 0 : i32
        %dma_wait3A_668 = arith.constant 0 : i32
        %dma_wait3A_669 = arith.constant 0 : i32
        %dma_wait3A_670 = tpu.memref_slice %arg7[%dma_wait3A_665, %dma_wait3A_667, %dma_wait3A_668, %dma_wait3A_669] : memref<4x8x8x129xf32, #tpu.memory_space<vmem>> -> memref<1x8x8x128xf32, #tpu.memory_space<vmem>>
        %dma_wait3A_671 = tpu.memref_squeeze %dma_wait3A_670 : memref<1x8x8x128xf32, #tpu.memory_space<vmem>> -> memref<8x8x128xf32, #tpu.memory_space<vmem>>
        %dma_wait3A_672 = arith.constant 0 : i32
        %dma_wait3A_673 = arith.constant 0 : i32
        %dma_wait3A_674 = arith.constant 0 : i32
        %dma_wait3A_675 = tpu.memref_slice %arg4[%sub3A_664, %dma_wait3A_672, %add3A, %dma_wait3A_673, %dma_wait3A_674] : memref<200x8x32x8x128xf32, #tpu.memory_space<hbm>> -> memref<1x8x1x8x128xf32, #tpu.memory_space<hbm>>
        %dma_wait3A_676 = tpu.memref_squeeze %dma_wait3A_675 : memref<1x8x1x8x128xf32, #tpu.memory_space<hbm>> -> memref<8x8x128xf32, #tpu.memory_space<hbm>>
        %dma_wait3A_677 = tpu.memref_slice %arg10[%dma_wait3A_666] : memref<4x!tpu.dma_semaphore, #tpu.memory_space<semaphore_mem>> -> memref<1x!tpu.dma_semaphore, #tpu.memory_space<semaphore_mem>>
        %dma_wait3A_678 = tpu.memref_squeeze %dma_wait3A_677 : memref<1x!tpu.dma_semaphore, #tpu.memory_space<semaphore_mem>> -> memref<!tpu.dma_semaphore, #tpu.memory_space<semaphore_mem>>
        %dma_wait3A_679 = arith.constant 0 : i32
        %dma_wait3A_680 = arith.constant 0 : i32
        %dma_wait3A_681 = arith.constant 0 : i32
        %dma_wait3A_682 = tpu.memref_slice %arg4[%sub3A_664, %dma_wait3A_679, %add3A, %dma_wait3A_680, %dma_wait3A_681] : memref<200x8x32x8x128xf32, #tpu.memory_space<hbm>> -> memref<1x8x1x8x128xf32, #tpu.memory_space<hbm>>
        %dma_wait3A_683 = tpu.memref_squeeze %dma_wait3A_682 : memref<1x8x1x8x128xf32, #tpu.memory_space<hbm>> -> memref<8x8x128xf32, #tpu.memory_space<hbm>>
        %dma_wait3A_684 = arith.constant 0 : i32
        %dma_wait3A_685 = arith.constant 0 : i32
        %dma_wait3A_686 = arith.constant 0 : i32
        %dma_wait3A_687 = tpu.memref_slice %arg7[%dma_wait3A_665, %dma_wait3A_684, %dma_wait3A_685, %dma_wait3A_686] : memref<4x8x8x129xf32, #tpu.memory_space<vmem>> -> memref<1x8x8x128xf32, #tpu.memory_space<vmem>>
        %dma_wait3A_688 = tpu.memref_squeeze %dma_wait3A_687 : memref<1x8x8x128xf32, #tpu.memory_space<vmem>> -> memref<8x8x128xf32, #tpu.memory_space<vmem>>
        tpu.wait_dma2 semaphore(%dma_wait3A_678 : memref<!tpu.dma_semaphore, #tpu.memory_space<semaphore_mem>>) src(%dma_wait3A_688 : memref<8x8x128xf32, #tpu.memory_space<vmem>>) dst(%dma_wait3A_683 : memref<8x8x128xf32, #tpu.memory_space<hbm>>)
      } else {
      }
      %scan3A_413 = arith.constant 0 : i32
      %scan3A_414 = arith.constant 0 : i32
      %scan3A_415 = arith.constant 32 : i32
      %scan3A_416 = arith.addi %scan3A_414, %scan3A_415 : i32
      %scan3A_417 = arith.constant 1 : i32
      scf.for %scan3A_663 = %scan3A_414 to %scan3A_416 step %scan3A_417  : i32 {
        %mul3A_664 = arith.constant 4 : i32
        %mul3A_665 = arith.muli %scan3A_663, %mul3A_664 : i32
        %broadcast_in_dim3A = vector.broadcast %mul3A_665 : i32 to vector<16xi32>
        %add3A_666 = arith.constant 0 : i32
        %add3A_667 = arith.addi %mul3A_665, %add3A_666 : i32
        %add3A_668 = arith.constant 0 : i32
        %add3A_669 = vector.broadcast %add3A_668 : i32 to vector<16xi32>
        %add3A_670 = arith.addi %broadcast_in_dim3A, %add3A_669 : vector<16xi32>
        %get3A = arith.constant 0 : i32
        %get3A_671 = arith.index_cast %get3A : i32 to index
        %get3A_672 = arith.index_cast %add3A_667 : i32 to index
        %get3A_673 = arith.constant 0 : index
        %get3A_674 = tpu.vector_load %arg6[%get3A_671, %get3A_672, %get3A_673] {strides = array<i32>} : memref<4x128x128xf32, #tpu.memory_space<vmem>>, vector<16xf32>,
        %mul3A_675 = arith.constant 8.000000e+00 : f32
        %mul3A_676 = vector.broadcast %mul3A_675 : f32 to vector<16xf32>
        %mul3A_677 = arith.mulf %get3A_674, %mul3A_676 : vector<16xf32>
        %scatter3A = arith.constant 0 : i32
        %scatter3A_678 = arith.constant 0 : i32
        %scatter3A_679 = arith.constant 0 : i32
        %scatter3A_680 = arith.constant 0 : i32
        %scatter3A_681 = tpu.memref_slice %arg7[%scatter3A, %scatter3A_678, %scatter3A_679, %scatter3A_680] : memref<4x8x8x129xf32, #tpu.memory_space<vmem>> -> memref<1x8x8x129xf32, #tpu.memory_space<vmem>>
        %scatter3A_682 = tpu.memref_squeeze %scatter3A_681 : memref<1x8x8x129xf32, #tpu.memory_space<vmem>> -> memref<8x8x129xf32, #tpu.memory_space<vmem>>
        tpu.vector_store_idx %scatter3A_682[%select_n3A, %rem3A_136, %add3A_670], %mul3A_677 : memref<8x8x129xf32, #tpu.memory_space<vmem>>[vector<16xi32>, vector<16xi32>, vector<16xi32>], vector<16xf32>,
        %get3A_683 = arith.constant 0 : i32
        %get3A_684 = arith.index_cast %get3A_683 : i32 to index
        %get3A_685 = arith.index_cast %add3A_667 : i32 to index
        %get3A_686 = arith.constant 16 : index
        %get3A_687 = tpu.vector_load %arg6[%get3A_684, %get3A_685, %get3A_686] {strides = array<i32>} : memref<4x128x128xf32, #tpu.memory_space<vmem>>, vector<16xf32>,
        %mul3A_688 = arith.constant 8.000000e+00 : f32
        %mul3A_689 = vector.broadcast %mul3A_688 : f32 to vector<16xf32>
        %mul3A_690 = arith.mulf %get3A_687, %mul3A_689 : vector<16xf32>
        %scatter3A_691 = arith.constant 0 : i32
        %scatter3A_692 = arith.constant 0 : i32
        %scatter3A_693 = arith.constant 0 : i32
        %scatter3A_694 = arith.constant 0 : i32
        %scatter3A_695 = tpu.memref_slice %arg7[%scatter3A_691, %scatter3A_692, %scatter3A_693, %scatter3A_694] : memref<4x8x8x129xf32, #tpu.memory_space<vmem>> -> memref<1x8x8x129xf32, #tpu.memory_space<vmem>>
        %scatter3A_696 = tpu.memref_squeeze %scatter3A_695 : memref<1x8x8x129xf32, #tpu.memory_space<vmem>> -> memref<8x8x129xf32, #tpu.memory_space<vmem>>
        tpu.vector_store_idx %scatter3A_696[%select_n3A_62, %rem3A_142, %add3A_670], %mul3A_690 : memref<8x8x129xf32, #tpu.memory_space<vmem>>[vector<16xi32>, vector<16xi32>, vector<16xi32>], vector<16xf32>,
        %get3A_697 = arith.constant 0 : i32
        %get3A_698 = arith.index_cast %get3A_697 : i32 to index
        %get3A_699 = arith.index_cast %add3A_667 : i32 to index
        %get3A_700 = arith.constant 32 : index
        %get3A_701 = tpu.vector_load %arg6[%get3A_698, %get3A_699, %get3A_700] {strides = array<i32>} : memref<4x128x128xf32, #tpu.memory_space<vmem>>, vector<16xf32>,
        %mul3A_702 = arith.constant 8.000000e+00 : f32
        %mul3A_703 = vector.broadcast %mul3A_702 : f32 to vector<16xf32>
        %mul3A_704 = arith.mulf %get3A_701, %mul3A_703 : vector<16xf32>
        %scatter3A_705 = arith.constant 0 : i32
        %scatter3A_706 = arith.constant 0 : i32
        %scatter3A_707 = arith.constant 0 : i32
        %scatter3A_708 = arith.constant 0 : i32
        %scatter3A_709 = tpu.memref_slice %arg7[%scatter3A_705, %scatter3A_706, %scatter3A_707, %scatter3A_708] : memref<4x8x8x129xf32, #tpu.memory_space<vmem>> -> memref<1x8x8x129xf32, #tpu.memory_space<vmem>>
        %scatter3A_710 = tpu.memref_squeeze %scatter3A_709 : memref<1x8x8x129xf32, #tpu.memory_space<vmem>> -> memref<8x8x129xf32, #tpu.memory_space<vmem>>
        tpu.vector_store_idx %scatter3A_710[%select_n3A_96, %rem3A_148, %add3A_670], %mul3A_704 : memref<8x8x129xf32, #tpu.memory_space<vmem>>[vector<16xi32>, vector<16xi32>, vector<16xi32>], vector<16xf32>,
        %get3A_711 = arith.constant 0 : i32
        %get3A_712 = arith.index_cast %get3A_711 : i32 to index
        %get3A_713 = arith.index_cast %add3A_667 : i32 to index
        %get3A_714 = arith.constant 48 : index
        %get3A_715 = tpu.vector_load %arg6[%get3A_712, %get3A_713, %get3A_714] {strides = array<i32>} : memref<4x128x128xf32, #tpu.memory_space<vmem>>, vector<16xf32>,
        %mul3A_716 = arith.constant 8.000000e+00 : f32
        %mul3A_717 = vector.broadcast %mul3A_716 : f32 to vector<16xf32>
        %mul3A_718 = arith.mulf %get3A_715, %mul3A_717 : vector<16xf32>
        %scatter3A_719 = arith.constant 0 : i32
        %scatter3A_720 = arith.constant 0 : i32
        %scatter3A_721 = arith.constant 0 : i32
        %scatter3A_722 = arith.constant 0 : i32
        %scatter3A_723 = tpu.memref_slice %arg7[%scatter3A_719, %scatter3A_720, %scatter3A_721, %scatter3A_722] : memref<4x8x8x129xf32, #tpu.memory_space<vmem>> -> memref<1x8x8x129xf32, #tpu.memory_space<vmem>>
        %scatter3A_724 = tpu.memref_squeeze %scatter3A_723 : memref<1x8x8x129xf32, #tpu.memory_space<vmem>> -> memref<8x8x129xf32, #tpu.memory_space<vmem>>
        tpu.vector_store_idx %scatter3A_724[%select_n3A_130, %rem3A_154, %add3A_670], %mul3A_718 : memref<8x8x129xf32, #tpu.memory_space<vmem>>[vector<16xi32>, vector<16xi32>, vector<16xi32>], vector<16xf32>,
        %add3A_725 = arith.constant 1 : i32
        %add3A_726 = arith.addi %mul3A_665, %add3A_725 : i32
        %add3A_727 = arith.constant 1 : i32
        %add3A_728 = vector.broadcast %add3A_727 : i32 to vector<16xi32>
        %add3A_729 = arith.addi %broadcast_in_dim3A, %add3A_728 : vector<16xi32>
        %get3A_730 = arith.constant 0 : i32
        %get3A_731 = arith.index_cast %get3A_730 : i32 to index
        %get3A_732 = arith.index_cast %add3A_726 : i32 to index
        %get3A_733 = arith.constant 0 : index
        %get3A_734 = tpu.vector_load %arg6[%get3A_731, %get3A_732, %get3A_733] {strides = array<i32>} : memref<4x128x128xf32, #tpu.memory_space<vmem>>, vector<16xf32>,
        %mul3A_735 = arith.constant 8.000000e+00 : f32
        %mul3A_736 = vector.broadcast %mul3A_735 : f32 to vector<16xf32>
        %mul3A_737 = arith.mulf %get3A_734, %mul3A_736 : vector<16xf32>
        %scatter3A_738 = arith.constant 0 : i32
        %scatter3A_739 = arith.constant 0 : i32
        %scatter3A_740 = arith.constant 0 : i32
        %scatter3A_741 = arith.constant 0 : i32
        %scatter3A_742 = tpu.memref_slice %arg7[%scatter3A_738, %scatter3A_739, %scatter3A_740, %scatter3A_741] : memref<4x8x8x129xf32, #tpu.memory_space<vmem>> -> memref<1x8x8x129xf32, #tpu.memory_space<vmem>>
        %scatter3A_743 = tpu.memref_squeeze %scatter3A_742 : memref<1x8x8x129xf32, #tpu.memory_space<vmem>> -> memref<8x8x129xf32, #tpu.memory_space<vmem>>
        tpu.vector_store_idx %scatter3A_743[%select_n3A, %rem3A_136, %add3A_729], %mul3A_737 : memref<8x8x129xf32, #tpu.memory_space<vmem>>[vector<16xi32>, vector<16xi32>, vector<16xi32>], vector<16xf32>,
        %get3A_744 = arith.constant 0 : i32
        %get3A_745 = arith.index_cast %get3A_744 : i32 to index
        %get3A_746 = arith.index_cast %add3A_726 : i32 to index
        %get3A_747 = arith.constant 16 : index
        %get3A_748 = tpu.vector_load %arg6[%get3A_745, %get3A_746, %get3A_747] {strides = array<i32>} : memref<4x128x128xf32, #tpu.memory_space<vmem>>, vector<16xf32>,
        %mul3A_749 = arith.constant 8.000000e+00 : f32
        %mul3A_750 = vector.broadcast %mul3A_749 : f32 to vector<16xf32>
        %mul3A_751 = arith.mulf %get3A_748, %mul3A_750 : vector<16xf32>
        %scatter3A_752 = arith.constant 0 : i32
        %scatter3A_753 = arith.constant 0 : i32
        %scatter3A_754 = arith.constant 0 : i32
        %scatter3A_755 = arith.constant 0 : i32
        %scatter3A_756 = tpu.memref_slice %arg7[%scatter3A_752, %scatter3A_753, %scatter3A_754, %scatter3A_755] : memref<4x8x8x129xf32, #tpu.memory_space<vmem>> -> memref<1x8x8x129xf32, #tpu.memory_space<vmem>>
        %scatter3A_757 = tpu.memref_squeeze %scatter3A_756 : memref<1x8x8x129xf32, #tpu.memory_space<vmem>> -> memref<8x8x129xf32, #tpu.memory_space<vmem>>
        tpu.vector_store_idx %scatter3A_757[%select_n3A_62, %rem3A_142, %add3A_729], %mul3A_751 : memref<8x8x129xf32, #tpu.memory_space<vmem>>[vector<16xi32>, vector<16xi32>, vector<16xi32>], vector<16xf32>,
        %get3A_758 = arith.constant 0 : i32
        %get3A_759 = arith.index_cast %get3A_758 : i32 to index
        %get3A_760 = arith.index_cast %add3A_726 : i32 to index
        %get3A_761 = arith.constant 32 : index
        %get3A_762 = tpu.vector_load %arg6[%get3A_759, %get3A_760, %get3A_761] {strides = array<i32>} : memref<4x128x128xf32, #tpu.memory_space<vmem>>, vector<16xf32>,
        %mul3A_763 = arith.constant 8.000000e+00 : f32
        %mul3A_764 = vector.broadcast %mul3A_763 : f32 to vector<16xf32>
        %mul3A_765 = arith.mulf %get3A_762, %mul3A_764 : vector<16xf32>
        %scatter3A_766 = arith.constant 0 : i32
        %scatter3A_767 = arith.constant 0 : i32
        %scatter3A_768 = arith.constant 0 : i32
        %scatter3A_769 = arith.constant 0 : i32
        %scatter3A_770 = tpu.memref_slice %arg7[%scatter3A_766, %scatter3A_767, %scatter3A_768, %scatter3A_769] : memref<4x8x8x129xf32, #tpu.memory_space<vmem>> -> memref<1x8x8x129xf32, #tpu.memory_space<vmem>>
        %scatter3A_771 = tpu.memref_squeeze %scatter3A_770 : memref<1x8x8x129xf32, #tpu.memory_space<vmem>> -> memref<8x8x129xf32, #tpu.memory_space<vmem>>
        tpu.vector_store_idx %scatter3A_771[%select_n3A_96, %rem3A_148, %add3A_729], %mul3A_765 : memref<8x8x129xf32, #tpu.memory_space<vmem>>[vector<16xi32>, vector<16xi32>, vector<16xi32>], vector<16xf32>,
        %get3A_772 = arith.constant 0 : i32
        %get3A_773 = arith.index_cast %get3A_772 : i32 to index
        %get3A_774 = arith.index_cast %add3A_726 : i32 to index
        %get3A_775 = arith.constant 48 : index
        %get3A_776 = tpu.vector_load %arg6[%get3A_773, %get3A_774, %get3A_775] {strides = array<i32>} : memref<4x128x128xf32, #tpu.memory_space<vmem>>, vector<16xf32>,
        %mul3A_777 = arith.constant 8.000000e+00 : f32
        %mul3A_778 = vector.broadcast %mul3A_777 : f32 to vector<16xf32>
        %mul3A_779 = arith.mulf %get3A_776, %mul3A_778 : vector<16xf32>
        %scatter3A_780 = arith.constant 0 : i32
        %scatter3A_781 = arith.constant 0 : i32
        %scatter3A_782 = arith.constant 0 : i32
        %scatter3A_783 = arith.constant 0 : i32
        %scatter3A_784 = tpu.memref_slice %arg7[%scatter3A_780, %scatter3A_781, %scatter3A_782, %scatter3A_783] : memref<4x8x8x129xf32, #tpu.memory_space<vmem>> -> memref<1x8x8x129xf32, #tpu.memory_space<vmem>>
        %scatter3A_785 = tpu.memref_squeeze %scatter3A_784 : memref<1x8x8x129xf32, #tpu.memory_space<vmem>> -> memref<8x8x129xf32, #tpu.memory_space<vmem>>
        tpu.vector_store_idx %scatter3A_785[%select_n3A_130, %rem3A_154, %add3A_729], %mul3A_779 : memref<8x8x129xf32, #tpu.memory_space<vmem>>[vector<16xi32>, vector<16xi32>, vector<16xi32>], vector<16xf32>,
        %add3A_786 = arith.constant 2 : i32
        %add3A_787 = arith.addi %mul3A_665, %add3A_786 : i32
        %add3A_788 = arith.constant 2 : i32
        %add3A_789 = vector.broadcast %add3A_788 : i32 to vector<16xi32>
        %add3A_790 = arith.addi %broadcast_in_dim3A, %add3A_789 : vector<16xi32>
        %get3A_791 = arith.constant 0 : i32
        %get3A_792 = arith.index_cast %get3A_791 : i32 to index
        %get3A_793 = arith.index_cast %add3A_787 : i32 to index
        %get3A_794 = arith.constant 0 : index
        %get3A_795 = tpu.vector_load %arg6[%get3A_792, %get3A_793, %get3A_794] {strides = array<i32>} : memref<4x128x128xf32, #tpu.memory_space<vmem>>, vector<16xf32>,
        %mul3A_796 = arith.constant 8.000000e+00 : f32
        %mul3A_797 = vector.broadcast %mul3A_796 : f32 to vector<16xf32>
        %mul3A_798 = arith.mulf %get3A_795, %mul3A_797 : vector<16xf32>
        %scatter3A_799 = arith.constant 0 : i32
        %scatter3A_800 = arith.constant 0 : i32
        %scatter3A_801 = arith.constant 0 : i32
        %scatter3A_802 = arith.constant 0 : i32
        %scatter3A_803 = tpu.memref_slice %arg7[%scatter3A_799, %scatter3A_800, %scatter3A_801, %scatter3A_802] : memref<4x8x8x129xf32, #tpu.memory_space<vmem>> -> memref<1x8x8x129xf32, #tpu.memory_space<vmem>>
        %scatter3A_804 = tpu.memref_squeeze %scatter3A_803 : memref<1x8x8x129xf32, #tpu.memory_space<vmem>> -> memref<8x8x129xf32, #tpu.memory_space<vmem>>
        tpu.vector_store_idx %scatter3A_804[%select_n3A, %rem3A_136, %add3A_790], %mul3A_798 : memref<8x8x129xf32, #tpu.memory_space<vmem>>[vector<16xi32>, vector<16xi32>, vector<16xi32>], vector<16xf32>,
        %get3A_805 = arith.constant 0 : i32
        %get3A_806 = arith.index_cast %get3A_805 : i32 to index
        %get3A_807 = arith.index_cast %add3A_787 : i32 to index
        %get3A_808 = arith.constant 16 : index
        %get3A_809 = tpu.vector_load %arg6[%get3A_806, %get3A_807, %get3A_808] {strides = array<i32>} : memref<4x128x128xf32, #tpu.memory_space<vmem>>, vector<16xf32>,
        %mul3A_810 = arith.constant 8.000000e+00 : f32
        %mul3A_811 = vector.broadcast %mul3A_810 : f32 to vector<16xf32>
        %mul3A_812 = arith.mulf %get3A_809, %mul3A_811 : vector<16xf32>
        %scatter3A_813 = arith.constant 0 : i32
        %scatter3A_814 = arith.constant 0 : i32
        %scatter3A_815 = arith.constant 0 : i32
        %scatter3A_816 = arith.constant 0 : i32
        %scatter3A_817 = tpu.memref_slice %arg7[%scatter3A_813, %scatter3A_814, %scatter3A_815, %scatter3A_816] : memref<4x8x8x129xf32, #tpu.memory_space<vmem>> -> memref<1x8x8x129xf32, #tpu.memory_space<vmem>>
        %scatter3A_818 = tpu.memref_squeeze %scatter3A_817 : memref<1x8x8x129xf32, #tpu.memory_space<vmem>> -> memref<8x8x129xf32, #tpu.memory_space<vmem>>
        tpu.vector_store_idx %scatter3A_818[%select_n3A_62, %rem3A_142, %add3A_790], %mul3A_812 : memref<8x8x129xf32, #tpu.memory_space<vmem>>[vector<16xi32>, vector<16xi32>, vector<16xi32>], vector<16xf32>,
        %get3A_819 = arith.constant 0 : i32
        %get3A_820 = arith.index_cast %get3A_819 : i32 to index
        %get3A_821 = arith.index_cast %add3A_787 : i32 to index
        %get3A_822 = arith.constant 32 : index
        %get3A_823 = tpu.vector_load %arg6[%get3A_820, %get3A_821, %get3A_822] {strides = array<i32>} : memref<4x128x128xf32, #tpu.memory_space<vmem>>, vector<16xf32>,
        %mul3A_824 = arith.constant 8.000000e+00 : f32
        %mul3A_825 = vector.broadcast %mul3A_824 : f32 to vector<16xf32>
        %mul3A_826 = arith.mulf %get3A_823, %mul3A_825 : vector<16xf32>
        %scatter3A_827 = arith.constant 0 : i32
        %scatter3A_828 = arith.constant 0 : i32
        %scatter3A_829 = arith.constant 0 : i32
        %scatter3A_830 = arith.constant 0 : i32
        %scatter3A_831 = tpu.memref_slice %arg7[%scatter3A_827, %scatter3A_828, %scatter3A_829, %scatter3A_830] : memref<4x8x8x129xf32, #tpu.memory_space<vmem>> -> memref<1x8x8x129xf32, #tpu.memory_space<vmem>>
        %scatter3A_832 = tpu.memref_squeeze %scatter3A_831 : memref<1x8x8x129xf32, #tpu.memory_space<vmem>> -> memref<8x8x129xf32, #tpu.memory_space<vmem>>
        tpu.vector_store_idx %scatter3A_832[%select_n3A_96, %rem3A_148, %add3A_790], %mul3A_826 : memref<8x8x129xf32, #tpu.memory_space<vmem>>[vector<16xi32>, vector<16xi32>, vector<16xi32>], vector<16xf32>,
        %get3A_833 = arith.constant 0 : i32
        %get3A_834 = arith.index_cast %get3A_833 : i32 to index
        %get3A_835 = arith.index_cast %add3A_787 : i32 to index
        %get3A_836 = arith.constant 48 : index
        %get3A_837 = tpu.vector_load %arg6[%get3A_834, %get3A_835, %get3A_836] {strides = array<i32>} : memref<4x128x128xf32, #tpu.memory_space<vmem>>, vector<16xf32>,
        %mul3A_838 = arith.constant 8.000000e+00 : f32
        %mul3A_839 = vector.broadcast %mul3A_838 : f32 to vector<16xf32>
        %mul3A_840 = arith.mulf %get3A_837, %mul3A_839 : vector<16xf32>
        %scatter3A_841 = arith.constant 0 : i32
        %scatter3A_842 = arith.constant 0 : i32
        %scatter3A_843 = arith.constant 0 : i32
        %scatter3A_844 = arith.constant 0 : i32
        %scatter3A_845 = tpu.memref_slice %arg7[%scatter3A_841, %scatter3A_842, %scatter3A_843, %scatter3A_844] : memref<4x8x8x129xf32, #tpu.memory_space<vmem>> -> memref<1x8x8x129xf32, #tpu.memory_space<vmem>>
        %scatter3A_846 = tpu.memref_squeeze %scatter3A_845 : memref<1x8x8x129xf32, #tpu.memory_space<vmem>> -> memref<8x8x129xf32, #tpu.memory_space<vmem>>
        tpu.vector_store_idx %scatter3A_846[%select_n3A_130, %rem3A_154, %add3A_790], %mul3A_840 : memref<8x8x129xf32, #tpu.memory_space<vmem>>[vector<16xi32>, vector<16xi32>, vector<16xi32>], vector<16xf32>,
        %add3A_847 = arith.constant 3 : i32
        %add3A_848 = arith.addi %mul3A_665, %add3A_847 : i32
        %add3A_849 = arith.constant 3 : i32
        %add3A_850 = vector.broadcast %add3A_849 : i32 to vector<16xi32>
        %add3A_851 = arith.addi %broadcast_in_dim3A, %add3A_850 : vector<16xi32>
        %get3A_852 = arith.constant 0 : i32
        %get3A_853 = arith.index_cast %get3A_852 : i32 to index
        %get3A_854 = arith.index_cast %add3A_848 : i32 to index
        %get3A_855 = arith.constant 0 : index
        %get3A_856 = tpu.vector_load %arg6[%get3A_853, %get3A_854, %get3A_855] {strides = array<i32>} : memref<4x128x128xf32, #tpu.memory_space<vmem>>, vector<16xf32>,
        %mul3A_857 = arith.constant 8.000000e+00 : f32
        %mul3A_858 = vector.broadcast %mul3A_857 : f32 to vector<16xf32>
        %mul3A_859 = arith.mulf %get3A_856, %mul3A_858 : vector<16xf32>
        %scatter3A_860 = arith.constant 0 : i32
        %scatter3A_861 = arith.constant 0 : i32
        %scatter3A_862 = arith.constant 0 : i32
        %scatter3A_863 = arith.constant 0 : i32
        %scatter3A_864 = tpu.memref_slice %arg7[%scatter3A_860, %scatter3A_861, %scatter3A_862, %scatter3A_863] : memref<4x8x8x129xf32, #tpu.memory_space<vmem>> -> memref<1x8x8x129xf32, #tpu.memory_space<vmem>>
        %scatter3A_865 = tpu.memref_squeeze %scatter3A_864 : memref<1x8x8x129xf32, #tpu.memory_space<vmem>> -> memref<8x8x129xf32, #tpu.memory_space<vmem>>
        tpu.vector_store_idx %scatter3A_865[%select_n3A, %rem3A_136, %add3A_851], %mul3A_859 : memref<8x8x129xf32, #tpu.memory_space<vmem>>[vector<16xi32>, vector<16xi32>, vector<16xi32>], vector<16xf32>,
        %get3A_866 = arith.constant 0 : i32
        %get3A_867 = arith.index_cast %get3A_866 : i32 to index
        %get3A_868 = arith.index_cast %add3A_848 : i32 to index
        %get3A_869 = arith.constant 16 : index
        %get3A_870 = tpu.vector_load %arg6[%get3A_867, %get3A_868, %get3A_869] {strides = array<i32>} : memref<4x128x128xf32, #tpu.memory_space<vmem>>, vector<16xf32>,
        %mul3A_871 = arith.constant 8.000000e+00 : f32
        %mul3A_872 = vector.broadcast %mul3A_871 : f32 to vector<16xf32>
        %mul3A_873 = arith.mulf %get3A_870, %mul3A_872 : vector<16xf32>
        %scatter3A_874 = arith.constant 0 : i32
        %scatter3A_875 = arith.constant 0 : i32
        %scatter3A_876 = arith.constant 0 : i32
        %scatter3A_877 = arith.constant 0 : i32
        %scatter3A_878 = tpu.memref_slice %arg7[%scatter3A_874, %scatter3A_875, %scatter3A_876, %scatter3A_877] : memref<4x8x8x129xf32, #tpu.memory_space<vmem>> -> memref<1x8x8x129xf32, #tpu.memory_space<vmem>>
        %scatter3A_879 = tpu.memref_squeeze %scatter3A_878 : memref<1x8x8x129xf32, #tpu.memory_space<vmem>> -> memref<8x8x129xf32, #tpu.memory_space<vmem>>
        tpu.vector_store_idx %scatter3A_879[%select_n3A_62, %rem3A_142, %add3A_851], %mul3A_873 : memref<8x8x129xf32, #tpu.memory_space<vmem>>[vector<16xi32>, vector<16xi32>, vector<16xi32>], vector<16xf32>,
        %get3A_880 = arith.constant 0 : i32
        %get3A_881 = arith.index_cast %get3A_880 : i32 to index
        %get3A_882 = arith.index_cast %add3A_848 : i32 to index
        %get3A_883 = arith.constant 32 : index
        %get3A_884 = tpu.vector_load %arg6[%get3A_881, %get3A_882, %get3A_883] {strides = array<i32>} : memref<4x128x128xf32, #tpu.memory_space<vmem>>, vector<16xf32>,
        %mul3A_885 = arith.constant 8.000000e+00 : f32
        %mul3A_886 = vector.broadcast %mul3A_885 : f32 to vector<16xf32>
        %mul3A_887 = arith.mulf %get3A_884, %mul3A_886 : vector<16xf32>
        %scatter3A_888 = arith.constant 0 : i32
        %scatter3A_889 = arith.constant 0 : i32
        %scatter3A_890 = arith.constant 0 : i32
        %scatter3A_891 = arith.constant 0 : i32
        %scatter3A_892 = tpu.memref_slice %arg7[%scatter3A_888, %scatter3A_889, %scatter3A_890, %scatter3A_891] : memref<4x8x8x129xf32, #tpu.memory_space<vmem>> -> memref<1x8x8x129xf32, #tpu.memory_space<vmem>>
        %scatter3A_893 = tpu.memref_squeeze %scatter3A_892 : memref<1x8x8x129xf32, #tpu.memory_space<vmem>> -> memref<8x8x129xf32, #tpu.memory_space<vmem>>
        tpu.vector_store_idx %scatter3A_893[%select_n3A_96, %rem3A_148, %add3A_851], %mul3A_887 : memref<8x8x129xf32, #tpu.memory_space<vmem>>[vector<16xi32>, vector<16xi32>, vector<16xi32>], vector<16xf32>,
        %get3A_894 = arith.constant 0 : i32
        %get3A_895 = arith.index_cast %get3A_894 : i32 to index
        %get3A_896 = arith.index_cast %add3A_848 : i32 to index
        %get3A_897 = arith.constant 48 : index
        %get3A_898 = tpu.vector_load %arg6[%get3A_895, %get3A_896, %get3A_897] {strides = array<i32>} : memref<4x128x128xf32, #tpu.memory_space<vmem>>, vector<16xf32>,
        %mul3A_899 = arith.constant 8.000000e+00 : f32
        %mul3A_900 = vector.broadcast %mul3A_899 : f32 to vector<16xf32>
        %mul3A_901 = arith.mulf %get3A_898, %mul3A_900 : vector<16xf32>
        %scatter3A_902 = arith.constant 0 : i32
        %scatter3A_903 = arith.constant 0 : i32
        %scatter3A_904 = arith.constant 0 : i32
        %scatter3A_905 = arith.constant 0 : i32
        %scatter3A_906 = tpu.memref_slice %arg7[%scatter3A_902, %scatter3A_903, %scatter3A_904, %scatter3A_905] : memref<4x8x8x129xf32, #tpu.memory_space<vmem>> -> memref<1x8x8x129xf32, #tpu.memory_space<vmem>>
        %scatter3A_907 = tpu.memref_squeeze %scatter3A_906 : memref<1x8x8x129xf32, #tpu.memory_space<vmem>> -> memref<8x8x129xf32, #tpu.memory_space<vmem>>
        tpu.vector_store_idx %scatter3A_907[%select_n3A_130, %rem3A_154, %add3A_851], %mul3A_901 : memref<8x8x129xf32, #tpu.memory_space<vmem>>[vector<16xi32>, vector<16xi32>, vector<16xi32>], vector<16xf32>,
      }
      %scan3A_418 = arith.constant 32 : i32
      %dma_start3A_419 = arith.constant 0 : i32
      %dma_start3A_420 = arith.constant 0 : i32
      %dma_start3A_421 = arith.constant 0 : i32
      %dma_start3A_422 = arith.constant 0 : i32
      %dma_start3A_423 = arith.constant 0 : i32
      %dma_start3A_424 = tpu.memref_slice %arg7[%dma_start3A_419, %dma_start3A_421, %dma_start3A_422, %dma_start3A_423] : memref<4x8x8x129xf32, #tpu.memory_space<vmem>> -> memref<1x8x8x128xf32, #tpu.memory_space<vmem>>
      %dma_start3A_425 = tpu.memref_squeeze %dma_start3A_424 : memref<1x8x8x128xf32, #tpu.memory_space<vmem>> -> memref<8x8x128xf32, #tpu.memory_space<vmem>>
      %dma_start3A_426 = arith.constant 0 : i32
      %dma_start3A_427 = arith.constant 0 : i32
      %dma_start3A_428 = arith.constant 0 : i32
      %dma_start3A_429 = tpu.memref_slice %arg4[%add3A_382, %dma_start3A_426, %add3A, %dma_start3A_427, %dma_start3A_428] : memref<200x8x32x8x128xf32, #tpu.memory_space<hbm>> -> memref<1x8x1x8x128xf32, #tpu.memory_space<hbm>>
      %dma_start3A_430 = tpu.memref_squeeze %dma_start3A_429 : memref<1x8x1x8x128xf32, #tpu.memory_space<hbm>> -> memref<8x8x128xf32, #tpu.memory_space<hbm>>
      %dma_start3A_431 = tpu.memref_slice %arg10[%dma_start3A_420] : memref<4x!tpu.dma_semaphore, #tpu.memory_space<semaphore_mem>> -> memref<1x!tpu.dma_semaphore, #tpu.memory_space<semaphore_mem>>
      %dma_start3A_432 = tpu.memref_squeeze %dma_start3A_431 : memref<1x!tpu.dma_semaphore, #tpu.memory_space<semaphore_mem>> -> memref<!tpu.dma_semaphore, #tpu.memory_space<semaphore_mem>>
      %dma_start3A_433 = arith.constant 0 : i32
      %dma_start3A_434 = arith.constant 0 : i32
      %dma_start3A_435 = arith.constant 0 : i32
      %dma_start3A_436 = tpu.memref_slice %arg4[%add3A_382, %dma_start3A_433, %add3A, %dma_start3A_434, %dma_start3A_435] : memref<200x8x32x8x128xf32, #tpu.memory_space<hbm>> -> memref<1x8x1x8x128xf32, #tpu.memory_space<hbm>>
      %dma_start3A_437 = tpu.memref_squeeze %dma_start3A_436 : memref<1x8x1x8x128xf32, #tpu.memory_space<hbm>> -> memref<8x8x128xf32, #tpu.memory_space<hbm>>
      %dma_start3A_438 = arith.constant 0 : i32
      %dma_start3A_439 = arith.constant 0 : i32
      %dma_start3A_440 = arith.constant 0 : i32
      %dma_start3A_441 = tpu.memref_slice %arg7[%dma_start3A_419, %dma_start3A_438, %dma_start3A_439, %dma_start3A_440] : memref<4x8x8x129xf32, #tpu.memory_space<vmem>> -> memref<1x8x8x128xf32, #tpu.memory_space<vmem>>
      %dma_start3A_442 = tpu.memref_squeeze %dma_start3A_441 : memref<1x8x8x128xf32, #tpu.memory_space<vmem>> -> memref<8x8x128xf32, #tpu.memory_space<vmem>>
      tpu.enqueue_dma source(%dma_start3A_442 : memref<8x8x128xf32, #tpu.memory_space<vmem>>) target(%dma_start3A_437 : memref<8x8x128xf32, #tpu.memory_space<hbm>>) target_semaphore(%dma_start3A_432 : memref<!tpu.dma_semaphore, #tpu.memory_space<semaphore_mem>>)
      %lt3A = arith.constant 49 : i32
      %lt3A_443 = arith.cmpi slt, %scan3A_378, %lt3A : i32
      %convert_element_type3A_444 = arith.extui %lt3A_443 : i1 to i32
      %cond3A_445 = arith.constant 0 : i32
      %cond3A_446 = arith.cmpi ne, %convert_element_type3A_444, %cond3A_445 : i32
      scf.if %cond3A_446 {
        %add3A_663 = arith.constant 4 : i32
        %add3A_664 = arith.addi %add3A_382, %add3A_663 : i32
        %dma_start3A_665 = arith.constant 0 : i32
        %dma_start3A_666 = arith.constant 0 : i32
        %dma_start3A_667 = arith.constant 0 : i32
        %dma_start3A_668 = arith.constant 0 : i32
        %dma_start3A_669 = tpu.memref_slice %arg6[%dma_start3A_665, %dma_start3A_667, %dma_start3A_668] : memref<4x128x128xf32, #tpu.memory_space<vmem>> -> memref<1x64x128xf32, #tpu.memory_space<vmem>>
        %dma_start3A_670 = tpu.memref_squeeze %dma_start3A_669 : memref<1x64x128xf32, #tpu.memory_space<vmem>> -> memref<64x128xf32, #tpu.memory_space<vmem>>
        %dma_start3A_671 = arith.constant 0 : i32
        %dma_start3A_672 = tpu.memref_slice %arg5[%add3A_664, %dma_start3A_671] : memref<200x128xi32, #tpu.memory_space<vmem>> -> memref<1x64xi32, #tpu.memory_space<vmem>>
        %dma_start3A_673 = tpu.memref_squeeze %dma_start3A_672 : memref<1x64xi32, #tpu.memory_space<vmem>> -> memref<64xi32, #tpu.memory_space<vmem>>
        %dma_start3A_674 = arith.constant 0 : i32
        %dma_start3A_675 = arith.constant 0 : i32
        %dma_start3A_676 = tpu.memref_slice %arg3[%dma_start3A_674, %dma_start3A_675] : memref<1000000x128xf32, #tpu.memory_space<hbm>> -> memref<1000000x128xf32, #tpu.memory_space<hbm>>
        %dma_start3A_677 = tpu.memref_slice %arg8[%dma_start3A_666] : memref<4x!tpu.dma_semaphore, #tpu.memory_space<semaphore_mem>> -> memref<1x!tpu.dma_semaphore, #tpu.memory_space<semaphore_mem>>
        %dma_start3A_678 = tpu.memref_squeeze %dma_start3A_677 : memref<1x!tpu.dma_semaphore, #tpu.memory_space<semaphore_mem>> -> memref<!tpu.dma_semaphore, #tpu.memory_space<semaphore_mem>>
        tpu.enqueue_indirect_dma source(%dma_start3A_676 : memref<1000000x128xf32, #tpu.memory_space<hbm>>) target(%dma_start3A_670 : memref<64x128xf32, #tpu.memory_space<vmem>>) offsets(%dma_start3A_673 : memref<64xi32, #tpu.memory_space<vmem>>) semaphore(%dma_start3A_678 : memref<!tpu.dma_semaphore, #tpu.memory_space<semaphore_mem>>)
        %dma_start3A_679 = arith.constant 0 : i32
        %dma_start3A_680 = arith.constant 0 : i32
        %dma_start3A_681 = arith.constant 64 : i32
        %dma_start3A_682 = arith.constant 0 : i32
        %dma_start3A_683 = tpu.memref_slice %arg6[%dma_start3A_679, %dma_start3A_681, %dma_start3A_682] : memref<4x128x128xf32, #tpu.memory_space<vmem>> -> memref<1x64x128xf32, #tpu.memory_space<vmem>>
        %dma_start3A_684 = tpu.memref_squeeze %dma_start3A_683 : memref<1x64x128xf32, #tpu.memory_space<vmem>> -> memref<64x128xf32, #tpu.memory_space<vmem>>
        %dma_start3A_685 = arith.constant 64 : i32
        %dma_start3A_686 = tpu.memref_slice %arg5[%add3A_664, %dma_start3A_685] : memref<200x128xi32, #tpu.memory_space<vmem>> -> memref<1x64xi32, #tpu.memory_space<vmem>>
        %dma_start3A_687 = tpu.memref_squeeze %dma_start3A_686 : memref<1x64xi32, #tpu.memory_space<vmem>> -> memref<64xi32, #tpu.memory_space<vmem>>
        %dma_start3A_688 = arith.constant 0 : i32
        %dma_start3A_689 = arith.constant 0 : i32
        %dma_start3A_690 = tpu.memref_slice %arg3[%dma_start3A_688, %dma_start3A_689] : memref<1000000x128xf32, #tpu.memory_space<hbm>> -> memref<1000000x128xf32, #tpu.memory_space<hbm>>
        %dma_start3A_691 = tpu.memref_slice %arg9[%dma_start3A_680] : memref<4x!tpu.dma_semaphore, #tpu.memory_space<semaphore_mem>> -> memref<1x!tpu.dma_semaphore, #tpu.memory_space<semaphore_mem>>
        %dma_start3A_692 = tpu.memref_squeeze %dma_start3A_691 : memref<1x!tpu.dma_semaphore, #tpu.memory_space<semaphore_mem>> -> memref<!tpu.dma_semaphore, #tpu.memory_space<semaphore_mem>>
        tpu.enqueue_indirect_dma source(%dma_start3A_690 : memref<1000000x128xf32, #tpu.memory_space<hbm>>) target(%dma_start3A_684 : memref<64x128xf32, #tpu.memory_space<vmem>>) offsets(%dma_start3A_687 : memref<64xi32, #tpu.memory_space<vmem>>) semaphore(%dma_start3A_692 : memref<!tpu.dma_semaphore, #tpu.memory_space<semaphore_mem>>)
      } else {
      }
      %mul3A_447 = arith.constant 4 : i32
      %mul3A_448 = arith.muli %scan3A_378, %mul3A_447 : i32
      %add3A_449 = arith.constant 1 : i32
      %add3A_450 = arith.addi %mul3A_448, %add3A_449 : i32
      %dma_wait3A_451 = arith.constant 1 : i32
      %dma_wait3A_452 = arith.constant 1 : i32
      %dma_wait3A_453 = arith.constant 0 : i32
      %dma_wait3A_454 = arith.constant 0 : i32
      %dma_wait3A_455 = tpu.memref_slice %arg6[%dma_wait3A_451, %dma_wait3A_453, %dma_wait3A_454] : memref<4x128x128xf32, #tpu.memory_space<vmem>> -> memref<1x64x128xf32, #tpu.memory_space<vmem>>
      %dma_wait3A_456 = tpu.memref_squeeze %dma_wait3A_455 : memref<1x64x128xf32, #tpu.memory_space<vmem>> -> memref<64x128xf32, #tpu.memory_space<vmem>>
      %dma_wait3A_457 = arith.constant 0 : i32
      %dma_wait3A_458 = tpu.memref_slice %arg5[%add3A_450, %dma_wait3A_457] : memref<200x128xi32, #tpu.memory_space<vmem>> -> memref<1x64xi32, #tpu.memory_space<vmem>>
      %dma_wait3A_459 = tpu.memref_squeeze %dma_wait3A_458 : memref<1x64xi32, #tpu.memory_space<vmem>> -> memref<64xi32, #tpu.memory_space<vmem>>
      %dma_wait3A_460 = arith.constant 0 : i32
      %dma_wait3A_461 = arith.constant 0 : i32
      %dma_wait3A_462 = tpu.memref_slice %arg3[%dma_wait3A_460, %dma_wait3A_461] : memref<1000000x128xf32, #tpu.memory_space<hbm>> -> memref<1000000x128xf32, #tpu.memory_space<hbm>>
      %dma_wait3A_463 = tpu.memref_slice %arg8[%dma_wait3A_452] : memref<4x!tpu.dma_semaphore, #tpu.memory_space<semaphore_mem>> -> memref<1x!tpu.dma_semaphore, #tpu.memory_space<semaphore_mem>>
      %dma_wait3A_464 = tpu.memref_squeeze %dma_wait3A_463 : memref<1x!tpu.dma_semaphore, #tpu.memory_space<semaphore_mem>> -> memref<!tpu.dma_semaphore, #tpu.memory_space<semaphore_mem>>
      tpu.wait_indirect_dma semaphore(%dma_wait3A_464 : memref<!tpu.dma_semaphore, #tpu.memory_space<semaphore_mem>>) src(%dma_wait3A_462 : memref<1000000x128xf32, #tpu.memory_space<hbm>>) dst(%dma_wait3A_456 : memref<64x128xf32, #tpu.memory_space<vmem>>)
      %dma_wait3A_465 = arith.constant 1 : i32
      %dma_wait3A_466 = arith.constant 1 : i32
      %dma_wait3A_467 = arith.constant 64 : i32
      %dma_wait3A_468 = arith.constant 0 : i32
      %dma_wait3A_469 = tpu.memref_slice %arg6[%dma_wait3A_465, %dma_wait3A_467, %dma_wait3A_468] : memref<4x128x128xf32, #tpu.memory_space<vmem>> -> memref<1x64x128xf32, #tpu.memory_space<vmem>>
      %dma_wait3A_470 = tpu.memref_squeeze %dma_wait3A_469 : memref<1x64x128xf32, #tpu.memory_space<vmem>> -> memref<64x128xf32, #tpu.memory_space<vmem>>
      %dma_wait3A_471 = arith.constant 64 : i32
      %dma_wait3A_472 = tpu.memref_slice %arg5[%add3A_450, %dma_wait3A_471] : memref<200x128xi32, #tpu.memory_space<vmem>> -> memref<1x64xi32, #tpu.memory_space<vmem>>
      %dma_wait3A_473 = tpu.memref_squeeze %dma_wait3A_472 : memref<1x64xi32, #tpu.memory_space<vmem>> -> memref<64xi32, #tpu.memory_space<vmem>>
      %dma_wait3A_474 = arith.constant 0 : i32
      %dma_wait3A_475 = arith.constant 0 : i32
      %dma_wait3A_476 = tpu.memref_slice %arg3[%dma_wait3A_474, %dma_wait3A_475] : memref<1000000x128xf32, #tpu.memory_space<hbm>> -> memref<1000000x128xf32, #tpu.memory_space<hbm>>
      %dma_wait3A_477 = tpu.memref_slice %arg9[%dma_wait3A_466] : memref<4x!tpu.dma_semaphore, #tpu.memory_space<semaphore_mem>> -> memref<1x!tpu.dma_semaphore, #tpu.memory_space<semaphore_mem>>
      %dma_wait3A_478 = tpu.memref_squeeze %dma_wait3A_477 : memref<1x!tpu.dma_semaphore, #tpu.memory_space<semaphore_mem>> -> memref<!tpu.dma_semaphore, #tpu.memory_space<semaphore_mem>>
      tpu.wait_indirect_dma semaphore(%dma_wait3A_478 : memref<!tpu.dma_semaphore, #tpu.memory_space<semaphore_mem>>) src(%dma_wait3A_476 : memref<1000000x128xf32, #tpu.memory_space<hbm>>) dst(%dma_wait3A_470 : memref<64x128xf32, #tpu.memory_space<vmem>>)
      %gt3A_479 = arith.constant 0 : i32
      %gt3A_480 = arith.cmpi sgt, %scan3A_378, %gt3A_479 : i32
      %convert_element_type3A_481 = arith.extui %gt3A_480 : i1 to i32
      %cond3A_482 = arith.constant 0 : i32
      %cond3A_483 = arith.cmpi ne, %convert_element_type3A_481, %cond3A_482 : i32
      scf.if %cond3A_483 {
        %sub3A_663 = arith.constant 4 : i32
        %sub3A_664 = arith.subi %add3A_450, %sub3A_663 : i32
        %dma_wait3A_665 = arith.constant 1 : i32
        %dma_wait3A_666 = arith.constant 1 : i32
        %dma_wait3A_667 = arith.constant 0 : i32
        %dma_wait3A_668 = arith.constant 0 : i32
        %dma_wait3A_669 = arith.constant 0 : i32
        %dma_wait3A_670 = tpu.memref_slice %arg7[%dma_wait3A_665, %dma_wait3A_667, %dma_wait3A_668, %dma_wait3A_669] : memref<4x8x8x129xf32, #tpu.memory_space<vmem>> -> memref<1x8x8x128xf32, #tpu.memory_space<vmem>>
        %dma_wait3A_671 = tpu.memref_squeeze %dma_wait3A_670 : memref<1x8x8x128xf32, #tpu.memory_space<vmem>> -> memref<8x8x128xf32, #tpu.memory_space<vmem>>
        %dma_wait3A_672 = arith.constant 0 : i32
        %dma_wait3A_673 = arith.constant 0 : i32
        %dma_wait3A_674 = arith.constant 0 : i32
        %dma_wait3A_675 = tpu.memref_slice %arg4[%sub3A_664, %dma_wait3A_672, %add3A, %dma_wait3A_673, %dma_wait3A_674] : memref<200x8x32x8x128xf32, #tpu.memory_space<hbm>> -> memref<1x8x1x8x128xf32, #tpu.memory_space<hbm>>
        %dma_wait3A_676 = tpu.memref_squeeze %dma_wait3A_675 : memref<1x8x1x8x128xf32, #tpu.memory_space<hbm>> -> memref<8x8x128xf32, #tpu.memory_space<hbm>>
        %dma_wait3A_677 = tpu.memref_slice %arg10[%dma_wait3A_666] : memref<4x!tpu.dma_semaphore, #tpu.memory_space<semaphore_mem>> -> memref<1x!tpu.dma_semaphore, #tpu.memory_space<semaphore_mem>>
        %dma_wait3A_678 = tpu.memref_squeeze %dma_wait3A_677 : memref<1x!tpu.dma_semaphore, #tpu.memory_space<semaphore_mem>> -> memref<!tpu.dma_semaphore, #tpu.memory_space<semaphore_mem>>
        %dma_wait3A_679 = arith.constant 0 : i32
        %dma_wait3A_680 = arith.constant 0 : i32
        %dma_wait3A_681 = arith.constant 0 : i32
        %dma_wait3A_682 = tpu.memref_slice %arg4[%sub3A_664, %dma_wait3A_679, %add3A, %dma_wait3A_680, %dma_wait3A_681] : memref<200x8x32x8x128xf32, #tpu.memory_space<hbm>> -> memref<1x8x1x8x128xf32, #tpu.memory_space<hbm>>
        %dma_wait3A_683 = tpu.memref_squeeze %dma_wait3A_682 : memref<1x8x1x8x128xf32, #tpu.memory_space<hbm>> -> memref<8x8x128xf32, #tpu.memory_space<hbm>>
        %dma_wait3A_684 = arith.constant 0 : i32
        %dma_wait3A_685 = arith.constant 0 : i32
        %dma_wait3A_686 = arith.constant 0 : i32
        %dma_wait3A_687 = tpu.memref_slice %arg7[%dma_wait3A_665, %dma_wait3A_684, %dma_wait3A_685, %dma_wait3A_686] : memref<4x8x8x129xf32, #tpu.memory_space<vmem>> -> memref<1x8x8x128xf32, #tpu.memory_space<vmem>>
        %dma_wait3A_688 = tpu.memref_squeeze %dma_wait3A_687 : memref<1x8x8x128xf32, #tpu.memory_space<vmem>> -> memref<8x8x128xf32, #tpu.memory_space<vmem>>
        tpu.wait_dma2 semaphore(%dma_wait3A_678 : memref<!tpu.dma_semaphore, #tpu.memory_space<semaphore_mem>>) src(%dma_wait3A_688 : memref<8x8x128xf32, #tpu.memory_space<vmem>>) dst(%dma_wait3A_683 : memref<8x8x128xf32, #tpu.memory_space<hbm>>)
      } else {
      }
      %scan3A_484 = arith.constant 0 : i32
      %scan3A_485 = arith.constant 0 : i32
      %scan3A_486 = arith.constant 32 : i32
      %scan3A_487 = arith.addi %scan3A_485, %scan3A_486 : i32
      %scan3A_488 = arith.constant 1 : i32
      scf.for %scan3A_663 = %scan3A_485 to %scan3A_487 step %scan3A_488  : i32 {
        %mul3A_664 = arith.constant 4 : i32
        %mul3A_665 = arith.muli %scan3A_663, %mul3A_664 : i32
        %broadcast_in_dim3A = vector.broadcast %mul3A_665 : i32 to vector<16xi32>
        %add3A_666 = arith.constant 0 : i32
        %add3A_667 = arith.addi %mul3A_665, %add3A_666 : i32
        %add3A_668 = arith.constant 0 : i32
        %add3A_669 = vector.broadcast %add3A_668 : i32 to vector<16xi32>
        %add3A_670 = arith.addi %broadcast_in_dim3A, %add3A_669 : vector<16xi32>
        %get3A = arith.constant 1 : i32
        %get3A_671 = arith.index_cast %get3A : i32 to index
        %get3A_672 = arith.index_cast %add3A_667 : i32 to index
        %get3A_673 = arith.constant 0 : index
        %get3A_674 = tpu.vector_load %arg6[%get3A_671, %get3A_672, %get3A_673] {strides = array<i32>} : memref<4x128x128xf32, #tpu.memory_space<vmem>>, vector<16xf32>,
        %mul3A_675 = arith.constant 8.000000e+00 : f32
        %mul3A_676 = vector.broadcast %mul3A_675 : f32 to vector<16xf32>
        %mul3A_677 = arith.mulf %get3A_674, %mul3A_676 : vector<16xf32>
        %scatter3A = arith.constant 1 : i32
        %scatter3A_678 = arith.constant 0 : i32
        %scatter3A_679 = arith.constant 0 : i32
        %scatter3A_680 = arith.constant 0 : i32
        %scatter3A_681 = tpu.memref_slice %arg7[%scatter3A, %scatter3A_678, %scatter3A_679, %scatter3A_680] : memref<4x8x8x129xf32, #tpu.memory_space<vmem>> -> memref<1x8x8x129xf32, #tpu.memory_space<vmem>>
        %scatter3A_682 = tpu.memref_squeeze %scatter3A_681 : memref<1x8x8x129xf32, #tpu.memory_space<vmem>> -> memref<8x8x129xf32, #tpu.memory_space<vmem>>
        tpu.vector_store_idx %scatter3A_682[%select_n3A, %rem3A_136, %add3A_670], %mul3A_677 : memref<8x8x129xf32, #tpu.memory_space<vmem>>[vector<16xi32>, vector<16xi32>, vector<16xi32>], vector<16xf32>,
        %get3A_683 = arith.constant 1 : i32
        %get3A_684 = arith.index_cast %get3A_683 : i32 to index
        %get3A_685 = arith.index_cast %add3A_667 : i32 to index
        %get3A_686 = arith.constant 16 : index
        %get3A_687 = tpu.vector_load %arg6[%get3A_684, %get3A_685, %get3A_686] {strides = array<i32>} : memref<4x128x128xf32, #tpu.memory_space<vmem>>, vector<16xf32>,
        %mul3A_688 = arith.constant 8.000000e+00 : f32
        %mul3A_689 = vector.broadcast %mul3A_688 : f32 to vector<16xf32>
        %mul3A_690 = arith.mulf %get3A_687, %mul3A_689 : vector<16xf32>
        %scatter3A_691 = arith.constant 1 : i32
        %scatter3A_692 = arith.constant 0 : i32
        %scatter3A_693 = arith.constant 0 : i32
        %scatter3A_694 = arith.constant 0 : i32
        %scatter3A_695 = tpu.memref_slice %arg7[%scatter3A_691, %scatter3A_692, %scatter3A_693, %scatter3A_694] : memref<4x8x8x129xf32, #tpu.memory_space<vmem>> -> memref<1x8x8x129xf32, #tpu.memory_space<vmem>>
        %scatter3A_696 = tpu.memref_squeeze %scatter3A_695 : memref<1x8x8x129xf32, #tpu.memory_space<vmem>> -> memref<8x8x129xf32, #tpu.memory_space<vmem>>
        tpu.vector_store_idx %scatter3A_696[%select_n3A_62, %rem3A_142, %add3A_670], %mul3A_690 : memref<8x8x129xf32, #tpu.memory_space<vmem>>[vector<16xi32>, vector<16xi32>, vector<16xi32>], vector<16xf32>,
        %get3A_697 = arith.constant 1 : i32
        %get3A_698 = arith.index_cast %get3A_697 : i32 to index
        %get3A_699 = arith.index_cast %add3A_667 : i32 to index
        %get3A_700 = arith.constant 32 : index
        %get3A_701 = tpu.vector_load %arg6[%get3A_698, %get3A_699, %get3A_700] {strides = array<i32>} : memref<4x128x128xf32, #tpu.memory_space<vmem>>, vector<16xf32>,
        %mul3A_702 = arith.constant 8.000000e+00 : f32
        %mul3A_703 = vector.broadcast %mul3A_702 : f32 to vector<16xf32>
        %mul3A_704 = arith.mulf %get3A_701, %mul3A_703 : vector<16xf32>
        %scatter3A_705 = arith.constant 1 : i32
        %scatter3A_706 = arith.constant 0 : i32
        %scatter3A_707 = arith.constant 0 : i32
        %scatter3A_708 = arith.constant 0 : i32
        %scatter3A_709 = tpu.memref_slice %arg7[%scatter3A_705, %scatter3A_706, %scatter3A_707, %scatter3A_708] : memref<4x8x8x129xf32, #tpu.memory_space<vmem>> -> memref<1x8x8x129xf32, #tpu.memory_space<vmem>>
        %scatter3A_710 = tpu.memref_squeeze %scatter3A_709 : memref<1x8x8x129xf32, #tpu.memory_space<vmem>> -> memref<8x8x129xf32, #tpu.memory_space<vmem>>
        tpu.vector_store_idx %scatter3A_710[%select_n3A_96, %rem3A_148, %add3A_670], %mul3A_704 : memref<8x8x129xf32, #tpu.memory_space<vmem>>[vector<16xi32>, vector<16xi32>, vector<16xi32>], vector<16xf32>,
        %get3A_711 = arith.constant 1 : i32
        %get3A_712 = arith.index_cast %get3A_711 : i32 to index
        %get3A_713 = arith.index_cast %add3A_667 : i32 to index
        %get3A_714 = arith.constant 48 : index
        %get3A_715 = tpu.vector_load %arg6[%get3A_712, %get3A_713, %get3A_714] {strides = array<i32>} : memref<4x128x128xf32, #tpu.memory_space<vmem>>, vector<16xf32>,
        %mul3A_716 = arith.constant 8.000000e+00 : f32
        %mul3A_717 = vector.broadcast %mul3A_716 : f32 to vector<16xf32>
        %mul3A_718 = arith.mulf %get3A_715, %mul3A_717 : vector<16xf32>
        %scatter3A_719 = arith.constant 1 : i32
        %scatter3A_720 = arith.constant 0 : i32
        %scatter3A_721 = arith.constant 0 : i32
        %scatter3A_722 = arith.constant 0 : i32
        %scatter3A_723 = tpu.memref_slice %arg7[%scatter3A_719, %scatter3A_720, %scatter3A_721, %scatter3A_722] : memref<4x8x8x129xf32, #tpu.memory_space<vmem>> -> memref<1x8x8x129xf32, #tpu.memory_space<vmem>>
        %scatter3A_724 = tpu.memref_squeeze %scatter3A_723 : memref<1x8x8x129xf32, #tpu.memory_space<vmem>> -> memref<8x8x129xf32, #tpu.memory_space<vmem>>
        tpu.vector_store_idx %scatter3A_724[%select_n3A_130, %rem3A_154, %add3A_670], %mul3A_718 : memref<8x8x129xf32, #tpu.memory_space<vmem>>[vector<16xi32>, vector<16xi32>, vector<16xi32>], vector<16xf32>,
        %add3A_725 = arith.constant 1 : i32
        %add3A_726 = arith.addi %mul3A_665, %add3A_725 : i32
        %add3A_727 = arith.constant 1 : i32
        %add3A_728 = vector.broadcast %add3A_727 : i32 to vector<16xi32>
        %add3A_729 = arith.addi %broadcast_in_dim3A, %add3A_728 : vector<16xi32>
        %get3A_730 = arith.constant 1 : i32
        %get3A_731 = arith.index_cast %get3A_730 : i32 to index
        %get3A_732 = arith.index_cast %add3A_726 : i32 to index
        %get3A_733 = arith.constant 0 : index
        %get3A_734 = tpu.vector_load %arg6[%get3A_731, %get3A_732, %get3A_733] {strides = array<i32>} : memref<4x128x128xf32, #tpu.memory_space<vmem>>, vector<16xf32>,
        %mul3A_735 = arith.constant 8.000000e+00 : f32
        %mul3A_736 = vector.broadcast %mul3A_735 : f32 to vector<16xf32>
        %mul3A_737 = arith.mulf %get3A_734, %mul3A_736 : vector<16xf32>
        %scatter3A_738 = arith.constant 1 : i32
        %scatter3A_739 = arith.constant 0 : i32
        %scatter3A_740 = arith.constant 0 : i32
        %scatter3A_741 = arith.constant 0 : i32
        %scatter3A_742 = tpu.memref_slice %arg7[%scatter3A_738, %scatter3A_739, %scatter3A_740, %scatter3A_741] : memref<4x8x8x129xf32, #tpu.memory_space<vmem>> -> memref<1x8x8x129xf32, #tpu.memory_space<vmem>>
        %scatter3A_743 = tpu.memref_squeeze %scatter3A_742 : memref<1x8x8x129xf32, #tpu.memory_space<vmem>> -> memref<8x8x129xf32, #tpu.memory_space<vmem>>
        tpu.vector_store_idx %scatter3A_743[%select_n3A, %rem3A_136, %add3A_729], %mul3A_737 : memref<8x8x129xf32, #tpu.memory_space<vmem>>[vector<16xi32>, vector<16xi32>, vector<16xi32>], vector<16xf32>,
        %get3A_744 = arith.constant 1 : i32
        %get3A_745 = arith.index_cast %get3A_744 : i32 to index
        %get3A_746 = arith.index_cast %add3A_726 : i32 to index
        %get3A_747 = arith.constant 16 : index
        %get3A_748 = tpu.vector_load %arg6[%get3A_745, %get3A_746, %get3A_747] {strides = array<i32>} : memref<4x128x128xf32, #tpu.memory_space<vmem>>, vector<16xf32>,
        %mul3A_749 = arith.constant 8.000000e+00 : f32
        %mul3A_750 = vector.broadcast %mul3A_749 : f32 to vector<16xf32>
        %mul3A_751 = arith.mulf %get3A_748, %mul3A_750 : vector<16xf32>
        %scatter3A_752 = arith.constant 1 : i32
        %scatter3A_753 = arith.constant 0 : i32
        %scatter3A_754 = arith.constant 0 : i32
        %scatter3A_755 = arith.constant 0 : i32
        %scatter3A_756 = tpu.memref_slice %arg7[%scatter3A_752, %scatter3A_753, %scatter3A_754, %scatter3A_755] : memref<4x8x8x129xf32, #tpu.memory_space<vmem>> -> memref<1x8x8x129xf32, #tpu.memory_space<vmem>>
        %scatter3A_757 = tpu.memref_squeeze %scatter3A_756 : memref<1x8x8x129xf32, #tpu.memory_space<vmem>> -> memref<8x8x129xf32, #tpu.memory_space<vmem>>
        tpu.vector_store_idx %scatter3A_757[%select_n3A_62, %rem3A_142, %add3A_729], %mul3A_751 : memref<8x8x129xf32, #tpu.memory_space<vmem>>[vector<16xi32>, vector<16xi32>, vector<16xi32>], vector<16xf32>,
        %get3A_758 = arith.constant 1 : i32
        %get3A_759 = arith.index_cast %get3A_758 : i32 to index
        %get3A_760 = arith.index_cast %add3A_726 : i32 to index
        %get3A_761 = arith.constant 32 : index
        %get3A_762 = tpu.vector_load %arg6[%get3A_759, %get3A_760, %get3A_761] {strides = array<i32>} : memref<4x128x128xf32, #tpu.memory_space<vmem>>, vector<16xf32>,
        %mul3A_763 = arith.constant 8.000000e+00 : f32
        %mul3A_764 = vector.broadcast %mul3A_763 : f32 to vector<16xf32>
        %mul3A_765 = arith.mulf %get3A_762, %mul3A_764 : vector<16xf32>
        %scatter3A_766 = arith.constant 1 : i32
        %scatter3A_767 = arith.constant 0 : i32
        %scatter3A_768 = arith.constant 0 : i32
        %scatter3A_769 = arith.constant 0 : i32
        %scatter3A_770 = tpu.memref_slice %arg7[%scatter3A_766, %scatter3A_767, %scatter3A_768, %scatter3A_769] : memref<4x8x8x129xf32, #tpu.memory_space<vmem>> -> memref<1x8x8x129xf32, #tpu.memory_space<vmem>>
        %scatter3A_771 = tpu.memref_squeeze %scatter3A_770 : memref<1x8x8x129xf32, #tpu.memory_space<vmem>> -> memref<8x8x129xf32, #tpu.memory_space<vmem>>
        tpu.vector_store_idx %scatter3A_771[%select_n3A_96, %rem3A_148, %add3A_729], %mul3A_765 : memref<8x8x129xf32, #tpu.memory_space<vmem>>[vector<16xi32>, vector<16xi32>, vector<16xi32>], vector<16xf32>,
        %get3A_772 = arith.constant 1 : i32
        %get3A_773 = arith.index_cast %get3A_772 : i32 to index
        %get3A_774 = arith.index_cast %add3A_726 : i32 to index
        %get3A_775 = arith.constant 48 : index
        %get3A_776 = tpu.vector_load %arg6[%get3A_773, %get3A_774, %get3A_775] {strides = array<i32>} : memref<4x128x128xf32, #tpu.memory_space<vmem>>, vector<16xf32>,
        %mul3A_777 = arith.constant 8.000000e+00 : f32
        %mul3A_778 = vector.broadcast %mul3A_777 : f32 to vector<16xf32>
        %mul3A_779 = arith.mulf %get3A_776, %mul3A_778 : vector<16xf32>
        %scatter3A_780 = arith.constant 1 : i32
        %scatter3A_781 = arith.constant 0 : i32
        %scatter3A_782 = arith.constant 0 : i32
        %scatter3A_783 = arith.constant 0 : i32
        %scatter3A_784 = tpu.memref_slice %arg7[%scatter3A_780, %scatter3A_781, %scatter3A_782, %scatter3A_783] : memref<4x8x8x129xf32, #tpu.memory_space<vmem>> -> memref<1x8x8x129xf32, #tpu.memory_space<vmem>>
        %scatter3A_785 = tpu.memref_squeeze %scatter3A_784 : memref<1x8x8x129xf32, #tpu.memory_space<vmem>> -> memref<8x8x129xf32, #tpu.memory_space<vmem>>
        tpu.vector_store_idx %scatter3A_785[%select_n3A_130, %rem3A_154, %add3A_729], %mul3A_779 : memref<8x8x129xf32, #tpu.memory_space<vmem>>[vector<16xi32>, vector<16xi32>, vector<16xi32>], vector<16xf32>,
        %add3A_786 = arith.constant 2 : i32
        %add3A_787 = arith.addi %mul3A_665, %add3A_786 : i32
        %add3A_788 = arith.constant 2 : i32
        %add3A_789 = vector.broadcast %add3A_788 : i32 to vector<16xi32>
        %add3A_790 = arith.addi %broadcast_in_dim3A, %add3A_789 : vector<16xi32>
        %get3A_791 = arith.constant 1 : i32
        %get3A_792 = arith.index_cast %get3A_791 : i32 to index
        %get3A_793 = arith.index_cast %add3A_787 : i32 to index
        %get3A_794 = arith.constant 0 : index
        %get3A_795 = tpu.vector_load %arg6[%get3A_792, %get3A_793, %get3A_794] {strides = array<i32>} : memref<4x128x128xf32, #tpu.memory_space<vmem>>, vector<16xf32>,
        %mul3A_796 = arith.constant 8.000000e+00 : f32
        %mul3A_797 = vector.broadcast %mul3A_796 : f32 to vector<16xf32>
        %mul3A_798 = arith.mulf %get3A_795, %mul3A_797 : vector<16xf32>
        %scatter3A_799 = arith.constant 1 : i32
        %scatter3A_800 = arith.constant 0 : i32
        %scatter3A_801 = arith.constant 0 : i32
        %scatter3A_802 = arith.constant 0 : i32
        %scatter3A_803 = tpu.memref_slice %arg7[%scatter3A_799, %scatter3A_800, %scatter3A_801, %scatter3A_802] : memref<4x8x8x129xf32, #tpu.memory_space<vmem>> -> memref<1x8x8x129xf32, #tpu.memory_space<vmem>>
        %scatter3A_804 = tpu.memref_squeeze %scatter3A_803 : memref<1x8x8x129xf32, #tpu.memory_space<vmem>> -> memref<8x8x129xf32, #tpu.memory_space<vmem>>
        tpu.vector_store_idx %scatter3A_804[%select_n3A, %rem3A_136, %add3A_790], %mul3A_798 : memref<8x8x129xf32, #tpu.memory_space<vmem>>[vector<16xi32>, vector<16xi32>, vector<16xi32>], vector<16xf32>,
        %get3A_805 = arith.constant 1 : i32
        %get3A_806 = arith.index_cast %get3A_805 : i32 to index
        %get3A_807 = arith.index_cast %add3A_787 : i32 to index
        %get3A_808 = arith.constant 16 : index
        %get3A_809 = tpu.vector_load %arg6[%get3A_806, %get3A_807, %get3A_808] {strides = array<i32>} : memref<4x128x128xf32, #tpu.memory_space<vmem>>, vector<16xf32>,
        %mul3A_810 = arith.constant 8.000000e+00 : f32
        %mul3A_811 = vector.broadcast %mul3A_810 : f32 to vector<16xf32>
        %mul3A_812 = arith.mulf %get3A_809, %mul3A_811 : vector<16xf32>
        %scatter3A_813 = arith.constant 1 : i32
        %scatter3A_814 = arith.constant 0 : i32
        %scatter3A_815 = arith.constant 0 : i32
        %scatter3A_816 = arith.constant 0 : i32
        %scatter3A_817 = tpu.memref_slice %arg7[%scatter3A_813, %scatter3A_814, %scatter3A_815, %scatter3A_816] : memref<4x8x8x129xf32, #tpu.memory_space<vmem>> -> memref<1x8x8x129xf32, #tpu.memory_space<vmem>>
        %scatter3A_818 = tpu.memref_squeeze %scatter3A_817 : memref<1x8x8x129xf32, #tpu.memory_space<vmem>> -> memref<8x8x129xf32, #tpu.memory_space<vmem>>
        tpu.vector_store_idx %scatter3A_818[%select_n3A_62, %rem3A_142, %add3A_790], %mul3A_812 : memref<8x8x129xf32, #tpu.memory_space<vmem>>[vector<16xi32>, vector<16xi32>, vector<16xi32>], vector<16xf32>,
        %get3A_819 = arith.constant 1 : i32
        %get3A_820 = arith.index_cast %get3A_819 : i32 to index
        %get3A_821 = arith.index_cast %add3A_787 : i32 to index
        %get3A_822 = arith.constant 32 : index
        %get3A_823 = tpu.vector_load %arg6[%get3A_820, %get3A_821, %get3A_822] {strides = array<i32>} : memref<4x128x128xf32, #tpu.memory_space<vmem>>, vector<16xf32>,
        %mul3A_824 = arith.constant 8.000000e+00 : f32
        %mul3A_825 = vector.broadcast %mul3A_824 : f32 to vector<16xf32>
        %mul3A_826 = arith.mulf %get3A_823, %mul3A_825 : vector<16xf32>
        %scatter3A_827 = arith.constant 1 : i32
        %scatter3A_828 = arith.constant 0 : i32
        %scatter3A_829 = arith.constant 0 : i32
        %scatter3A_830 = arith.constant 0 : i32
        %scatter3A_831 = tpu.memref_slice %arg7[%scatter3A_827, %scatter3A_828, %scatter3A_829, %scatter3A_830] : memref<4x8x8x129xf32, #tpu.memory_space<vmem>> -> memref<1x8x8x129xf32, #tpu.memory_space<vmem>>
        %scatter3A_832 = tpu.memref_squeeze %scatter3A_831 : memref<1x8x8x129xf32, #tpu.memory_space<vmem>> -> memref<8x8x129xf32, #tpu.memory_space<vmem>>
        tpu.vector_store_idx %scatter3A_832[%select_n3A_96, %rem3A_148, %add3A_790], %mul3A_826 : memref<8x8x129xf32, #tpu.memory_space<vmem>>[vector<16xi32>, vector<16xi32>, vector<16xi32>], vector<16xf32>,
        %get3A_833 = arith.constant 1 : i32
        %get3A_834 = arith.index_cast %get3A_833 : i32 to index
        %get3A_835 = arith.index_cast %add3A_787 : i32 to index
        %get3A_836 = arith.constant 48 : index
        %get3A_837 = tpu.vector_load %arg6[%get3A_834, %get3A_835, %get3A_836] {strides = array<i32>} : memref<4x128x128xf32, #tpu.memory_space<vmem>>, vector<16xf32>,
        %mul3A_838 = arith.constant 8.000000e+00 : f32
        %mul3A_839 = vector.broadcast %mul3A_838 : f32 to vector<16xf32>
        %mul3A_840 = arith.mulf %get3A_837, %mul3A_839 : vector<16xf32>
        %scatter3A_841 = arith.constant 1 : i32
        %scatter3A_842 = arith.constant 0 : i32
        %scatter3A_843 = arith.constant 0 : i32
        %scatter3A_844 = arith.constant 0 : i32
        %scatter3A_845 = tpu.memref_slice %arg7[%scatter3A_841, %scatter3A_842, %scatter3A_843, %scatter3A_844] : memref<4x8x8x129xf32, #tpu.memory_space<vmem>> -> memref<1x8x8x129xf32, #tpu.memory_space<vmem>>
        %scatter3A_846 = tpu.memref_squeeze %scatter3A_845 : memref<1x8x8x129xf32, #tpu.memory_space<vmem>> -> memref<8x8x129xf32, #tpu.memory_space<vmem>>
        tpu.vector_store_idx %scatter3A_846[%select_n3A_130, %rem3A_154, %add3A_790], %mul3A_840 : memref<8x8x129xf32, #tpu.memory_space<vmem>>[vector<16xi32>, vector<16xi32>, vector<16xi32>], vector<16xf32>,
        %add3A_847 = arith.constant 3 : i32
        %add3A_848 = arith.addi %mul3A_665, %add3A_847 : i32
        %add3A_849 = arith.constant 3 : i32
        %add3A_850 = vector.broadcast %add3A_849 : i32 to vector<16xi32>
        %add3A_851 = arith.addi %broadcast_in_dim3A, %add3A_850 : vector<16xi32>
        %get3A_852 = arith.constant 1 : i32
        %get3A_853 = arith.index_cast %get3A_852 : i32 to index
        %get3A_854 = arith.index_cast %add3A_848 : i32 to index
        %get3A_855 = arith.constant 0 : index
        %get3A_856 = tpu.vector_load %arg6[%get3A_853, %get3A_854, %get3A_855] {strides = array<i32>} : memref<4x128x128xf32, #tpu.memory_space<vmem>>, vector<16xf32>,
        %mul3A_857 = arith.constant 8.000000e+00 : f32
        %mul3A_858 = vector.broadcast %mul3A_857 : f32 to vector<16xf32>
        %mul3A_859 = arith.mulf %get3A_856, %mul3A_858 : vector<16xf32>
        %scatter3A_860 = arith.constant 1 : i32
        %scatter3A_861 = arith.constant 0 : i32
        %scatter3A_862 = arith.constant 0 : i32
        %scatter3A_863 = arith.constant 0 : i32
        %scatter3A_864 = tpu.memref_slice %arg7[%scatter3A_860, %scatter3A_861, %scatter3A_862, %scatter3A_863] : memref<4x8x8x129xf32, #tpu.memory_space<vmem>> -> memref<1x8x8x129xf32, #tpu.memory_space<vmem>>
        %scatter3A_865 = tpu.memref_squeeze %scatter3A_864 : memref<1x8x8x129xf32, #tpu.memory_space<vmem>> -> memref<8x8x129xf32, #tpu.memory_space<vmem>>
        tpu.vector_store_idx %scatter3A_865[%select_n3A, %rem3A_136, %add3A_851], %mul3A_859 : memref<8x8x129xf32, #tpu.memory_space<vmem>>[vector<16xi32>, vector<16xi32>, vector<16xi32>], vector<16xf32>,
        %get3A_866 = arith.constant 1 : i32
        %get3A_867 = arith.index_cast %get3A_866 : i32 to index
        %get3A_868 = arith.index_cast %add3A_848 : i32 to index
        %get3A_869 = arith.constant 16 : index
        %get3A_870 = tpu.vector_load %arg6[%get3A_867, %get3A_868, %get3A_869] {strides = array<i32>} : memref<4x128x128xf32, #tpu.memory_space<vmem>>, vector<16xf32>,
        %mul3A_871 = arith.constant 8.000000e+00 : f32
        %mul3A_872 = vector.broadcast %mul3A_871 : f32 to vector<16xf32>
        %mul3A_873 = arith.mulf %get3A_870, %mul3A_872 : vector<16xf32>
        %scatter3A_874 = arith.constant 1 : i32
        %scatter3A_875 = arith.constant 0 : i32
        %scatter3A_876 = arith.constant 0 : i32
        %scatter3A_877 = arith.constant 0 : i32
        %scatter3A_878 = tpu.memref_slice %arg7[%scatter3A_874, %scatter3A_875, %scatter3A_876, %scatter3A_877] : memref<4x8x8x129xf32, #tpu.memory_space<vmem>> -> memref<1x8x8x129xf32, #tpu.memory_space<vmem>>
        %scatter3A_879 = tpu.memref_squeeze %scatter3A_878 : memref<1x8x8x129xf32, #tpu.memory_space<vmem>> -> memref<8x8x129xf32, #tpu.memory_space<vmem>>
        tpu.vector_store_idx %scatter3A_879[%select_n3A_62, %rem3A_142, %add3A_851], %mul3A_873 : memref<8x8x129xf32, #tpu.memory_space<vmem>>[vector<16xi32>, vector<16xi32>, vector<16xi32>], vector<16xf32>,
        %get3A_880 = arith.constant 1 : i32
        %get3A_881 = arith.index_cast %get3A_880 : i32 to index
        %get3A_882 = arith.index_cast %add3A_848 : i32 to index
        %get3A_883 = arith.constant 32 : index
        %get3A_884 = tpu.vector_load %arg6[%get3A_881, %get3A_882, %get3A_883] {strides = array<i32>} : memref<4x128x128xf32, #tpu.memory_space<vmem>>, vector<16xf32>,
        %mul3A_885 = arith.constant 8.000000e+00 : f32
        %mul3A_886 = vector.broadcast %mul3A_885 : f32 to vector<16xf32>
        %mul3A_887 = arith.mulf %get3A_884, %mul3A_886 : vector<16xf32>
        %scatter3A_888 = arith.constant 1 : i32
        %scatter3A_889 = arith.constant 0 : i32
        %scatter3A_890 = arith.constant 0 : i32
        %scatter3A_891 = arith.constant 0 : i32
        %scatter3A_892 = tpu.memref_slice %arg7[%scatter3A_888, %scatter3A_889, %scatter3A_890, %scatter3A_891] : memref<4x8x8x129xf32, #tpu.memory_space<vmem>> -> memref<1x8x8x129xf32, #tpu.memory_space<vmem>>
        %scatter3A_893 = tpu.memref_squeeze %scatter3A_892 : memref<1x8x8x129xf32, #tpu.memory_space<vmem>> -> memref<8x8x129xf32, #tpu.memory_space<vmem>>
        tpu.vector_store_idx %scatter3A_893[%select_n3A_96, %rem3A_148, %add3A_851], %mul3A_887 : memref<8x8x129xf32, #tpu.memory_space<vmem>>[vector<16xi32>, vector<16xi32>, vector<16xi32>], vector<16xf32>,
        %get3A_894 = arith.constant 1 : i32
        %get3A_895 = arith.index_cast %get3A_894 : i32 to index
        %get3A_896 = arith.index_cast %add3A_848 : i32 to index
        %get3A_897 = arith.constant 48 : index
        %get3A_898 = tpu.vector_load %arg6[%get3A_895, %get3A_896, %get3A_897] {strides = array<i32>} : memref<4x128x128xf32, #tpu.memory_space<vmem>>, vector<16xf32>,
        %mul3A_899 = arith.constant 8.000000e+00 : f32
        %mul3A_900 = vector.broadcast %mul3A_899 : f32 to vector<16xf32>
        %mul3A_901 = arith.mulf %get3A_898, %mul3A_900 : vector<16xf32>
        %scatter3A_902 = arith.constant 1 : i32
        %scatter3A_903 = arith.constant 0 : i32
        %scatter3A_904 = arith.constant 0 : i32
        %scatter3A_905 = arith.constant 0 : i32
        %scatter3A_906 = tpu.memref_slice %arg7[%scatter3A_902, %scatter3A_903, %scatter3A_904, %scatter3A_905] : memref<4x8x8x129xf32, #tpu.memory_space<vmem>> -> memref<1x8x8x129xf32, #tpu.memory_space<vmem>>
        %scatter3A_907 = tpu.memref_squeeze %scatter3A_906 : memref<1x8x8x129xf32, #tpu.memory_space<vmem>> -> memref<8x8x129xf32, #tpu.memory_space<vmem>>
        tpu.vector_store_idx %scatter3A_907[%select_n3A_130, %rem3A_154, %add3A_851], %mul3A_901 : memref<8x8x129xf32, #tpu.memory_space<vmem>>[vector<16xi32>, vector<16xi32>, vector<16xi32>], vector<16xf32>,
      }
      %scan3A_489 = arith.constant 32 : i32
      %dma_start3A_490 = arith.constant 1 : i32
      %dma_start3A_491 = arith.constant 1 : i32
      %dma_start3A_492 = arith.constant 0 : i32
      %dma_start3A_493 = arith.constant 0 : i32
      %dma_start3A_494 = arith.constant 0 : i32
      %dma_start3A_495 = tpu.memref_slice %arg7[%dma_start3A_490, %dma_start3A_492, %dma_start3A_493, %dma_start3A_494] : memref<4x8x8x129xf32, #tpu.memory_space<vmem>> -> memref<1x8x8x128xf32, #tpu.memory_space<vmem>>
      %dma_start3A_496 = tpu.memref_squeeze %dma_start3A_495 : memref<1x8x8x128xf32, #tpu.memory_space<vmem>> -> memref<8x8x128xf32, #tpu.memory_space<vmem>>
      %dma_start3A_497 = arith.constant 0 : i32
      %dma_start3A_498 = arith.constant 0 : i32
      %dma_start3A_499 = arith.constant 0 : i32
      %dma_start3A_500 = tpu.memref_slice %arg4[%add3A_450, %dma_start3A_497, %add3A, %dma_start3A_498, %dma_start3A_499] : memref<200x8x32x8x128xf32, #tpu.memory_space<hbm>> -> memref<1x8x1x8x128xf32, #tpu.memory_space<hbm>>
      %dma_start3A_501 = tpu.memref_squeeze %dma_start3A_500 : memref<1x8x1x8x128xf32, #tpu.memory_space<hbm>> -> memref<8x8x128xf32, #tpu.memory_space<hbm>>
      %dma_start3A_502 = tpu.memref_slice %arg10[%dma_start3A_491] : memref<4x!tpu.dma_semaphore, #tpu.memory_space<semaphore_mem>> -> memref<1x!tpu.dma_semaphore, #tpu.memory_space<semaphore_mem>>
      %dma_start3A_503 = tpu.memref_squeeze %dma_start3A_502 : memref<1x!tpu.dma_semaphore, #tpu.memory_space<semaphore_mem>> -> memref<!tpu.dma_semaphore, #tpu.memory_space<semaphore_mem>>
      %dma_start3A_504 = arith.constant 0 : i32
      %dma_start3A_505 = arith.constant 0 : i32
      %dma_start3A_506 = arith.constant 0 : i32
      %dma_start3A_507 = tpu.memref_slice %arg4[%add3A_450, %dma_start3A_504, %add3A, %dma_start3A_505, %dma_start3A_506] : memref<200x8x32x8x128xf32, #tpu.memory_space<hbm>> -> memref<1x8x1x8x128xf32, #tpu.memory_space<hbm>>
      %dma_start3A_508 = tpu.memref_squeeze %dma_start3A_507 : memref<1x8x1x8x128xf32, #tpu.memory_space<hbm>> -> memref<8x8x128xf32, #tpu.memory_space<hbm>>
      %dma_start3A_509 = arith.constant 0 : i32
      %dma_start3A_510 = arith.constant 0 : i32
      %dma_start3A_511 = arith.constant 0 : i32
      %dma_start3A_512 = tpu.memref_slice %arg7[%dma_start3A_490, %dma_start3A_509, %dma_start3A_510, %dma_start3A_511] : memref<4x8x8x129xf32, #tpu.memory_space<vmem>> -> memref<1x8x8x128xf32, #tpu.memory_space<vmem>>
      %dma_start3A_513 = tpu.memref_squeeze %dma_start3A_512 : memref<1x8x8x128xf32, #tpu.memory_space<vmem>> -> memref<8x8x128xf32, #tpu.memory_space<vmem>>
      tpu.enqueue_dma source(%dma_start3A_513 : memref<8x8x128xf32, #tpu.memory_space<vmem>>) target(%dma_start3A_508 : memref<8x8x128xf32, #tpu.memory_space<hbm>>) target_semaphore(%dma_start3A_503 : memref<!tpu.dma_semaphore, #tpu.memory_space<semaphore_mem>>)
      %lt3A_514 = arith.constant 49 : i32
      %lt3A_515 = arith.cmpi slt, %scan3A_378, %lt3A_514 : i32
      %convert_element_type3A_516 = arith.extui %lt3A_515 : i1 to i32
      %cond3A_517 = arith.constant 0 : i32
      %cond3A_518 = arith.cmpi ne, %convert_element_type3A_516, %cond3A_517 : i32
      scf.if %cond3A_518 {
        %add3A_663 = arith.constant 4 : i32
        %add3A_664 = arith.addi %add3A_450, %add3A_663 : i32
        %dma_start3A_665 = arith.constant 1 : i32
        %dma_start3A_666 = arith.constant 1 : i32
        %dma_start3A_667 = arith.constant 0 : i32
        %dma_start3A_668 = arith.constant 0 : i32
        %dma_start3A_669 = tpu.memref_slice %arg6[%dma_start3A_665, %dma_start3A_667, %dma_start3A_668] : memref<4x128x128xf32, #tpu.memory_space<vmem>> -> memref<1x64x128xf32, #tpu.memory_space<vmem>>
        %dma_start3A_670 = tpu.memref_squeeze %dma_start3A_669 : memref<1x64x128xf32, #tpu.memory_space<vmem>> -> memref<64x128xf32, #tpu.memory_space<vmem>>
        %dma_start3A_671 = arith.constant 0 : i32
        %dma_start3A_672 = tpu.memref_slice %arg5[%add3A_664, %dma_start3A_671] : memref<200x128xi32, #tpu.memory_space<vmem>> -> memref<1x64xi32, #tpu.memory_space<vmem>>
        %dma_start3A_673 = tpu.memref_squeeze %dma_start3A_672 : memref<1x64xi32, #tpu.memory_space<vmem>> -> memref<64xi32, #tpu.memory_space<vmem>>
        %dma_start3A_674 = arith.constant 0 : i32
        %dma_start3A_675 = arith.constant 0 : i32
        %dma_start3A_676 = tpu.memref_slice %arg3[%dma_start3A_674, %dma_start3A_675] : memref<1000000x128xf32, #tpu.memory_space<hbm>> -> memref<1000000x128xf32, #tpu.memory_space<hbm>>
        %dma_start3A_677 = tpu.memref_slice %arg8[%dma_start3A_666] : memref<4x!tpu.dma_semaphore, #tpu.memory_space<semaphore_mem>> -> memref<1x!tpu.dma_semaphore, #tpu.memory_space<semaphore_mem>>
        %dma_start3A_678 = tpu.memref_squeeze %dma_start3A_677 : memref<1x!tpu.dma_semaphore, #tpu.memory_space<semaphore_mem>> -> memref<!tpu.dma_semaphore, #tpu.memory_space<semaphore_mem>>
        tpu.enqueue_indirect_dma source(%dma_start3A_676 : memref<1000000x128xf32, #tpu.memory_space<hbm>>) target(%dma_start3A_670 : memref<64x128xf32, #tpu.memory_space<vmem>>) offsets(%dma_start3A_673 : memref<64xi32, #tpu.memory_space<vmem>>) semaphore(%dma_start3A_678 : memref<!tpu.dma_semaphore, #tpu.memory_space<semaphore_mem>>)
        %dma_start3A_679 = arith.constant 1 : i32
        %dma_start3A_680 = arith.constant 1 : i32
        %dma_start3A_681 = arith.constant 64 : i32
        %dma_start3A_682 = arith.constant 0 : i32
        %dma_start3A_683 = tpu.memref_slice %arg6[%dma_start3A_679, %dma_start3A_681, %dma_start3A_682] : memref<4x128x128xf32, #tpu.memory_space<vmem>> -> memref<1x64x128xf32, #tpu.memory_space<vmem>>
        %dma_start3A_684 = tpu.memref_squeeze %dma_start3A_683 : memref<1x64x128xf32, #tpu.memory_space<vmem>> -> memref<64x128xf32, #tpu.memory_space<vmem>>
        %dma_start3A_685 = arith.constant 64 : i32
        %dma_start3A_686 = tpu.memref_slice %arg5[%add3A_664, %dma_start3A_685] : memref<200x128xi32, #tpu.memory_space<vmem>> -> memref<1x64xi32, #tpu.memory_space<vmem>>
        %dma_start3A_687 = tpu.memref_squeeze %dma_start3A_686 : memref<1x64xi32, #tpu.memory_space<vmem>> -> memref<64xi32, #tpu.memory_space<vmem>>
        %dma_start3A_688 = arith.constant 0 : i32
        %dma_start3A_689 = arith.constant 0 : i32
        %dma_start3A_690 = tpu.memref_slice %arg3[%dma_start3A_688, %dma_start3A_689] : memref<1000000x128xf32, #tpu.memory_space<hbm>> -> memref<1000000x128xf32, #tpu.memory_space<hbm>>
        %dma_start3A_691 = tpu.memref_slice %arg9[%dma_start3A_680] : memref<4x!tpu.dma_semaphore, #tpu.memory_space<semaphore_mem>> -> memref<1x!tpu.dma_semaphore, #tpu.memory_space<semaphore_mem>>
        %dma_start3A_692 = tpu.memref_squeeze %dma_start3A_691 : memref<1x!tpu.dma_semaphore, #tpu.memory_space<semaphore_mem>> -> memref<!tpu.dma_semaphore, #tpu.memory_space<semaphore_mem>>
        tpu.enqueue_indirect_dma source(%dma_start3A_690 : memref<1000000x128xf32, #tpu.memory_space<hbm>>) target(%dma_start3A_684 : memref<64x128xf32, #tpu.memory_space<vmem>>) offsets(%dma_start3A_687 : memref<64xi32, #tpu.memory_space<vmem>>) semaphore(%dma_start3A_692 : memref<!tpu.dma_semaphore, #tpu.memory_space<semaphore_mem>>)
      } else {
      }
      %mul3A_519 = arith.constant 4 : i32
      %mul3A_520 = arith.muli %scan3A_378, %mul3A_519 : i32
      %add3A_521 = arith.constant 2 : i32
      %add3A_522 = arith.addi %mul3A_520, %add3A_521 : i32
      %dma_wait3A_523 = arith.constant 2 : i32
      %dma_wait3A_524 = arith.constant 2 : i32
      %dma_wait3A_525 = arith.constant 0 : i32
      %dma_wait3A_526 = arith.constant 0 : i32
      %dma_wait3A_527 = tpu.memref_slice %arg6[%dma_wait3A_523, %dma_wait3A_525, %dma_wait3A_526] : memref<4x128x128xf32, #tpu.memory_space<vmem>> -> memref<1x64x128xf32, #tpu.memory_space<vmem>>
      %dma_wait3A_528 = tpu.memref_squeeze %dma_wait3A_527 : memref<1x64x128xf32, #tpu.memory_space<vmem>> -> memref<64x128xf32, #tpu.memory_space<vmem>>
      %dma_wait3A_529 = arith.constant 0 : i32
      %dma_wait3A_530 = tpu.memref_slice %arg5[%add3A_522, %dma_wait3A_529] : memref<200x128xi32, #tpu.memory_space<vmem>> -> memref<1x64xi32, #tpu.memory_space<vmem>>
      %dma_wait3A_531 = tpu.memref_squeeze %dma_wait3A_530 : memref<1x64xi32, #tpu.memory_space<vmem>> -> memref<64xi32, #tpu.memory_space<vmem>>
      %dma_wait3A_532 = arith.constant 0 : i32
      %dma_wait3A_533 = arith.constant 0 : i32
      %dma_wait3A_534 = tpu.memref_slice %arg3[%dma_wait3A_532, %dma_wait3A_533] : memref<1000000x128xf32, #tpu.memory_space<hbm>> -> memref<1000000x128xf32, #tpu.memory_space<hbm>>
      %dma_wait3A_535 = tpu.memref_slice %arg8[%dma_wait3A_524] : memref<4x!tpu.dma_semaphore, #tpu.memory_space<semaphore_mem>> -> memref<1x!tpu.dma_semaphore, #tpu.memory_space<semaphore_mem>>
      %dma_wait3A_536 = tpu.memref_squeeze %dma_wait3A_535 : memref<1x!tpu.dma_semaphore, #tpu.memory_space<semaphore_mem>> -> memref<!tpu.dma_semaphore, #tpu.memory_space<semaphore_mem>>
      tpu.wait_indirect_dma semaphore(%dma_wait3A_536 : memref<!tpu.dma_semaphore, #tpu.memory_space<semaphore_mem>>) src(%dma_wait3A_534 : memref<1000000x128xf32, #tpu.memory_space<hbm>>) dst(%dma_wait3A_528 : memref<64x128xf32, #tpu.memory_space<vmem>>)
      %dma_wait3A_537 = arith.constant 2 : i32
      %dma_wait3A_538 = arith.constant 2 : i32
      %dma_wait3A_539 = arith.constant 64 : i32
      %dma_wait3A_540 = arith.constant 0 : i32
      %dma_wait3A_541 = tpu.memref_slice %arg6[%dma_wait3A_537, %dma_wait3A_539, %dma_wait3A_540] : memref<4x128x128xf32, #tpu.memory_space<vmem>> -> memref<1x64x128xf32, #tpu.memory_space<vmem>>
      %dma_wait3A_542 = tpu.memref_squeeze %dma_wait3A_541 : memref<1x64x128xf32, #tpu.memory_space<vmem>> -> memref<64x128xf32, #tpu.memory_space<vmem>>
      %dma_wait3A_543 = arith.constant 64 : i32
      %dma_wait3A_544 = tpu.memref_slice %arg5[%add3A_522, %dma_wait3A_543] : memref<200x128xi32, #tpu.memory_space<vmem>> -> memref<1x64xi32, #tpu.memory_space<vmem>>
      %dma_wait3A_545 = tpu.memref_squeeze %dma_wait3A_544 : memref<1x64xi32, #tpu.memory_space<vmem>> -> memref<64xi32, #tpu.memory_space<vmem>>
      %dma_wait3A_546 = arith.constant 0 : i32
      %dma_wait3A_547 = arith.constant 0 : i32
      %dma_wait3A_548 = tpu.memref_slice %arg3[%dma_wait3A_546, %dma_wait3A_547] : memref<1000000x128xf32, #tpu.memory_space<hbm>> -> memref<1000000x128xf32, #tpu.memory_space<hbm>>
      %dma_wait3A_549 = tpu.memref_slice %arg9[%dma_wait3A_538] : memref<4x!tpu.dma_semaphore, #tpu.memory_space<semaphore_mem>> -> memref<1x!tpu.dma_semaphore, #tpu.memory_space<semaphore_mem>>
      %dma_wait3A_550 = tpu.memref_squeeze %dma_wait3A_549 : memref<1x!tpu.dma_semaphore, #tpu.memory_space<semaphore_mem>> -> memref<!tpu.dma_semaphore, #tpu.memory_space<semaphore_mem>>
      tpu.wait_indirect_dma semaphore(%dma_wait3A_550 : memref<!tpu.dma_semaphore, #tpu.memory_space<semaphore_mem>>) src(%dma_wait3A_548 : memref<1000000x128xf32, #tpu.memory_space<hbm>>) dst(%dma_wait3A_542 : memref<64x128xf32, #tpu.memory_space<vmem>>)
      %gt3A_551 = arith.constant 0 : i32
      %gt3A_552 = arith.cmpi sgt, %scan3A_378, %gt3A_551 : i32
      %convert_element_type3A_553 = arith.extui %gt3A_552 : i1 to i32
      %cond3A_554 = arith.constant 0 : i32
      %cond3A_555 = arith.cmpi ne, %convert_element_type3A_553, %cond3A_554 : i32
      scf.if %cond3A_555 {
        %sub3A_663 = arith.constant 4 : i32
        %sub3A_664 = arith.subi %add3A_522, %sub3A_663 : i32
        %dma_wait3A_665 = arith.constant 2 : i32
        %dma_wait3A_666 = arith.constant 2 : i32
        %dma_wait3A_667 = arith.constant 0 : i32
        %dma_wait3A_668 = arith.constant 0 : i32
        %dma_wait3A_669 = arith.constant 0 : i32
        %dma_wait3A_670 = tpu.memref_slice %arg7[%dma_wait3A_665, %dma_wait3A_667, %dma_wait3A_668, %dma_wait3A_669] : memref<4x8x8x129xf32, #tpu.memory_space<vmem>> -> memref<1x8x8x128xf32, #tpu.memory_space<vmem>>
        %dma_wait3A_671 = tpu.memref_squeeze %dma_wait3A_670 : memref<1x8x8x128xf32, #tpu.memory_space<vmem>> -> memref<8x8x128xf32, #tpu.memory_space<vmem>>
        %dma_wait3A_672 = arith.constant 0 : i32
        %dma_wait3A_673 = arith.constant 0 : i32
        %dma_wait3A_674 = arith.constant 0 : i32
        %dma_wait3A_675 = tpu.memref_slice %arg4[%sub3A_664, %dma_wait3A_672, %add3A, %dma_wait3A_673, %dma_wait3A_674] : memref<200x8x32x8x128xf32, #tpu.memory_space<hbm>> -> memref<1x8x1x8x128xf32, #tpu.memory_space<hbm>>
        %dma_wait3A_676 = tpu.memref_squeeze %dma_wait3A_675 : memref<1x8x1x8x128xf32, #tpu.memory_space<hbm>> -> memref<8x8x128xf32, #tpu.memory_space<hbm>>
        %dma_wait3A_677 = tpu.memref_slice %arg10[%dma_wait3A_666] : memref<4x!tpu.dma_semaphore, #tpu.memory_space<semaphore_mem>> -> memref<1x!tpu.dma_semaphore, #tpu.memory_space<semaphore_mem>>
        %dma_wait3A_678 = tpu.memref_squeeze %dma_wait3A_677 : memref<1x!tpu.dma_semaphore, #tpu.memory_space<semaphore_mem>> -> memref<!tpu.dma_semaphore, #tpu.memory_space<semaphore_mem>>
        %dma_wait3A_679 = arith.constant 0 : i32
        %dma_wait3A_680 = arith.constant 0 : i32
        %dma_wait3A_681 = arith.constant 0 : i32
        %dma_wait3A_682 = tpu.memref_slice %arg4[%sub3A_664, %dma_wait3A_679, %add3A, %dma_wait3A_680, %dma_wait3A_681] : memref<200x8x32x8x128xf32, #tpu.memory_space<hbm>> -> memref<1x8x1x8x128xf32, #tpu.memory_space<hbm>>
        %dma_wait3A_683 = tpu.memref_squeeze %dma_wait3A_682 : memref<1x8x1x8x128xf32, #tpu.memory_space<hbm>> -> memref<8x8x128xf32, #tpu.memory_space<hbm>>
        %dma_wait3A_684 = arith.constant 0 : i32
        %dma_wait3A_685 = arith.constant 0 : i32
        %dma_wait3A_686 = arith.constant 0 : i32
        %dma_wait3A_687 = tpu.memref_slice %arg7[%dma_wait3A_665, %dma_wait3A_684, %dma_wait3A_685, %dma_wait3A_686] : memref<4x8x8x129xf32, #tpu.memory_space<vmem>> -> memref<1x8x8x128xf32, #tpu.memory_space<vmem>>
        %dma_wait3A_688 = tpu.memref_squeeze %dma_wait3A_687 : memref<1x8x8x128xf32, #tpu.memory_space<vmem>> -> memref<8x8x128xf32, #tpu.memory_space<vmem>>
        tpu.wait_dma2 semaphore(%dma_wait3A_678 : memref<!tpu.dma_semaphore, #tpu.memory_space<semaphore_mem>>) src(%dma_wait3A_688 : memref<8x8x128xf32, #tpu.memory_space<vmem>>) dst(%dma_wait3A_683 : memref<8x8x128xf32, #tpu.memory_space<hbm>>)
      } else {
      }
      %scan3A_556 = arith.constant 0 : i32
      %scan3A_557 = arith.constant 0 : i32
      %scan3A_558 = arith.constant 32 : i32
      %scan3A_559 = arith.addi %scan3A_557, %scan3A_558 : i32
      %scan3A_560 = arith.constant 1 : i32
      scf.for %scan3A_663 = %scan3A_557 to %scan3A_559 step %scan3A_560  : i32 {
        %mul3A_664 = arith.constant 4 : i32
        %mul3A_665 = arith.muli %scan3A_663, %mul3A_664 : i32
        %broadcast_in_dim3A = vector.broadcast %mul3A_665 : i32 to vector<16xi32>
        %add3A_666 = arith.constant 0 : i32
        %add3A_667 = arith.addi %mul3A_665, %add3A_666 : i32
        %add3A_668 = arith.constant 0 : i32
        %add3A_669 = vector.broadcast %add3A_668 : i32 to vector<16xi32>
        %add3A_670 = arith.addi %broadcast_in_dim3A, %add3A_669 : vector<16xi32>
        %get3A = arith.constant 2 : i32
        %get3A_671 = arith.index_cast %get3A : i32 to index
        %get3A_672 = arith.index_cast %add3A_667 : i32 to index
        %get3A_673 = arith.constant 0 : index
        %get3A_674 = tpu.vector_load %arg6[%get3A_671, %get3A_672, %get3A_673] {strides = array<i32>} : memref<4x128x128xf32, #tpu.memory_space<vmem>>, vector<16xf32>,
        %mul3A_675 = arith.constant 8.000000e+00 : f32
        %mul3A_676 = vector.broadcast %mul3A_675 : f32 to vector<16xf32>
        %mul3A_677 = arith.mulf %get3A_674, %mul3A_676 : vector<16xf32>
        %scatter3A = arith.constant 2 : i32
        %scatter3A_678 = arith.constant 0 : i32
        %scatter3A_679 = arith.constant 0 : i32
        %scatter3A_680 = arith.constant 0 : i32
        %scatter3A_681 = tpu.memref_slice %arg7[%scatter3A, %scatter3A_678, %scatter3A_679, %scatter3A_680] : memref<4x8x8x129xf32, #tpu.memory_space<vmem>> -> memref<1x8x8x129xf32, #tpu.memory_space<vmem>>
        %scatter3A_682 = tpu.memref_squeeze %scatter3A_681 : memref<1x8x8x129xf32, #tpu.memory_space<vmem>> -> memref<8x8x129xf32, #tpu.memory_space<vmem>>
        tpu.vector_store_idx %scatter3A_682[%select_n3A, %rem3A_136, %add3A_670], %mul3A_677 : memref<8x8x129xf32, #tpu.memory_space<vmem>>[vector<16xi32>, vector<16xi32>, vector<16xi32>], vector<16xf32>,
        %get3A_683 = arith.constant 2 : i32
        %get3A_684 = arith.index_cast %get3A_683 : i32 to index
        %get3A_685 = arith.index_cast %add3A_667 : i32 to index
        %get3A_686 = arith.constant 16 : index
        %get3A_687 = tpu.vector_load %arg6[%get3A_684, %get3A_685, %get3A_686] {strides = array<i32>} : memref<4x128x128xf32, #tpu.memory_space<vmem>>, vector<16xf32>,
        %mul3A_688 = arith.constant 8.000000e+00 : f32
        %mul3A_689 = vector.broadcast %mul3A_688 : f32 to vector<16xf32>
        %mul3A_690 = arith.mulf %get3A_687, %mul3A_689 : vector<16xf32>
        %scatter3A_691 = arith.constant 2 : i32
        %scatter3A_692 = arith.constant 0 : i32
        %scatter3A_693 = arith.constant 0 : i32
        %scatter3A_694 = arith.constant 0 : i32
        %scatter3A_695 = tpu.memref_slice %arg7[%scatter3A_691, %scatter3A_692, %scatter3A_693, %scatter3A_694] : memref<4x8x8x129xf32, #tpu.memory_space<vmem>> -> memref<1x8x8x129xf32, #tpu.memory_space<vmem>>
        %scatter3A_696 = tpu.memref_squeeze %scatter3A_695 : memref<1x8x8x129xf32, #tpu.memory_space<vmem>> -> memref<8x8x129xf32, #tpu.memory_space<vmem>>
        tpu.vector_store_idx %scatter3A_696[%select_n3A_62, %rem3A_142, %add3A_670], %mul3A_690 : memref<8x8x129xf32, #tpu.memory_space<vmem>>[vector<16xi32>, vector<16xi32>, vector<16xi32>], vector<16xf32>,
        %get3A_697 = arith.constant 2 : i32
        %get3A_698 = arith.index_cast %get3A_697 : i32 to index
        %get3A_699 = arith.index_cast %add3A_667 : i32 to index
        %get3A_700 = arith.constant 32 : index
        %get3A_701 = tpu.vector_load %arg6[%get3A_698, %get3A_699, %get3A_700] {strides = array<i32>} : memref<4x128x128xf32, #tpu.memory_space<vmem>>, vector<16xf32>,
        %mul3A_702 = arith.constant 8.000000e+00 : f32
        %mul3A_703 = vector.broadcast %mul3A_702 : f32 to vector<16xf32>
        %mul3A_704 = arith.mulf %get3A_701, %mul3A_703 : vector<16xf32>
        %scatter3A_705 = arith.constant 2 : i32
        %scatter3A_706 = arith.constant 0 : i32
        %scatter3A_707 = arith.constant 0 : i32
        %scatter3A_708 = arith.constant 0 : i32
        %scatter3A_709 = tpu.memref_slice %arg7[%scatter3A_705, %scatter3A_706, %scatter3A_707, %scatter3A_708] : memref<4x8x8x129xf32, #tpu.memory_space<vmem>> -> memref<1x8x8x129xf32, #tpu.memory_space<vmem>>
        %scatter3A_710 = tpu.memref_squeeze %scatter3A_709 : memref<1x8x8x129xf32, #tpu.memory_space<vmem>> -> memref<8x8x129xf32, #tpu.memory_space<vmem>>
        tpu.vector_store_idx %scatter3A_710[%select_n3A_96, %rem3A_148, %add3A_670], %mul3A_704 : memref<8x8x129xf32, #tpu.memory_space<vmem>>[vector<16xi32>, vector<16xi32>, vector<16xi32>], vector<16xf32>,
        %get3A_711 = arith.constant 2 : i32
        %get3A_712 = arith.index_cast %get3A_711 : i32 to index
        %get3A_713 = arith.index_cast %add3A_667 : i32 to index
        %get3A_714 = arith.constant 48 : index
        %get3A_715 = tpu.vector_load %arg6[%get3A_712, %get3A_713, %get3A_714] {strides = array<i32>} : memref<4x128x128xf32, #tpu.memory_space<vmem>>, vector<16xf32>,
        %mul3A_716 = arith.constant 8.000000e+00 : f32
        %mul3A_717 = vector.broadcast %mul3A_716 : f32 to vector<16xf32>
        %mul3A_718 = arith.mulf %get3A_715, %mul3A_717 : vector<16xf32>
        %scatter3A_719 = arith.constant 2 : i32
        %scatter3A_720 = arith.constant 0 : i32
        %scatter3A_721 = arith.constant 0 : i32
        %scatter3A_722 = arith.constant 0 : i32
        %scatter3A_723 = tpu.memref_slice %arg7[%scatter3A_719, %scatter3A_720, %scatter3A_721, %scatter3A_722] : memref<4x8x8x129xf32, #tpu.memory_space<vmem>> -> memref<1x8x8x129xf32, #tpu.memory_space<vmem>>
        %scatter3A_724 = tpu.memref_squeeze %scatter3A_723 : memref<1x8x8x129xf32, #tpu.memory_space<vmem>> -> memref<8x8x129xf32, #tpu.memory_space<vmem>>
        tpu.vector_store_idx %scatter3A_724[%select_n3A_130, %rem3A_154, %add3A_670], %mul3A_718 : memref<8x8x129xf32, #tpu.memory_space<vmem>>[vector<16xi32>, vector<16xi32>, vector<16xi32>], vector<16xf32>,
        %add3A_725 = arith.constant 1 : i32
        %add3A_726 = arith.addi %mul3A_665, %add3A_725 : i32
        %add3A_727 = arith.constant 1 : i32
        %add3A_728 = vector.broadcast %add3A_727 : i32 to vector<16xi32>
        %add3A_729 = arith.addi %broadcast_in_dim3A, %add3A_728 : vector<16xi32>
        %get3A_730 = arith.constant 2 : i32
        %get3A_731 = arith.index_cast %get3A_730 : i32 to index
        %get3A_732 = arith.index_cast %add3A_726 : i32 to index
        %get3A_733 = arith.constant 0 : index
        %get3A_734 = tpu.vector_load %arg6[%get3A_731, %get3A_732, %get3A_733] {strides = array<i32>} : memref<4x128x128xf32, #tpu.memory_space<vmem>>, vector<16xf32>,
        %mul3A_735 = arith.constant 8.000000e+00 : f32
        %mul3A_736 = vector.broadcast %mul3A_735 : f32 to vector<16xf32>
        %mul3A_737 = arith.mulf %get3A_734, %mul3A_736 : vector<16xf32>
        %scatter3A_738 = arith.constant 2 : i32
        %scatter3A_739 = arith.constant 0 : i32
        %scatter3A_740 = arith.constant 0 : i32
        %scatter3A_741 = arith.constant 0 : i32
        %scatter3A_742 = tpu.memref_slice %arg7[%scatter3A_738, %scatter3A_739, %scatter3A_740, %scatter3A_741] : memref<4x8x8x129xf32, #tpu.memory_space<vmem>> -> memref<1x8x8x129xf32, #tpu.memory_space<vmem>>
        %scatter3A_743 = tpu.memref_squeeze %scatter3A_742 : memref<1x8x8x129xf32, #tpu.memory_space<vmem>> -> memref<8x8x129xf32, #tpu.memory_space<vmem>>
        tpu.vector_store_idx %scatter3A_743[%select_n3A, %rem3A_136, %add3A_729], %mul3A_737 : memref<8x8x129xf32, #tpu.memory_space<vmem>>[vector<16xi32>, vector<16xi32>, vector<16xi32>], vector<16xf32>,
        %get3A_744 = arith.constant 2 : i32
        %get3A_745 = arith.index_cast %get3A_744 : i32 to index
        %get3A_746 = arith.index_cast %add3A_726 : i32 to index
        %get3A_747 = arith.constant 16 : index
        %get3A_748 = tpu.vector_load %arg6[%get3A_745, %get3A_746, %get3A_747] {strides = array<i32>} : memref<4x128x128xf32, #tpu.memory_space<vmem>>, vector<16xf32>,
        %mul3A_749 = arith.constant 8.000000e+00 : f32
        %mul3A_750 = vector.broadcast %mul3A_749 : f32 to vector<16xf32>
        %mul3A_751 = arith.mulf %get3A_748, %mul3A_750 : vector<16xf32>
        %scatter3A_752 = arith.constant 2 : i32
        %scatter3A_753 = arith.constant 0 : i32
        %scatter3A_754 = arith.constant 0 : i32
        %scatter3A_755 = arith.constant 0 : i32
        %scatter3A_756 = tpu.memref_slice %arg7[%scatter3A_752, %scatter3A_753, %scatter3A_754, %scatter3A_755] : memref<4x8x8x129xf32, #tpu.memory_space<vmem>> -> memref<1x8x8x129xf32, #tpu.memory_space<vmem>>
        %scatter3A_757 = tpu.memref_squeeze %scatter3A_756 : memref<1x8x8x129xf32, #tpu.memory_space<vmem>> -> memref<8x8x129xf32, #tpu.memory_space<vmem>>
        tpu.vector_store_idx %scatter3A_757[%select_n3A_62, %rem3A_142, %add3A_729], %mul3A_751 : memref<8x8x129xf32, #tpu.memory_space<vmem>>[vector<16xi32>, vector<16xi32>, vector<16xi32>], vector<16xf32>,
        %get3A_758 = arith.constant 2 : i32
        %get3A_759 = arith.index_cast %get3A_758 : i32 to index
        %get3A_760 = arith.index_cast %add3A_726 : i32 to index
        %get3A_761 = arith.constant 32 : index
        %get3A_762 = tpu.vector_load %arg6[%get3A_759, %get3A_760, %get3A_761] {strides = array<i32>} : memref<4x128x128xf32, #tpu.memory_space<vmem>>, vector<16xf32>,
        %mul3A_763 = arith.constant 8.000000e+00 : f32
        %mul3A_764 = vector.broadcast %mul3A_763 : f32 to vector<16xf32>
        %mul3A_765 = arith.mulf %get3A_762, %mul3A_764 : vector<16xf32>
        %scatter3A_766 = arith.constant 2 : i32
        %scatter3A_767 = arith.constant 0 : i32
        %scatter3A_768 = arith.constant 0 : i32
        %scatter3A_769 = arith.constant 0 : i32
        %scatter3A_770 = tpu.memref_slice %arg7[%scatter3A_766, %scatter3A_767, %scatter3A_768, %scatter3A_769] : memref<4x8x8x129xf32, #tpu.memory_space<vmem>> -> memref<1x8x8x129xf32, #tpu.memory_space<vmem>>
        %scatter3A_771 = tpu.memref_squeeze %scatter3A_770 : memref<1x8x8x129xf32, #tpu.memory_space<vmem>> -> memref<8x8x129xf32, #tpu.memory_space<vmem>>
        tpu.vector_store_idx %scatter3A_771[%select_n3A_96, %rem3A_148, %add3A_729], %mul3A_765 : memref<8x8x129xf32, #tpu.memory_space<vmem>>[vector<16xi32>, vector<16xi32>, vector<16xi32>], vector<16xf32>,
        %get3A_772 = arith.constant 2 : i32
        %get3A_773 = arith.index_cast %get3A_772 : i32 to index
        %get3A_774 = arith.index_cast %add3A_726 : i32 to index
        %get3A_775 = arith.constant 48 : index
        %get3A_776 = tpu.vector_load %arg6[%get3A_773, %get3A_774, %get3A_775] {strides = array<i32>} : memref<4x128x128xf32, #tpu.memory_space<vmem>>, vector<16xf32>,
        %mul3A_777 = arith.constant 8.000000e+00 : f32
        %mul3A_778 = vector.broadcast %mul3A_777 : f32 to vector<16xf32>
        %mul3A_779 = arith.mulf %get3A_776, %mul3A_778 : vector<16xf32>
        %scatter3A_780 = arith.constant 2 : i32
        %scatter3A_781 = arith.constant 0 : i32
        %scatter3A_782 = arith.constant 0 : i32
        %scatter3A_783 = arith.constant 0 : i32
        %scatter3A_784 = tpu.memref_slice %arg7[%scatter3A_780, %scatter3A_781, %scatter3A_782, %scatter3A_783] : memref<4x8x8x129xf32, #tpu.memory_space<vmem>> -> memref<1x8x8x129xf32, #tpu.memory_space<vmem>>
        %scatter3A_785 = tpu.memref_squeeze %scatter3A_784 : memref<1x8x8x129xf32, #tpu.memory_space<vmem>> -> memref<8x8x129xf32, #tpu.memory_space<vmem>>
        tpu.vector_store_idx %scatter3A_785[%select_n3A_130, %rem3A_154, %add3A_729], %mul3A_779 : memref<8x8x129xf32, #tpu.memory_space<vmem>>[vector<16xi32>, vector<16xi32>, vector<16xi32>], vector<16xf32>,
        %add3A_786 = arith.constant 2 : i32
        %add3A_787 = arith.addi %mul3A_665, %add3A_786 : i32
        %add3A_788 = arith.constant 2 : i32
        %add3A_789 = vector.broadcast %add3A_788 : i32 to vector<16xi32>
        %add3A_790 = arith.addi %broadcast_in_dim3A, %add3A_789 : vector<16xi32>
        %get3A_791 = arith.constant 2 : i32
        %get3A_792 = arith.index_cast %get3A_791 : i32 to index
        %get3A_793 = arith.index_cast %add3A_787 : i32 to index
        %get3A_794 = arith.constant 0 : index
        %get3A_795 = tpu.vector_load %arg6[%get3A_792, %get3A_793, %get3A_794] {strides = array<i32>} : memref<4x128x128xf32, #tpu.memory_space<vmem>>, vector<16xf32>,
        %mul3A_796 = arith.constant 8.000000e+00 : f32
        %mul3A_797 = vector.broadcast %mul3A_796 : f32 to vector<16xf32>
        %mul3A_798 = arith.mulf %get3A_795, %mul3A_797 : vector<16xf32>
        %scatter3A_799 = arith.constant 2 : i32
        %scatter3A_800 = arith.constant 0 : i32
        %scatter3A_801 = arith.constant 0 : i32
        %scatter3A_802 = arith.constant 0 : i32
        %scatter3A_803 = tpu.memref_slice %arg7[%scatter3A_799, %scatter3A_800, %scatter3A_801, %scatter3A_802] : memref<4x8x8x129xf32, #tpu.memory_space<vmem>> -> memref<1x8x8x129xf32, #tpu.memory_space<vmem>>
        %scatter3A_804 = tpu.memref_squeeze %scatter3A_803 : memref<1x8x8x129xf32, #tpu.memory_space<vmem>> -> memref<8x8x129xf32, #tpu.memory_space<vmem>>
        tpu.vector_store_idx %scatter3A_804[%select_n3A, %rem3A_136, %add3A_790], %mul3A_798 : memref<8x8x129xf32, #tpu.memory_space<vmem>>[vector<16xi32>, vector<16xi32>, vector<16xi32>], vector<16xf32>,
        %get3A_805 = arith.constant 2 : i32
        %get3A_806 = arith.index_cast %get3A_805 : i32 to index
        %get3A_807 = arith.index_cast %add3A_787 : i32 to index
        %get3A_808 = arith.constant 16 : index
        %get3A_809 = tpu.vector_load %arg6[%get3A_806, %get3A_807, %get3A_808] {strides = array<i32>} : memref<4x128x128xf32, #tpu.memory_space<vmem>>, vector<16xf32>,
        %mul3A_810 = arith.constant 8.000000e+00 : f32
        %mul3A_811 = vector.broadcast %mul3A_810 : f32 to vector<16xf32>
        %mul3A_812 = arith.mulf %get3A_809, %mul3A_811 : vector<16xf32>
        %scatter3A_813 = arith.constant 2 : i32
        %scatter3A_814 = arith.constant 0 : i32
        %scatter3A_815 = arith.constant 0 : i32
        %scatter3A_816 = arith.constant 0 : i32
        %scatter3A_817 = tpu.memref_slice %arg7[%scatter3A_813, %scatter3A_814, %scatter3A_815, %scatter3A_816] : memref<4x8x8x129xf32, #tpu.memory_space<vmem>> -> memref<1x8x8x129xf32, #tpu.memory_space<vmem>>
        %scatter3A_818 = tpu.memref_squeeze %scatter3A_817 : memref<1x8x8x129xf32, #tpu.memory_space<vmem>> -> memref<8x8x129xf32, #tpu.memory_space<vmem>>
        tpu.vector_store_idx %scatter3A_818[%select_n3A_62, %rem3A_142, %add3A_790], %mul3A_812 : memref<8x8x129xf32, #tpu.memory_space<vmem>>[vector<16xi32>, vector<16xi32>, vector<16xi32>], vector<16xf32>,
        %get3A_819 = arith.constant 2 : i32
        %get3A_820 = arith.index_cast %get3A_819 : i32 to index
        %get3A_821 = arith.index_cast %add3A_787 : i32 to index
        %get3A_822 = arith.constant 32 : index
        %get3A_823 = tpu.vector_load %arg6[%get3A_820, %get3A_821, %get3A_822] {strides = array<i32>} : memref<4x128x128xf32, #tpu.memory_space<vmem>>, vector<16xf32>,
        %mul3A_824 = arith.constant 8.000000e+00 : f32
        %mul3A_825 = vector.broadcast %mul3A_824 : f32 to vector<16xf32>
        %mul3A_826 = arith.mulf %get3A_823, %mul3A_825 : vector<16xf32>
        %scatter3A_827 = arith.constant 2 : i32
        %scatter3A_828 = arith.constant 0 : i32
        %scatter3A_829 = arith.constant 0 : i32
        %scatter3A_830 = arith.constant 0 : i32
        %scatter3A_831 = tpu.memref_slice %arg7[%scatter3A_827, %scatter3A_828, %scatter3A_829, %scatter3A_830] : memref<4x8x8x129xf32, #tpu.memory_space<vmem>> -> memref<1x8x8x129xf32, #tpu.memory_space<vmem>>
        %scatter3A_832 = tpu.memref_squeeze %scatter3A_831 : memref<1x8x8x129xf32, #tpu.memory_space<vmem>> -> memref<8x8x129xf32, #tpu.memory_space<vmem>>
        tpu.vector_store_idx %scatter3A_832[%select_n3A_96, %rem3A_148, %add3A_790], %mul3A_826 : memref<8x8x129xf32, #tpu.memory_space<vmem>>[vector<16xi32>, vector<16xi32>, vector<16xi32>], vector<16xf32>,
        %get3A_833 = arith.constant 2 : i32
        %get3A_834 = arith.index_cast %get3A_833 : i32 to index
        %get3A_835 = arith.index_cast %add3A_787 : i32 to index
        %get3A_836 = arith.constant 48 : index
        %get3A_837 = tpu.vector_load %arg6[%get3A_834, %get3A_835, %get3A_836] {strides = array<i32>} : memref<4x128x128xf32, #tpu.memory_space<vmem>>, vector<16xf32>,
        %mul3A_838 = arith.constant 8.000000e+00 : f32
        %mul3A_839 = vector.broadcast %mul3A_838 : f32 to vector<16xf32>
        %mul3A_840 = arith.mulf %get3A_837, %mul3A_839 : vector<16xf32>
        %scatter3A_841 = arith.constant 2 : i32
        %scatter3A_842 = arith.constant 0 : i32
        %scatter3A_843 = arith.constant 0 : i32
        %scatter3A_844 = arith.constant 0 : i32
        %scatter3A_845 = tpu.memref_slice %arg7[%scatter3A_841, %scatter3A_842, %scatter3A_843, %scatter3A_844] : memref<4x8x8x129xf32, #tpu.memory_space<vmem>> -> memref<1x8x8x129xf32, #tpu.memory_space<vmem>>
        %scatter3A_846 = tpu.memref_squeeze %scatter3A_845 : memref<1x8x8x129xf32, #tpu.memory_space<vmem>> -> memref<8x8x129xf32, #tpu.memory_space<vmem>>
        tpu.vector_store_idx %scatter3A_846[%select_n3A_130, %rem3A_154, %add3A_790], %mul3A_840 : memref<8x8x129xf32, #tpu.memory_space<vmem>>[vector<16xi32>, vector<16xi32>, vector<16xi32>], vector<16xf32>,
        %add3A_847 = arith.constant 3 : i32
        %add3A_848 = arith.addi %mul3A_665, %add3A_847 : i32
        %add3A_849 = arith.constant 3 : i32
        %add3A_850 = vector.broadcast %add3A_849 : i32 to vector<16xi32>
        %add3A_851 = arith.addi %broadcast_in_dim3A, %add3A_850 : vector<16xi32>
        %get3A_852 = arith.constant 2 : i32
        %get3A_853 = arith.index_cast %get3A_852 : i32 to index
        %get3A_854 = arith.index_cast %add3A_848 : i32 to index
        %get3A_855 = arith.constant 0 : index
        %get3A_856 = tpu.vector_load %arg6[%get3A_853, %get3A_854, %get3A_855] {strides = array<i32>} : memref<4x128x128xf32, #tpu.memory_space<vmem>>, vector<16xf32>,
        %mul3A_857 = arith.constant 8.000000e+00 : f32
        %mul3A_858 = vector.broadcast %mul3A_857 : f32 to vector<16xf32>
        %mul3A_859 = arith.mulf %get3A_856, %mul3A_858 : vector<16xf32>
        %scatter3A_860 = arith.constant 2 : i32
        %scatter3A_861 = arith.constant 0 : i32
        %scatter3A_862 = arith.constant 0 : i32
        %scatter3A_863 = arith.constant 0 : i32
        %scatter3A_864 = tpu.memref_slice %arg7[%scatter3A_860, %scatter3A_861, %scatter3A_862, %scatter3A_863] : memref<4x8x8x129xf32, #tpu.memory_space<vmem>> -> memref<1x8x8x129xf32, #tpu.memory_space<vmem>>
        %scatter3A_865 = tpu.memref_squeeze %scatter3A_864 : memref<1x8x8x129xf32, #tpu.memory_space<vmem>> -> memref<8x8x129xf32, #tpu.memory_space<vmem>>
        tpu.vector_store_idx %scatter3A_865[%select_n3A, %rem3A_136, %add3A_851], %mul3A_859 : memref<8x8x129xf32, #tpu.memory_space<vmem>>[vector<16xi32>, vector<16xi32>, vector<16xi32>], vector<16xf32>,
        %get3A_866 = arith.constant 2 : i32
        %get3A_867 = arith.index_cast %get3A_866 : i32 to index
        %get3A_868 = arith.index_cast %add3A_848 : i32 to index
        %get3A_869 = arith.constant 16 : index
        %get3A_870 = tpu.vector_load %arg6[%get3A_867, %get3A_868, %get3A_869] {strides = array<i32>} : memref<4x128x128xf32, #tpu.memory_space<vmem>>, vector<16xf32>,
        %mul3A_871 = arith.constant 8.000000e+00 : f32
        %mul3A_872 = vector.broadcast %mul3A_871 : f32 to vector<16xf32>
        %mul3A_873 = arith.mulf %get3A_870, %mul3A_872 : vector<16xf32>
        %scatter3A_874 = arith.constant 2 : i32
        %scatter3A_875 = arith.constant 0 : i32
        %scatter3A_876 = arith.constant 0 : i32
        %scatter3A_877 = arith.constant 0 : i32
        %scatter3A_878 = tpu.memref_slice %arg7[%scatter3A_874, %scatter3A_875, %scatter3A_876, %scatter3A_877] : memref<4x8x8x129xf32, #tpu.memory_space<vmem>> -> memref<1x8x8x129xf32, #tpu.memory_space<vmem>>
        %scatter3A_879 = tpu.memref_squeeze %scatter3A_878 : memref<1x8x8x129xf32, #tpu.memory_space<vmem>> -> memref<8x8x129xf32, #tpu.memory_space<vmem>>
        tpu.vector_store_idx %scatter3A_879[%select_n3A_62, %rem3A_142, %add3A_851], %mul3A_873 : memref<8x8x129xf32, #tpu.memory_space<vmem>>[vector<16xi32>, vector<16xi32>, vector<16xi32>], vector<16xf32>,
        %get3A_880 = arith.constant 2 : i32
        %get3A_881 = arith.index_cast %get3A_880 : i32 to index
        %get3A_882 = arith.index_cast %add3A_848 : i32 to index
        %get3A_883 = arith.constant 32 : index
        %get3A_884 = tpu.vector_load %arg6[%get3A_881, %get3A_882, %get3A_883] {strides = array<i32>} : memref<4x128x128xf32, #tpu.memory_space<vmem>>, vector<16xf32>,
        %mul3A_885 = arith.constant 8.000000e+00 : f32
        %mul3A_886 = vector.broadcast %mul3A_885 : f32 to vector<16xf32>
        %mul3A_887 = arith.mulf %get3A_884, %mul3A_886 : vector<16xf32>
        %scatter3A_888 = arith.constant 2 : i32
        %scatter3A_889 = arith.constant 0 : i32
        %scatter3A_890 = arith.constant 0 : i32
        %scatter3A_891 = arith.constant 0 : i32
        %scatter3A_892 = tpu.memref_slice %arg7[%scatter3A_888, %scatter3A_889, %scatter3A_890, %scatter3A_891] : memref<4x8x8x129xf32, #tpu.memory_space<vmem>> -> memref<1x8x8x129xf32, #tpu.memory_space<vmem>>
        %scatter3A_893 = tpu.memref_squeeze %scatter3A_892 : memref<1x8x8x129xf32, #tpu.memory_space<vmem>> -> memref<8x8x129xf32, #tpu.memory_space<vmem>>
        tpu.vector_store_idx %scatter3A_893[%select_n3A_96, %rem3A_148, %add3A_851], %mul3A_887 : memref<8x8x129xf32, #tpu.memory_space<vmem>>[vector<16xi32>, vector<16xi32>, vector<16xi32>], vector<16xf32>,
        %get3A_894 = arith.constant 2 : i32
        %get3A_895 = arith.index_cast %get3A_894 : i32 to index
        %get3A_896 = arith.index_cast %add3A_848 : i32 to index
        %get3A_897 = arith.constant 48 : index
        %get3A_898 = tpu.vector_load %arg6[%get3A_895, %get3A_896, %get3A_897] {strides = array<i32>} : memref<4x128x128xf32, #tpu.memory_space<vmem>>, vector<16xf32>,
        %mul3A_899 = arith.constant 8.000000e+00 : f32
        %mul3A_900 = vector.broadcast %mul3A_899 : f32 to vector<16xf32>
        %mul3A_901 = arith.mulf %get3A_898, %mul3A_900 : vector<16xf32>
        %scatter3A_902 = arith.constant 2 : i32
        %scatter3A_903 = arith.constant 0 : i32
        %scatter3A_904 = arith.constant 0 : i32
        %scatter3A_905 = arith.constant 0 : i32
        %scatter3A_906 = tpu.memref_slice %arg7[%scatter3A_902, %scatter3A_903, %scatter3A_904, %scatter3A_905] : memref<4x8x8x129xf32, #tpu.memory_space<vmem>> -> memref<1x8x8x129xf32, #tpu.memory_space<vmem>>
        %scatter3A_907 = tpu.memref_squeeze %scatter3A_906 : memref<1x8x8x129xf32, #tpu.memory_space<vmem>> -> memref<8x8x129xf32, #tpu.memory_space<vmem>>
        tpu.vector_store_idx %scatter3A_907[%select_n3A_130, %rem3A_154, %add3A_851], %mul3A_901 : memref<8x8x129xf32, #tpu.memory_space<vmem>>[vector<16xi32>, vector<16xi32>, vector<16xi32>], vector<16xf32>,
      }
      %scan3A_561 = arith.constant 32 : i32
      %dma_start3A_562 = arith.constant 2 : i32
      %dma_start3A_563 = arith.constant 2 : i32
      %dma_start3A_564 = arith.constant 0 : i32
      %dma_start3A_565 = arith.constant 0 : i32
      %dma_start3A_566 = arith.constant 0 : i32
      %dma_start3A_567 = tpu.memref_slice %arg7[%dma_start3A_562, %dma_start3A_564, %dma_start3A_565, %dma_start3A_566] : memref<4x8x8x129xf32, #tpu.memory_space<vmem>> -> memref<1x8x8x128xf32, #tpu.memory_space<vmem>>
      %dma_start3A_568 = tpu.memref_squeeze %dma_start3A_567 : memref<1x8x8x128xf32, #tpu.memory_space<vmem>> -> memref<8x8x128xf32, #tpu.memory_space<vmem>>
      %dma_start3A_569 = arith.constant 0 : i32
      %dma_start3A_570 = arith.constant 0 : i32
      %dma_start3A_571 = arith.constant 0 : i32
      %dma_start3A_572 = tpu.memref_slice %arg4[%add3A_522, %dma_start3A_569, %add3A, %dma_start3A_570, %dma_start3A_571] : memref<200x8x32x8x128xf32, #tpu.memory_space<hbm>> -> memref<1x8x1x8x128xf32, #tpu.memory_space<hbm>>
      %dma_start3A_573 = tpu.memref_squeeze %dma_start3A_572 : memref<1x8x1x8x128xf32, #tpu.memory_space<hbm>> -> memref<8x8x128xf32, #tpu.memory_space<hbm>>
      %dma_start3A_574 = tpu.memref_slice %arg10[%dma_start3A_563] : memref<4x!tpu.dma_semaphore, #tpu.memory_space<semaphore_mem>> -> memref<1x!tpu.dma_semaphore, #tpu.memory_space<semaphore_mem>>
      %dma_start3A_575 = tpu.memref_squeeze %dma_start3A_574 : memref<1x!tpu.dma_semaphore, #tpu.memory_space<semaphore_mem>> -> memref<!tpu.dma_semaphore, #tpu.memory_space<semaphore_mem>>
      %dma_start3A_576 = arith.constant 0 : i32
      %dma_start3A_577 = arith.constant 0 : i32
      %dma_start3A_578 = arith.constant 0 : i32
      %dma_start3A_579 = tpu.memref_slice %arg4[%add3A_522, %dma_start3A_576, %add3A, %dma_start3A_577, %dma_start3A_578] : memref<200x8x32x8x128xf32, #tpu.memory_space<hbm>> -> memref<1x8x1x8x128xf32, #tpu.memory_space<hbm>>
      %dma_start3A_580 = tpu.memref_squeeze %dma_start3A_579 : memref<1x8x1x8x128xf32, #tpu.memory_space<hbm>> -> memref<8x8x128xf32, #tpu.memory_space<hbm>>
      %dma_start3A_581 = arith.constant 0 : i32
      %dma_start3A_582 = arith.constant 0 : i32
      %dma_start3A_583 = arith.constant 0 : i32
      %dma_start3A_584 = tpu.memref_slice %arg7[%dma_start3A_562, %dma_start3A_581, %dma_start3A_582, %dma_start3A_583] : memref<4x8x8x129xf32, #tpu.memory_space<vmem>> -> memref<1x8x8x128xf32, #tpu.memory_space<vmem>>
      %dma_start3A_585 = tpu.memref_squeeze %dma_start3A_584 : memref<1x8x8x128xf32, #tpu.memory_space<vmem>> -> memref<8x8x128xf32, #tpu.memory_space<vmem>>
      tpu.enqueue_dma source(%dma_start3A_585 : memref<8x8x128xf32, #tpu.memory_space<vmem>>) target(%dma_start3A_580 : memref<8x8x128xf32, #tpu.memory_space<hbm>>) target_semaphore(%dma_start3A_575 : memref<!tpu.dma_semaphore, #tpu.memory_space<semaphore_mem>>)
      %lt3A_586 = arith.constant 49 : i32
      %lt3A_587 = arith.cmpi slt, %scan3A_378, %lt3A_586 : i32
      %convert_element_type3A_588 = arith.extui %lt3A_587 : i1 to i32
      %cond3A_589 = arith.constant 0 : i32
      %cond3A_590 = arith.cmpi ne, %convert_element_type3A_588, %cond3A_589 : i32
      scf.if %cond3A_590 {
        %add3A_663 = arith.constant 4 : i32
        %add3A_664 = arith.addi %add3A_522, %add3A_663 : i32
        %dma_start3A_665 = arith.constant 2 : i32
        %dma_start3A_666 = arith.constant 2 : i32
        %dma_start3A_667 = arith.constant 0 : i32
        %dma_start3A_668 = arith.constant 0 : i32
        %dma_start3A_669 = tpu.memref_slice %arg6[%dma_start3A_665, %dma_start3A_667, %dma_start3A_668] : memref<4x128x128xf32, #tpu.memory_space<vmem>> -> memref<1x64x128xf32, #tpu.memory_space<vmem>>
        %dma_start3A_670 = tpu.memref_squeeze %dma_start3A_669 : memref<1x64x128xf32, #tpu.memory_space<vmem>> -> memref<64x128xf32, #tpu.memory_space<vmem>>
        %dma_start3A_671 = arith.constant 0 : i32
        %dma_start3A_672 = tpu.memref_slice %arg5[%add3A_664, %dma_start3A_671] : memref<200x128xi32, #tpu.memory_space<vmem>> -> memref<1x64xi32, #tpu.memory_space<vmem>>
        %dma_start3A_673 = tpu.memref_squeeze %dma_start3A_672 : memref<1x64xi32, #tpu.memory_space<vmem>> -> memref<64xi32, #tpu.memory_space<vmem>>
        %dma_start3A_674 = arith.constant 0 : i32
        %dma_start3A_675 = arith.constant 0 : i32
        %dma_start3A_676 = tpu.memref_slice %arg3[%dma_start3A_674, %dma_start3A_675] : memref<1000000x128xf32, #tpu.memory_space<hbm>> -> memref<1000000x128xf32, #tpu.memory_space<hbm>>
        %dma_start3A_677 = tpu.memref_slice %arg8[%dma_start3A_666] : memref<4x!tpu.dma_semaphore, #tpu.memory_space<semaphore_mem>> -> memref<1x!tpu.dma_semaphore, #tpu.memory_space<semaphore_mem>>
        %dma_start3A_678 = tpu.memref_squeeze %dma_start3A_677 : memref<1x!tpu.dma_semaphore, #tpu.memory_space<semaphore_mem>> -> memref<!tpu.dma_semaphore, #tpu.memory_space<semaphore_mem>>
        tpu.enqueue_indirect_dma source(%dma_start3A_676 : memref<1000000x128xf32, #tpu.memory_space<hbm>>) target(%dma_start3A_670 : memref<64x128xf32, #tpu.memory_space<vmem>>) offsets(%dma_start3A_673 : memref<64xi32, #tpu.memory_space<vmem>>) semaphore(%dma_start3A_678 : memref<!tpu.dma_semaphore, #tpu.memory_space<semaphore_mem>>)
        %dma_start3A_679 = arith.constant 2 : i32
        %dma_start3A_680 = arith.constant 2 : i32
        %dma_start3A_681 = arith.constant 64 : i32
        %dma_start3A_682 = arith.constant 0 : i32
        %dma_start3A_683 = tpu.memref_slice %arg6[%dma_start3A_679, %dma_start3A_681, %dma_start3A_682] : memref<4x128x128xf32, #tpu.memory_space<vmem>> -> memref<1x64x128xf32, #tpu.memory_space<vmem>>
        %dma_start3A_684 = tpu.memref_squeeze %dma_start3A_683 : memref<1x64x128xf32, #tpu.memory_space<vmem>> -> memref<64x128xf32, #tpu.memory_space<vmem>>
        %dma_start3A_685 = arith.constant 64 : i32
        %dma_start3A_686 = tpu.memref_slice %arg5[%add3A_664, %dma_start3A_685] : memref<200x128xi32, #tpu.memory_space<vmem>> -> memref<1x64xi32, #tpu.memory_space<vmem>>
        %dma_start3A_687 = tpu.memref_squeeze %dma_start3A_686 : memref<1x64xi32, #tpu.memory_space<vmem>> -> memref<64xi32, #tpu.memory_space<vmem>>
        %dma_start3A_688 = arith.constant 0 : i32
        %dma_start3A_689 = arith.constant 0 : i32
        %dma_start3A_690 = tpu.memref_slice %arg3[%dma_start3A_688, %dma_start3A_689] : memref<1000000x128xf32, #tpu.memory_space<hbm>> -> memref<1000000x128xf32, #tpu.memory_space<hbm>>
        %dma_start3A_691 = tpu.memref_slice %arg9[%dma_start3A_680] : memref<4x!tpu.dma_semaphore, #tpu.memory_space<semaphore_mem>> -> memref<1x!tpu.dma_semaphore, #tpu.memory_space<semaphore_mem>>
        %dma_start3A_692 = tpu.memref_squeeze %dma_start3A_691 : memref<1x!tpu.dma_semaphore, #tpu.memory_space<semaphore_mem>> -> memref<!tpu.dma_semaphore, #tpu.memory_space<semaphore_mem>>
        tpu.enqueue_indirect_dma source(%dma_start3A_690 : memref<1000000x128xf32, #tpu.memory_space<hbm>>) target(%dma_start3A_684 : memref<64x128xf32, #tpu.memory_space<vmem>>) offsets(%dma_start3A_687 : memref<64xi32, #tpu.memory_space<vmem>>) semaphore(%dma_start3A_692 : memref<!tpu.dma_semaphore, #tpu.memory_space<semaphore_mem>>)
      } else {
      }
      %mul3A_591 = arith.constant 4 : i32
      %mul3A_592 = arith.muli %scan3A_378, %mul3A_591 : i32
      %add3A_593 = arith.constant 3 : i32
      %add3A_594 = arith.addi %mul3A_592, %add3A_593 : i32
      %dma_wait3A_595 = arith.constant 3 : i32
      %dma_wait3A_596 = arith.constant 3 : i32
      %dma_wait3A_597 = arith.constant 0 : i32
      %dma_wait3A_598 = arith.constant 0 : i32
      %dma_wait3A_599 = tpu.memref_slice %arg6[%dma_wait3A_595, %dma_wait3A_597, %dma_wait3A_598] : memref<4x128x128xf32, #tpu.memory_space<vmem>> -> memref<1x64x128xf32, #tpu.memory_space<vmem>>
      %dma_wait3A_600 = tpu.memref_squeeze %dma_wait3A_599 : memref<1x64x128xf32, #tpu.memory_space<vmem>> -> memref<64x128xf32, #tpu.memory_space<vmem>>
      %dma_wait3A_601 = arith.constant 0 : i32
      %dma_wait3A_602 = tpu.memref_slice %arg5[%add3A_594, %dma_wait3A_601] : memref<200x128xi32, #tpu.memory_space<vmem>> -> memref<1x64xi32, #tpu.memory_space<vmem>>
      %dma_wait3A_603 = tpu.memref_squeeze %dma_wait3A_602 : memref<1x64xi32, #tpu.memory_space<vmem>> -> memref<64xi32, #tpu.memory_space<vmem>>
      %dma_wait3A_604 = arith.constant 0 : i32
      %dma_wait3A_605 = arith.constant 0 : i32
      %dma_wait3A_606 = tpu.memref_slice %arg3[%dma_wait3A_604, %dma_wait3A_605] : memref<1000000x128xf32, #tpu.memory_space<hbm>> -> memref<1000000x128xf32, #tpu.memory_space<hbm>>
      %dma_wait3A_607 = tpu.memref_slice %arg8[%dma_wait3A_596] : memref<4x!tpu.dma_semaphore, #tpu.memory_space<semaphore_mem>> -> memref<1x!tpu.dma_semaphore, #tpu.memory_space<semaphore_mem>>
      %dma_wait3A_608 = tpu.memref_squeeze %dma_wait3A_607 : memref<1x!tpu.dma_semaphore, #tpu.memory_space<semaphore_mem>> -> memref<!tpu.dma_semaphore, #tpu.memory_space<semaphore_mem>>
      tpu.wait_indirect_dma semaphore(%dma_wait3A_608 : memref<!tpu.dma_semaphore, #tpu.memory_space<semaphore_mem>>) src(%dma_wait3A_606 : memref<1000000x128xf32, #tpu.memory_space<hbm>>) dst(%dma_wait3A_600 : memref<64x128xf32, #tpu.memory_space<vmem>>)
      %dma_wait3A_609 = arith.constant 3 : i32
      %dma_wait3A_610 = arith.constant 3 : i32
      %dma_wait3A_611 = arith.constant 64 : i32
      %dma_wait3A_612 = arith.constant 0 : i32
      %dma_wait3A_613 = tpu.memref_slice %arg6[%dma_wait3A_609, %dma_wait3A_611, %dma_wait3A_612] : memref<4x128x128xf32, #tpu.memory_space<vmem>> -> memref<1x64x128xf32, #tpu.memory_space<vmem>>
      %dma_wait3A_614 = tpu.memref_squeeze %dma_wait3A_613 : memref<1x64x128xf32, #tpu.memory_space<vmem>> -> memref<64x128xf32, #tpu.memory_space<vmem>>
      %dma_wait3A_615 = arith.constant 64 : i32
      %dma_wait3A_616 = tpu.memref_slice %arg5[%add3A_594, %dma_wait3A_615] : memref<200x128xi32, #tpu.memory_space<vmem>> -> memref<1x64xi32, #tpu.memory_space<vmem>>
      %dma_wait3A_617 = tpu.memref_squeeze %dma_wait3A_616 : memref<1x64xi32, #tpu.memory_space<vmem>> -> memref<64xi32, #tpu.memory_space<vmem>>
      %dma_wait3A_618 = arith.constant 0 : i32
      %dma_wait3A_619 = arith.constant 0 : i32
      %dma_wait3A_620 = tpu.memref_slice %arg3[%dma_wait3A_618, %dma_wait3A_619] : memref<1000000x128xf32, #tpu.memory_space<hbm>> -> memref<1000000x128xf32, #tpu.memory_space<hbm>>
      %dma_wait3A_621 = tpu.memref_slice %arg9[%dma_wait3A_610] : memref<4x!tpu.dma_semaphore, #tpu.memory_space<semaphore_mem>> -> memref<1x!tpu.dma_semaphore, #tpu.memory_space<semaphore_mem>>
      %dma_wait3A_622 = tpu.memref_squeeze %dma_wait3A_621 : memref<1x!tpu.dma_semaphore, #tpu.memory_space<semaphore_mem>> -> memref<!tpu.dma_semaphore, #tpu.memory_space<semaphore_mem>>
      tpu.wait_indirect_dma semaphore(%dma_wait3A_622 : memref<!tpu.dma_semaphore, #tpu.memory_space<semaphore_mem>>) src(%dma_wait3A_620 : memref<1000000x128xf32, #tpu.memory_space<hbm>>) dst(%dma_wait3A_614 : memref<64x128xf32, #tpu.memory_space<vmem>>)
      %gt3A_623 = arith.constant 0 : i32
      %gt3A_624 = arith.cmpi sgt, %scan3A_378, %gt3A_623 : i32
      %convert_element_type3A_625 = arith.extui %gt3A_624 : i1 to i32
      %cond3A_626 = arith.constant 0 : i32
      %cond3A_627 = arith.cmpi ne, %convert_element_type3A_625, %cond3A_626 : i32
      scf.if %cond3A_627 {
        %sub3A_663 = arith.constant 4 : i32
        %sub3A_664 = arith.subi %add3A_594, %sub3A_663 : i32
        %dma_wait3A_665 = arith.constant 3 : i32
        %dma_wait3A_666 = arith.constant 3 : i32
        %dma_wait3A_667 = arith.constant 0 : i32
        %dma_wait3A_668 = arith.constant 0 : i32
        %dma_wait3A_669 = arith.constant 0 : i32
        %dma_wait3A_670 = tpu.memref_slice %arg7[%dma_wait3A_665, %dma_wait3A_667, %dma_wait3A_668, %dma_wait3A_669] : memref<4x8x8x129xf32, #tpu.memory_space<vmem>> -> memref<1x8x8x128xf32, #tpu.memory_space<vmem>>
        %dma_wait3A_671 = tpu.memref_squeeze %dma_wait3A_670 : memref<1x8x8x128xf32, #tpu.memory_space<vmem>> -> memref<8x8x128xf32, #tpu.memory_space<vmem>>
        %dma_wait3A_672 = arith.constant 0 : i32
        %dma_wait3A_673 = arith.constant 0 : i32
        %dma_wait3A_674 = arith.constant 0 : i32
        %dma_wait3A_675 = tpu.memref_slice %arg4[%sub3A_664, %dma_wait3A_672, %add3A, %dma_wait3A_673, %dma_wait3A_674] : memref<200x8x32x8x128xf32, #tpu.memory_space<hbm>> -> memref<1x8x1x8x128xf32, #tpu.memory_space<hbm>>
        %dma_wait3A_676 = tpu.memref_squeeze %dma_wait3A_675 : memref<1x8x1x8x128xf32, #tpu.memory_space<hbm>> -> memref<8x8x128xf32, #tpu.memory_space<hbm>>
        %dma_wait3A_677 = tpu.memref_slice %arg10[%dma_wait3A_666] : memref<4x!tpu.dma_semaphore, #tpu.memory_space<semaphore_mem>> -> memref<1x!tpu.dma_semaphore, #tpu.memory_space<semaphore_mem>>
        %dma_wait3A_678 = tpu.memref_squeeze %dma_wait3A_677 : memref<1x!tpu.dma_semaphore, #tpu.memory_space<semaphore_mem>> -> memref<!tpu.dma_semaphore, #tpu.memory_space<semaphore_mem>>
        %dma_wait3A_679 = arith.constant 0 : i32
        %dma_wait3A_680 = arith.constant 0 : i32
        %dma_wait3A_681 = arith.constant 0 : i32
        %dma_wait3A_682 = tpu.memref_slice %arg4[%sub3A_664, %dma_wait3A_679, %add3A, %dma_wait3A_680, %dma_wait3A_681] : memref<200x8x32x8x128xf32, #tpu.memory_space<hbm>> -> memref<1x8x1x8x128xf32, #tpu.memory_space<hbm>>
        %dma_wait3A_683 = tpu.memref_squeeze %dma_wait3A_682 : memref<1x8x1x8x128xf32, #tpu.memory_space<hbm>> -> memref<8x8x128xf32, #tpu.memory_space<hbm>>
        %dma_wait3A_684 = arith.constant 0 : i32
        %dma_wait3A_685 = arith.constant 0 : i32
        %dma_wait3A_686 = arith.constant 0 : i32
        %dma_wait3A_687 = tpu.memref_slice %arg7[%dma_wait3A_665, %dma_wait3A_684, %dma_wait3A_685, %dma_wait3A_686] : memref<4x8x8x129xf32, #tpu.memory_space<vmem>> -> memref<1x8x8x128xf32, #tpu.memory_space<vmem>>
        %dma_wait3A_688 = tpu.memref_squeeze %dma_wait3A_687 : memref<1x8x8x128xf32, #tpu.memory_space<vmem>> -> memref<8x8x128xf32, #tpu.memory_space<vmem>>
        tpu.wait_dma2 semaphore(%dma_wait3A_678 : memref<!tpu.dma_semaphore, #tpu.memory_space<semaphore_mem>>) src(%dma_wait3A_688 : memref<8x8x128xf32, #tpu.memory_space<vmem>>) dst(%dma_wait3A_683 : memref<8x8x128xf32, #tpu.memory_space<hbm>>)
      } else {
      }
      %scan3A_628 = arith.constant 0 : i32
      %scan3A_629 = arith.constant 0 : i32
      %scan3A_630 = arith.constant 32 : i32
      %scan3A_631 = arith.addi %scan3A_629, %scan3A_630 : i32
      %scan3A_632 = arith.constant 1 : i32
      scf.for %scan3A_663 = %scan3A_629 to %scan3A_631 step %scan3A_632  : i32 {
        %mul3A_664 = arith.constant 4 : i32
        %mul3A_665 = arith.muli %scan3A_663, %mul3A_664 : i32
        %broadcast_in_dim3A = vector.broadcast %mul3A_665 : i32 to vector<16xi32>
        %add3A_666 = arith.constant 0 : i32
        %add3A_667 = arith.addi %mul3A_665, %add3A_666 : i32
        %add3A_668 = arith.constant 0 : i32
        %add3A_669 = vector.broadcast %add3A_668 : i32 to vector<16xi32>
        %add3A_670 = arith.addi %broadcast_in_dim3A, %add3A_669 : vector<16xi32>
        %get3A = arith.constant 3 : i32
        %get3A_671 = arith.index_cast %get3A : i32 to index
        %get3A_672 = arith.index_cast %add3A_667 : i32 to index
        %get3A_673 = arith.constant 0 : index
        %get3A_674 = tpu.vector_load %arg6[%get3A_671, %get3A_672, %get3A_673] {strides = array<i32>} : memref<4x128x128xf32, #tpu.memory_space<vmem>>, vector<16xf32>,
        %mul3A_675 = arith.constant 8.000000e+00 : f32
        %mul3A_676 = vector.broadcast %mul3A_675 : f32 to vector<16xf32>
        %mul3A_677 = arith.mulf %get3A_674, %mul3A_676 : vector<16xf32>
        %scatter3A = arith.constant 3 : i32
        %scatter3A_678 = arith.constant 0 : i32
        %scatter3A_679 = arith.constant 0 : i32
        %scatter3A_680 = arith.constant 0 : i32
        %scatter3A_681 = tpu.memref_slice %arg7[%scatter3A, %scatter3A_678, %scatter3A_679, %scatter3A_680] : memref<4x8x8x129xf32, #tpu.memory_space<vmem>> -> memref<1x8x8x129xf32, #tpu.memory_space<vmem>>
        %scatter3A_682 = tpu.memref_squeeze %scatter3A_681 : memref<1x8x8x129xf32, #tpu.memory_space<vmem>> -> memref<8x8x129xf32, #tpu.memory_space<vmem>>
        tpu.vector_store_idx %scatter3A_682[%select_n3A, %rem3A_136, %add3A_670], %mul3A_677 : memref<8x8x129xf32, #tpu.memory_space<vmem>>[vector<16xi32>, vector<16xi32>, vector<16xi32>], vector<16xf32>,
        %get3A_683 = arith.constant 3 : i32
        %get3A_684 = arith.index_cast %get3A_683 : i32 to index
        %get3A_685 = arith.index_cast %add3A_667 : i32 to index
        %get3A_686 = arith.constant 16 : index
        %get3A_687 = tpu.vector_load %arg6[%get3A_684, %get3A_685, %get3A_686] {strides = array<i32>} : memref<4x128x128xf32, #tpu.memory_space<vmem>>, vector<16xf32>,
        %mul3A_688 = arith.constant 8.000000e+00 : f32
        %mul3A_689 = vector.broadcast %mul3A_688 : f32 to vector<16xf32>
        %mul3A_690 = arith.mulf %get3A_687, %mul3A_689 : vector<16xf32>
        %scatter3A_691 = arith.constant 3 : i32
        %scatter3A_692 = arith.constant 0 : i32
        %scatter3A_693 = arith.constant 0 : i32
        %scatter3A_694 = arith.constant 0 : i32
        %scatter3A_695 = tpu.memref_slice %arg7[%scatter3A_691, %scatter3A_692, %scatter3A_693, %scatter3A_694] : memref<4x8x8x129xf32, #tpu.memory_space<vmem>> -> memref<1x8x8x129xf32, #tpu.memory_space<vmem>>
        %scatter3A_696 = tpu.memref_squeeze %scatter3A_695 : memref<1x8x8x129xf32, #tpu.memory_space<vmem>> -> memref<8x8x129xf32, #tpu.memory_space<vmem>>
        tpu.vector_store_idx %scatter3A_696[%select_n3A_62, %rem3A_142, %add3A_670], %mul3A_690 : memref<8x8x129xf32, #tpu.memory_space<vmem>>[vector<16xi32>, vector<16xi32>, vector<16xi32>], vector<16xf32>,
        %get3A_697 = arith.constant 3 : i32
        %get3A_698 = arith.index_cast %get3A_697 : i32 to index
        %get3A_699 = arith.index_cast %add3A_667 : i32 to index
        %get3A_700 = arith.constant 32 : index
        %get3A_701 = tpu.vector_load %arg6[%get3A_698, %get3A_699, %get3A_700] {strides = array<i32>} : memref<4x128x128xf32, #tpu.memory_space<vmem>>, vector<16xf32>,
        %mul3A_702 = arith.constant 8.000000e+00 : f32
        %mul3A_703 = vector.broadcast %mul3A_702 : f32 to vector<16xf32>
        %mul3A_704 = arith.mulf %get3A_701, %mul3A_703 : vector<16xf32>
        %scatter3A_705 = arith.constant 3 : i32
        %scatter3A_706 = arith.constant 0 : i32
        %scatter3A_707 = arith.constant 0 : i32
        %scatter3A_708 = arith.constant 0 : i32
        %scatter3A_709 = tpu.memref_slice %arg7[%scatter3A_705, %scatter3A_706, %scatter3A_707, %scatter3A_708] : memref<4x8x8x129xf32, #tpu.memory_space<vmem>> -> memref<1x8x8x129xf32, #tpu.memory_space<vmem>>
        %scatter3A_710 = tpu.memref_squeeze %scatter3A_709 : memref<1x8x8x129xf32, #tpu.memory_space<vmem>> -> memref<8x8x129xf32, #tpu.memory_space<vmem>>
        tpu.vector_store_idx %scatter3A_710[%select_n3A_96, %rem3A_148, %add3A_670], %mul3A_704 : memref<8x8x129xf32, #tpu.memory_space<vmem>>[vector<16xi32>, vector<16xi32>, vector<16xi32>], vector<16xf32>,
        %get3A_711 = arith.constant 3 : i32
        %get3A_712 = arith.index_cast %get3A_711 : i32 to index
        %get3A_713 = arith.index_cast %add3A_667 : i32 to index
        %get3A_714 = arith.constant 48 : index
        %get3A_715 = tpu.vector_load %arg6[%get3A_712, %get3A_713, %get3A_714] {strides = array<i32>} : memref<4x128x128xf32, #tpu.memory_space<vmem>>, vector<16xf32>,
        %mul3A_716 = arith.constant 8.000000e+00 : f32
        %mul3A_717 = vector.broadcast %mul3A_716 : f32 to vector<16xf32>
        %mul3A_718 = arith.mulf %get3A_715, %mul3A_717 : vector<16xf32>
        %scatter3A_719 = arith.constant 3 : i32
        %scatter3A_720 = arith.constant 0 : i32
        %scatter3A_721 = arith.constant 0 : i32
        %scatter3A_722 = arith.constant 0 : i32
        %scatter3A_723 = tpu.memref_slice %arg7[%scatter3A_719, %scatter3A_720, %scatter3A_721, %scatter3A_722] : memref<4x8x8x129xf32, #tpu.memory_space<vmem>> -> memref<1x8x8x129xf32, #tpu.memory_space<vmem>>
        %scatter3A_724 = tpu.memref_squeeze %scatter3A_723 : memref<1x8x8x129xf32, #tpu.memory_space<vmem>> -> memref<8x8x129xf32, #tpu.memory_space<vmem>>
        tpu.vector_store_idx %scatter3A_724[%select_n3A_130, %rem3A_154, %add3A_670], %mul3A_718 : memref<8x8x129xf32, #tpu.memory_space<vmem>>[vector<16xi32>, vector<16xi32>, vector<16xi32>], vector<16xf32>,
        %add3A_725 = arith.constant 1 : i32
        %add3A_726 = arith.addi %mul3A_665, %add3A_725 : i32
        %add3A_727 = arith.constant 1 : i32
        %add3A_728 = vector.broadcast %add3A_727 : i32 to vector<16xi32>
        %add3A_729 = arith.addi %broadcast_in_dim3A, %add3A_728 : vector<16xi32>
        %get3A_730 = arith.constant 3 : i32
        %get3A_731 = arith.index_cast %get3A_730 : i32 to index
        %get3A_732 = arith.index_cast %add3A_726 : i32 to index
        %get3A_733 = arith.constant 0 : index
        %get3A_734 = tpu.vector_load %arg6[%get3A_731, %get3A_732, %get3A_733] {strides = array<i32>} : memref<4x128x128xf32, #tpu.memory_space<vmem>>, vector<16xf32>,
        %mul3A_735 = arith.constant 8.000000e+00 : f32
        %mul3A_736 = vector.broadcast %mul3A_735 : f32 to vector<16xf32>
        %mul3A_737 = arith.mulf %get3A_734, %mul3A_736 : vector<16xf32>
        %scatter3A_738 = arith.constant 3 : i32
        %scatter3A_739 = arith.constant 0 : i32
        %scatter3A_740 = arith.constant 0 : i32
        %scatter3A_741 = arith.constant 0 : i32
        %scatter3A_742 = tpu.memref_slice %arg7[%scatter3A_738, %scatter3A_739, %scatter3A_740, %scatter3A_741] : memref<4x8x8x129xf32, #tpu.memory_space<vmem>> -> memref<1x8x8x129xf32, #tpu.memory_space<vmem>>
        %scatter3A_743 = tpu.memref_squeeze %scatter3A_742 : memref<1x8x8x129xf32, #tpu.memory_space<vmem>> -> memref<8x8x129xf32, #tpu.memory_space<vmem>>
        tpu.vector_store_idx %scatter3A_743[%select_n3A, %rem3A_136, %add3A_729], %mul3A_737 : memref<8x8x129xf32, #tpu.memory_space<vmem>>[vector<16xi32>, vector<16xi32>, vector<16xi32>], vector<16xf32>,
        %get3A_744 = arith.constant 3 : i32
        %get3A_745 = arith.index_cast %get3A_744 : i32 to index
        %get3A_746 = arith.index_cast %add3A_726 : i32 to index
        %get3A_747 = arith.constant 16 : index
        %get3A_748 = tpu.vector_load %arg6[%get3A_745, %get3A_746, %get3A_747] {strides = array<i32>} : memref<4x128x128xf32, #tpu.memory_space<vmem>>, vector<16xf32>,
        %mul3A_749 = arith.constant 8.000000e+00 : f32
        %mul3A_750 = vector.broadcast %mul3A_749 : f32 to vector<16xf32>
        %mul3A_751 = arith.mulf %get3A_748, %mul3A_750 : vector<16xf32>
        %scatter3A_752 = arith.constant 3 : i32
        %scatter3A_753 = arith.constant 0 : i32
        %scatter3A_754 = arith.constant 0 : i32
        %scatter3A_755 = arith.constant 0 : i32
        %scatter3A_756 = tpu.memref_slice %arg7[%scatter3A_752, %scatter3A_753, %scatter3A_754, %scatter3A_755] : memref<4x8x8x129xf32, #tpu.memory_space<vmem>> -> memref<1x8x8x129xf32, #tpu.memory_space<vmem>>
        %scatter3A_757 = tpu.memref_squeeze %scatter3A_756 : memref<1x8x8x129xf32, #tpu.memory_space<vmem>> -> memref<8x8x129xf32, #tpu.memory_space<vmem>>
        tpu.vector_store_idx %scatter3A_757[%select_n3A_62, %rem3A_142, %add3A_729], %mul3A_751 : memref<8x8x129xf32, #tpu.memory_space<vmem>>[vector<16xi32>, vector<16xi32>, vector<16xi32>], vector<16xf32>,
        %get3A_758 = arith.constant 3 : i32
        %get3A_759 = arith.index_cast %get3A_758 : i32 to index
        %get3A_760 = arith.index_cast %add3A_726 : i32 to index
        %get3A_761 = arith.constant 32 : index
        %get3A_762 = tpu.vector_load %arg6[%get3A_759, %get3A_760, %get3A_761] {strides = array<i32>} : memref<4x128x128xf32, #tpu.memory_space<vmem>>, vector<16xf32>,
        %mul3A_763 = arith.constant 8.000000e+00 : f32
        %mul3A_764 = vector.broadcast %mul3A_763 : f32 to vector<16xf32>
        %mul3A_765 = arith.mulf %get3A_762, %mul3A_764 : vector<16xf32>
        %scatter3A_766 = arith.constant 3 : i32
        %scatter3A_767 = arith.constant 0 : i32
        %scatter3A_768 = arith.constant 0 : i32
        %scatter3A_769 = arith.constant 0 : i32
        %scatter3A_770 = tpu.memref_slice %arg7[%scatter3A_766, %scatter3A_767, %scatter3A_768, %scatter3A_769] : memref<4x8x8x129xf32, #tpu.memory_space<vmem>> -> memref<1x8x8x129xf32, #tpu.memory_space<vmem>>
        %scatter3A_771 = tpu.memref_squeeze %scatter3A_770 : memref<1x8x8x129xf32, #tpu.memory_space<vmem>> -> memref<8x8x129xf32, #tpu.memory_space<vmem>>
        tpu.vector_store_idx %scatter3A_771[%select_n3A_96, %rem3A_148, %add3A_729], %mul3A_765 : memref<8x8x129xf32, #tpu.memory_space<vmem>>[vector<16xi32>, vector<16xi32>, vector<16xi32>], vector<16xf32>,
        %get3A_772 = arith.constant 3 : i32
        %get3A_773 = arith.index_cast %get3A_772 : i32 to index
        %get3A_774 = arith.index_cast %add3A_726 : i32 to index
        %get3A_775 = arith.constant 48 : index
        %get3A_776 = tpu.vector_load %arg6[%get3A_773, %get3A_774, %get3A_775] {strides = array<i32>} : memref<4x128x128xf32, #tpu.memory_space<vmem>>, vector<16xf32>,
        %mul3A_777 = arith.constant 8.000000e+00 : f32
        %mul3A_778 = vector.broadcast %mul3A_777 : f32 to vector<16xf32>
        %mul3A_779 = arith.mulf %get3A_776, %mul3A_778 : vector<16xf32>
        %scatter3A_780 = arith.constant 3 : i32
        %scatter3A_781 = arith.constant 0 : i32
        %scatter3A_782 = arith.constant 0 : i32
        %scatter3A_783 = arith.constant 0 : i32
        %scatter3A_784 = tpu.memref_slice %arg7[%scatter3A_780, %scatter3A_781, %scatter3A_782, %scatter3A_783] : memref<4x8x8x129xf32, #tpu.memory_space<vmem>> -> memref<1x8x8x129xf32, #tpu.memory_space<vmem>>
        %scatter3A_785 = tpu.memref_squeeze %scatter3A_784 : memref<1x8x8x129xf32, #tpu.memory_space<vmem>> -> memref<8x8x129xf32, #tpu.memory_space<vmem>>
        tpu.vector_store_idx %scatter3A_785[%select_n3A_130, %rem3A_154, %add3A_729], %mul3A_779 : memref<8x8x129xf32, #tpu.memory_space<vmem>>[vector<16xi32>, vector<16xi32>, vector<16xi32>], vector<16xf32>,
        %add3A_786 = arith.constant 2 : i32
        %add3A_787 = arith.addi %mul3A_665, %add3A_786 : i32
        %add3A_788 = arith.constant 2 : i32
        %add3A_789 = vector.broadcast %add3A_788 : i32 to vector<16xi32>
        %add3A_790 = arith.addi %broadcast_in_dim3A, %add3A_789 : vector<16xi32>
        %get3A_791 = arith.constant 3 : i32
        %get3A_792 = arith.index_cast %get3A_791 : i32 to index
        %get3A_793 = arith.index_cast %add3A_787 : i32 to index
        %get3A_794 = arith.constant 0 : index
        %get3A_795 = tpu.vector_load %arg6[%get3A_792, %get3A_793, %get3A_794] {strides = array<i32>} : memref<4x128x128xf32, #tpu.memory_space<vmem>>, vector<16xf32>,
        %mul3A_796 = arith.constant 8.000000e+00 : f32
        %mul3A_797 = vector.broadcast %mul3A_796 : f32 to vector<16xf32>
        %mul3A_798 = arith.mulf %get3A_795, %mul3A_797 : vector<16xf32>
        %scatter3A_799 = arith.constant 3 : i32
        %scatter3A_800 = arith.constant 0 : i32
        %scatter3A_801 = arith.constant 0 : i32
        %scatter3A_802 = arith.constant 0 : i32
        %scatter3A_803 = tpu.memref_slice %arg7[%scatter3A_799, %scatter3A_800, %scatter3A_801, %scatter3A_802] : memref<4x8x8x129xf32, #tpu.memory_space<vmem>> -> memref<1x8x8x129xf32, #tpu.memory_space<vmem>>
        %scatter3A_804 = tpu.memref_squeeze %scatter3A_803 : memref<1x8x8x129xf32, #tpu.memory_space<vmem>> -> memref<8x8x129xf32, #tpu.memory_space<vmem>>
        tpu.vector_store_idx %scatter3A_804[%select_n3A, %rem3A_136, %add3A_790], %mul3A_798 : memref<8x8x129xf32, #tpu.memory_space<vmem>>[vector<16xi32>, vector<16xi32>, vector<16xi32>], vector<16xf32>,
        %get3A_805 = arith.constant 3 : i32
        %get3A_806 = arith.index_cast %get3A_805 : i32 to index
        %get3A_807 = arith.index_cast %add3A_787 : i32 to index
        %get3A_808 = arith.constant 16 : index
        %get3A_809 = tpu.vector_load %arg6[%get3A_806, %get3A_807, %get3A_808] {strides = array<i32>} : memref<4x128x128xf32, #tpu.memory_space<vmem>>, vector<16xf32>,
        %mul3A_810 = arith.constant 8.000000e+00 : f32
        %mul3A_811 = vector.broadcast %mul3A_810 : f32 to vector<16xf32>
        %mul3A_812 = arith.mulf %get3A_809, %mul3A_811 : vector<16xf32>
        %scatter3A_813 = arith.constant 3 : i32
        %scatter3A_814 = arith.constant 0 : i32
        %scatter3A_815 = arith.constant 0 : i32
        %scatter3A_816 = arith.constant 0 : i32
        %scatter3A_817 = tpu.memref_slice %arg7[%scatter3A_813, %scatter3A_814, %scatter3A_815, %scatter3A_816] : memref<4x8x8x129xf32, #tpu.memory_space<vmem>> -> memref<1x8x8x129xf32, #tpu.memory_space<vmem>>
        %scatter3A_818 = tpu.memref_squeeze %scatter3A_817 : memref<1x8x8x129xf32, #tpu.memory_space<vmem>> -> memref<8x8x129xf32, #tpu.memory_space<vmem>>
        tpu.vector_store_idx %scatter3A_818[%select_n3A_62, %rem3A_142, %add3A_790], %mul3A_812 : memref<8x8x129xf32, #tpu.memory_space<vmem>>[vector<16xi32>, vector<16xi32>, vector<16xi32>], vector<16xf32>,
        %get3A_819 = arith.constant 3 : i32
        %get3A_820 = arith.index_cast %get3A_819 : i32 to index
        %get3A_821 = arith.index_cast %add3A_787 : i32 to index
        %get3A_822 = arith.constant 32 : index
        %get3A_823 = tpu.vector_load %arg6[%get3A_820, %get3A_821, %get3A_822] {strides = array<i32>} : memref<4x128x128xf32, #tpu.memory_space<vmem>>, vector<16xf32>,
        %mul3A_824 = arith.constant 8.000000e+00 : f32
        %mul3A_825 = vector.broadcast %mul3A_824 : f32 to vector<16xf32>
        %mul3A_826 = arith.mulf %get3A_823, %mul3A_825 : vector<16xf32>
        %scatter3A_827 = arith.constant 3 : i32
        %scatter3A_828 = arith.constant 0 : i32
        %scatter3A_829 = arith.constant 0 : i32
        %scatter3A_830 = arith.constant 0 : i32
        %scatter3A_831 = tpu.memref_slice %arg7[%scatter3A_827, %scatter3A_828, %scatter3A_829, %scatter3A_830] : memref<4x8x8x129xf32, #tpu.memory_space<vmem>> -> memref<1x8x8x129xf32, #tpu.memory_space<vmem>>
        %scatter3A_832 = tpu.memref_squeeze %scatter3A_831 : memref<1x8x8x129xf32, #tpu.memory_space<vmem>> -> memref<8x8x129xf32, #tpu.memory_space<vmem>>
        tpu.vector_store_idx %scatter3A_832[%select_n3A_96, %rem3A_148, %add3A_790], %mul3A_826 : memref<8x8x129xf32, #tpu.memory_space<vmem>>[vector<16xi32>, vector<16xi32>, vector<16xi32>], vector<16xf32>,
        %get3A_833 = arith.constant 3 : i32
        %get3A_834 = arith.index_cast %get3A_833 : i32 to index
        %get3A_835 = arith.index_cast %add3A_787 : i32 to index
        %get3A_836 = arith.constant 48 : index
        %get3A_837 = tpu.vector_load %arg6[%get3A_834, %get3A_835, %get3A_836] {strides = array<i32>} : memref<4x128x128xf32, #tpu.memory_space<vmem>>, vector<16xf32>,
        %mul3A_838 = arith.constant 8.000000e+00 : f32
        %mul3A_839 = vector.broadcast %mul3A_838 : f32 to vector<16xf32>
        %mul3A_840 = arith.mulf %get3A_837, %mul3A_839 : vector<16xf32>
        %scatter3A_841 = arith.constant 3 : i32
        %scatter3A_842 = arith.constant 0 : i32
        %scatter3A_843 = arith.constant 0 : i32
        %scatter3A_844 = arith.constant 0 : i32
        %scatter3A_845 = tpu.memref_slice %arg7[%scatter3A_841, %scatter3A_842, %scatter3A_843, %scatter3A_844] : memref<4x8x8x129xf32, #tpu.memory_space<vmem>> -> memref<1x8x8x129xf32, #tpu.memory_space<vmem>>
        %scatter3A_846 = tpu.memref_squeeze %scatter3A_845 : memref<1x8x8x129xf32, #tpu.memory_space<vmem>> -> memref<8x8x129xf32, #tpu.memory_space<vmem>>
        tpu.vector_store_idx %scatter3A_846[%select_n3A_130, %rem3A_154, %add3A_790], %mul3A_840 : memref<8x8x129xf32, #tpu.memory_space<vmem>>[vector<16xi32>, vector<16xi32>, vector<16xi32>], vector<16xf32>,
        %add3A_847 = arith.constant 3 : i32
        %add3A_848 = arith.addi %mul3A_665, %add3A_847 : i32
        %add3A_849 = arith.constant 3 : i32
        %add3A_850 = vector.broadcast %add3A_849 : i32 to vector<16xi32>
        %add3A_851 = arith.addi %broadcast_in_dim3A, %add3A_850 : vector<16xi32>
        %get3A_852 = arith.constant 3 : i32
        %get3A_853 = arith.index_cast %get3A_852 : i32 to index
        %get3A_854 = arith.index_cast %add3A_848 : i32 to index
        %get3A_855 = arith.constant 0 : index
        %get3A_856 = tpu.vector_load %arg6[%get3A_853, %get3A_854, %get3A_855] {strides = array<i32>} : memref<4x128x128xf32, #tpu.memory_space<vmem>>, vector<16xf32>,
        %mul3A_857 = arith.constant 8.000000e+00 : f32
        %mul3A_858 = vector.broadcast %mul3A_857 : f32 to vector<16xf32>
        %mul3A_859 = arith.mulf %get3A_856, %mul3A_858 : vector<16xf32>
        %scatter3A_860 = arith.constant 3 : i32
        %scatter3A_861 = arith.constant 0 : i32
        %scatter3A_862 = arith.constant 0 : i32
        %scatter3A_863 = arith.constant 0 : i32
        %scatter3A_864 = tpu.memref_slice %arg7[%scatter3A_860, %scatter3A_861, %scatter3A_862, %scatter3A_863] : memref<4x8x8x129xf32, #tpu.memory_space<vmem>> -> memref<1x8x8x129xf32, #tpu.memory_space<vmem>>
        %scatter3A_865 = tpu.memref_squeeze %scatter3A_864 : memref<1x8x8x129xf32, #tpu.memory_space<vmem>> -> memref<8x8x129xf32, #tpu.memory_space<vmem>>
        tpu.vector_store_idx %scatter3A_865[%select_n3A, %rem3A_136, %add3A_851], %mul3A_859 : memref<8x8x129xf32, #tpu.memory_space<vmem>>[vector<16xi32>, vector<16xi32>, vector<16xi32>], vector<16xf32>,
        %get3A_866 = arith.constant 3 : i32
        %get3A_867 = arith.index_cast %get3A_866 : i32 to index
        %get3A_868 = arith.index_cast %add3A_848 : i32 to index
        %get3A_869 = arith.constant 16 : index
        %get3A_870 = tpu.vector_load %arg6[%get3A_867, %get3A_868, %get3A_869] {strides = array<i32>} : memref<4x128x128xf32, #tpu.memory_space<vmem>>, vector<16xf32>,
        %mul3A_871 = arith.constant 8.000000e+00 : f32
        %mul3A_872 = vector.broadcast %mul3A_871 : f32 to vector<16xf32>
        %mul3A_873 = arith.mulf %get3A_870, %mul3A_872 : vector<16xf32>
        %scatter3A_874 = arith.constant 3 : i32
        %scatter3A_875 = arith.constant 0 : i32
        %scatter3A_876 = arith.constant 0 : i32
        %scatter3A_877 = arith.constant 0 : i32
        %scatter3A_878 = tpu.memref_slice %arg7[%scatter3A_874, %scatter3A_875, %scatter3A_876, %scatter3A_877] : memref<4x8x8x129xf32, #tpu.memory_space<vmem>> -> memref<1x8x8x129xf32, #tpu.memory_space<vmem>>
        %scatter3A_879 = tpu.memref_squeeze %scatter3A_878 : memref<1x8x8x129xf32, #tpu.memory_space<vmem>> -> memref<8x8x129xf32, #tpu.memory_space<vmem>>
        tpu.vector_store_idx %scatter3A_879[%select_n3A_62, %rem3A_142, %add3A_851], %mul3A_873 : memref<8x8x129xf32, #tpu.memory_space<vmem>>[vector<16xi32>, vector<16xi32>, vector<16xi32>], vector<16xf32>,
        %get3A_880 = arith.constant 3 : i32
        %get3A_881 = arith.index_cast %get3A_880 : i32 to index
        %get3A_882 = arith.index_cast %add3A_848 : i32 to index
        %get3A_883 = arith.constant 32 : index
        %get3A_884 = tpu.vector_load %arg6[%get3A_881, %get3A_882, %get3A_883] {strides = array<i32>} : memref<4x128x128xf32, #tpu.memory_space<vmem>>, vector<16xf32>,
        %mul3A_885 = arith.constant 8.000000e+00 : f32
        %mul3A_886 = vector.broadcast %mul3A_885 : f32 to vector<16xf32>
        %mul3A_887 = arith.mulf %get3A_884, %mul3A_886 : vector<16xf32>
        %scatter3A_888 = arith.constant 3 : i32
        %scatter3A_889 = arith.constant 0 : i32
        %scatter3A_890 = arith.constant 0 : i32
        %scatter3A_891 = arith.constant 0 : i32
        %scatter3A_892 = tpu.memref_slice %arg7[%scatter3A_888, %scatter3A_889, %scatter3A_890, %scatter3A_891] : memref<4x8x8x129xf32, #tpu.memory_space<vmem>> -> memref<1x8x8x129xf32, #tpu.memory_space<vmem>>
        %scatter3A_893 = tpu.memref_squeeze %scatter3A_892 : memref<1x8x8x129xf32, #tpu.memory_space<vmem>> -> memref<8x8x129xf32, #tpu.memory_space<vmem>>
        tpu.vector_store_idx %scatter3A_893[%select_n3A_96, %rem3A_148, %add3A_851], %mul3A_887 : memref<8x8x129xf32, #tpu.memory_space<vmem>>[vector<16xi32>, vector<16xi32>, vector<16xi32>], vector<16xf32>,
        %get3A_894 = arith.constant 3 : i32
        %get3A_895 = arith.index_cast %get3A_894 : i32 to index
        %get3A_896 = arith.index_cast %add3A_848 : i32 to index
        %get3A_897 = arith.constant 48 : index
        %get3A_898 = tpu.vector_load %arg6[%get3A_895, %get3A_896, %get3A_897] {strides = array<i32>} : memref<4x128x128xf32, #tpu.memory_space<vmem>>, vector<16xf32>,
        %mul3A_899 = arith.constant 8.000000e+00 : f32
        %mul3A_900 = vector.broadcast %mul3A_899 : f32 to vector<16xf32>
        %mul3A_901 = arith.mulf %get3A_898, %mul3A_900 : vector<16xf32>
        %scatter3A_902 = arith.constant 3 : i32
        %scatter3A_903 = arith.constant 0 : i32
        %scatter3A_904 = arith.constant 0 : i32
        %scatter3A_905 = arith.constant 0 : i32
        %scatter3A_906 = tpu.memref_slice %arg7[%scatter3A_902, %scatter3A_903, %scatter3A_904, %scatter3A_905] : memref<4x8x8x129xf32, #tpu.memory_space<vmem>> -> memref<1x8x8x129xf32, #tpu.memory_space<vmem>>
        %scatter3A_907 = tpu.memref_squeeze %scatter3A_906 : memref<1x8x8x129xf32, #tpu.memory_space<vmem>> -> memref<8x8x129xf32, #tpu.memory_space<vmem>>
        tpu.vector_store_idx %scatter3A_907[%select_n3A_130, %rem3A_154, %add3A_851], %mul3A_901 : memref<8x8x129xf32, #tpu.memory_space<vmem>>[vector<16xi32>, vector<16xi32>, vector<16xi32>], vector<16xf32>,
      }
      %scan3A_633 = arith.constant 32 : i32
      %dma_start3A_634 = arith.constant 3 : i32
      %dma_start3A_635 = arith.constant 3 : i32
      %dma_start3A_636 = arith.constant 0 : i32
      %dma_start3A_637 = arith.constant 0 : i32
      %dma_start3A_638 = arith.constant 0 : i32
      %dma_start3A_639 = tpu.memref_slice %arg7[%dma_start3A_634, %dma_start3A_636, %dma_start3A_637, %dma_start3A_638] : memref<4x8x8x129xf32, #tpu.memory_space<vmem>> -> memref<1x8x8x128xf32, #tpu.memory_space<vmem>>
      %dma_start3A_640 = tpu.memref_squeeze %dma_start3A_639 : memref<1x8x8x128xf32, #tpu.memory_space<vmem>> -> memref<8x8x128xf32, #tpu.memory_space<vmem>>
      %dma_start3A_641 = arith.constant 0 : i32
      %dma_start3A_642 = arith.constant 0 : i32
      %dma_start3A_643 = arith.constant 0 : i32
      %dma_start3A_644 = tpu.memref_slice %arg4[%add3A_594, %dma_start3A_641, %add3A, %dma_start3A_642, %dma_start3A_643] : memref<200x8x32x8x128xf32, #tpu.memory_space<hbm>> -> memref<1x8x1x8x128xf32, #tpu.memory_space<hbm>>
      %dma_start3A_645 = tpu.memref_squeeze %dma_start3A_644 : memref<1x8x1x8x128xf32, #tpu.memory_space<hbm>> -> memref<8x8x128xf32, #tpu.memory_space<hbm>>
      %dma_start3A_646 = tpu.memref_slice %arg10[%dma_start3A_635] : memref<4x!tpu.dma_semaphore, #tpu.memory_space<semaphore_mem>> -> memref<1x!tpu.dma_semaphore, #tpu.memory_space<semaphore_mem>>
      %dma_start3A_647 = tpu.memref_squeeze %dma_start3A_646 : memref<1x!tpu.dma_semaphore, #tpu.memory_space<semaphore_mem>> -> memref<!tpu.dma_semaphore, #tpu.memory_space<semaphore_mem>>
      %dma_start3A_648 = arith.constant 0 : i32
      %dma_start3A_649 = arith.constant 0 : i32
      %dma_start3A_650 = arith.constant 0 : i32
      %dma_start3A_651 = tpu.memref_slice %arg4[%add3A_594, %dma_start3A_648, %add3A, %dma_start3A_649, %dma_start3A_650] : memref<200x8x32x8x128xf32, #tpu.memory_space<hbm>> -> memref<1x8x1x8x128xf32, #tpu.memory_space<hbm>>
      %dma_start3A_652 = tpu.memref_squeeze %dma_start3A_651 : memref<1x8x1x8x128xf32, #tpu.memory_space<hbm>> -> memref<8x8x128xf32, #tpu.memory_space<hbm>>
      %dma_start3A_653 = arith.constant 0 : i32
      %dma_start3A_654 = arith.constant 0 : i32
      %dma_start3A_655 = arith.constant 0 : i32
      %dma_start3A_656 = tpu.memref_slice %arg7[%dma_start3A_634, %dma_start3A_653, %dma_start3A_654, %dma_start3A_655] : memref<4x8x8x129xf32, #tpu.memory_space<vmem>> -> memref<1x8x8x128xf32, #tpu.memory_space<vmem>>
      %dma_start3A_657 = tpu.memref_squeeze %dma_start3A_656 : memref<1x8x8x128xf32, #tpu.memory_space<vmem>> -> memref<8x8x128xf32, #tpu.memory_space<vmem>>
      tpu.enqueue_dma source(%dma_start3A_657 : memref<8x8x128xf32, #tpu.memory_space<vmem>>) target(%dma_start3A_652 : memref<8x8x128xf32, #tpu.memory_space<hbm>>) target_semaphore(%dma_start3A_647 : memref<!tpu.dma_semaphore, #tpu.memory_space<semaphore_mem>>)
      %lt3A_658 = arith.constant 49 : i32
      %lt3A_659 = arith.cmpi slt, %scan3A_378, %lt3A_658 : i32
      %convert_element_type3A_660 = arith.extui %lt3A_659 : i1 to i32
      %cond3A_661 = arith.constant 0 : i32
      %cond3A_662 = arith.cmpi ne, %convert_element_type3A_660, %cond3A_661 : i32
      scf.if %cond3A_662 {
        %add3A_663 = arith.constant 4 : i32
        %add3A_664 = arith.addi %add3A_594, %add3A_663 : i32
        %dma_start3A_665 = arith.constant 3 : i32
        %dma_start3A_666 = arith.constant 3 : i32
        %dma_start3A_667 = arith.constant 0 : i32
        %dma_start3A_668 = arith.constant 0 : i32
        %dma_start3A_669 = tpu.memref_slice %arg6[%dma_start3A_665, %dma_start3A_667, %dma_start3A_668] : memref<4x128x128xf32, #tpu.memory_space<vmem>> -> memref<1x64x128xf32, #tpu.memory_space<vmem>>
        %dma_start3A_670 = tpu.memref_squeeze %dma_start3A_669 : memref<1x64x128xf32, #tpu.memory_space<vmem>> -> memref<64x128xf32, #tpu.memory_space<vmem>>
        %dma_start3A_671 = arith.constant 0 : i32
        %dma_start3A_672 = tpu.memref_slice %arg5[%add3A_664, %dma_start3A_671] : memref<200x128xi32, #tpu.memory_space<vmem>> -> memref<1x64xi32, #tpu.memory_space<vmem>>
        %dma_start3A_673 = tpu.memref_squeeze %dma_start3A_672 : memref<1x64xi32, #tpu.memory_space<vmem>> -> memref<64xi32, #tpu.memory_space<vmem>>
        %dma_start3A_674 = arith.constant 0 : i32
        %dma_start3A_675 = arith.constant 0 : i32
        %dma_start3A_676 = tpu.memref_slice %arg3[%dma_start3A_674, %dma_start3A_675] : memref<1000000x128xf32, #tpu.memory_space<hbm>> -> memref<1000000x128xf32, #tpu.memory_space<hbm>>
        %dma_start3A_677 = tpu.memref_slice %arg8[%dma_start3A_666] : memref<4x!tpu.dma_semaphore, #tpu.memory_space<semaphore_mem>> -> memref<1x!tpu.dma_semaphore, #tpu.memory_space<semaphore_mem>>
        %dma_start3A_678 = tpu.memref_squeeze %dma_start3A_677 : memref<1x!tpu.dma_semaphore, #tpu.memory_space<semaphore_mem>> -> memref<!tpu.dma_semaphore, #tpu.memory_space<semaphore_mem>>
        tpu.enqueue_indirect_dma source(%dma_start3A_676 : memref<1000000x128xf32, #tpu.memory_space<hbm>>) target(%dma_start3A_670 : memref<64x128xf32, #tpu.memory_space<vmem>>) offsets(%dma_start3A_673 : memref<64xi32, #tpu.memory_space<vmem>>) semaphore(%dma_start3A_678 : memref<!tpu.dma_semaphore, #tpu.memory_space<semaphore_mem>>)
        %dma_start3A_679 = arith.constant 3 : i32
        %dma_start3A_680 = arith.constant 3 : i32
        %dma_start3A_681 = arith.constant 64 : i32
        %dma_start3A_682 = arith.constant 0 : i32
        %dma_start3A_683 = tpu.memref_slice %arg6[%dma_start3A_679, %dma_start3A_681, %dma_start3A_682] : memref<4x128x128xf32, #tpu.memory_space<vmem>> -> memref<1x64x128xf32, #tpu.memory_space<vmem>>
        %dma_start3A_684 = tpu.memref_squeeze %dma_start3A_683 : memref<1x64x128xf32, #tpu.memory_space<vmem>> -> memref<64x128xf32, #tpu.memory_space<vmem>>
        %dma_start3A_685 = arith.constant 64 : i32
        %dma_start3A_686 = tpu.memref_slice %arg5[%add3A_664, %dma_start3A_685] : memref<200x128xi32, #tpu.memory_space<vmem>> -> memref<1x64xi32, #tpu.memory_space<vmem>>
        %dma_start3A_687 = tpu.memref_squeeze %dma_start3A_686 : memref<1x64xi32, #tpu.memory_space<vmem>> -> memref<64xi32, #tpu.memory_space<vmem>>
        %dma_start3A_688 = arith.constant 0 : i32
        %dma_start3A_689 = arith.constant 0 : i32
        %dma_start3A_690 = tpu.memref_slice %arg3[%dma_start3A_688, %dma_start3A_689] : memref<1000000x128xf32, #tpu.memory_space<hbm>> -> memref<1000000x128xf32, #tpu.memory_space<hbm>>
        %dma_start3A_691 = tpu.memref_slice %arg9[%dma_start3A_680] : memref<4x!tpu.dma_semaphore, #tpu.memory_space<semaphore_mem>> -> memref<1x!tpu.dma_semaphore, #tpu.memory_space<semaphore_mem>>
        %dma_start3A_692 = tpu.memref_squeeze %dma_start3A_691 : memref<1x!tpu.dma_semaphore, #tpu.memory_space<semaphore_mem>> -> memref<!tpu.dma_semaphore, #tpu.memory_space<semaphore_mem>>
        tpu.enqueue_indirect_dma source(%dma_start3A_690 : memref<1000000x128xf32, #tpu.memory_space<hbm>>) target(%dma_start3A_684 : memref<64x128xf32, #tpu.memory_space<vmem>>) offsets(%dma_start3A_687 : memref<64xi32, #tpu.memory_space<vmem>>) semaphore(%dma_start3A_692 : memref<!tpu.dma_semaphore, #tpu.memory_space<semaphore_mem>>)
      } else {
      }
    }
    %scan3A_278 = arith.constant 50 : i32
    %dma_wait3A = arith.constant 0 : i32
    %dma_wait3A_279 = arith.constant 196 : i32
    %dma_wait3A_280 = arith.constant 0 : i32
    %dma_wait3A_281 = arith.constant 0 : i32
    %dma_wait3A_282 = arith.constant 0 : i32
    %dma_wait3A_283 = arith.constant 0 : i32
    %dma_wait3A_284 = tpu.memref_slice %arg7[%dma_wait3A, %dma_wait3A_281, %dma_wait3A_282, %dma_wait3A_283] : memref<4x8x8x129xf32, #tpu.memory_space<vmem>> -> memref<1x8x8x128xf32, #tpu.memory_space<vmem>>
    %dma_wait3A_285 = tpu.memref_squeeze %dma_wait3A_284 : memref<1x8x8x128xf32, #tpu.memory_space<vmem>> -> memref<8x8x128xf32, #tpu.memory_space<vmem>>
    %dma_wait3A_286 = arith.constant 0 : i32
    %dma_wait3A_287 = arith.constant 0 : i32
    %dma_wait3A_288 = arith.constant 0 : i32
    %dma_wait3A_289 = tpu.memref_slice %arg4[%dma_wait3A_279, %dma_wait3A_286, %add3A, %dma_wait3A_287, %dma_wait3A_288] : memref<200x8x32x8x128xf32, #tpu.memory_space<hbm>> -> memref<1x8x1x8x128xf32, #tpu.memory_space<hbm>>
    %dma_wait3A_290 = tpu.memref_squeeze %dma_wait3A_289 : memref<1x8x1x8x128xf32, #tpu.memory_space<hbm>> -> memref<8x8x128xf32, #tpu.memory_space<hbm>>
    %dma_wait3A_291 = tpu.memref_slice %arg10[%dma_wait3A_280] : memref<4x!tpu.dma_semaphore, #tpu.memory_space<semaphore_mem>> -> memref<1x!tpu.dma_semaphore, #tpu.memory_space<semaphore_mem>>
    %dma_wait3A_292 = tpu.memref_squeeze %dma_wait3A_291 : memref<1x!tpu.dma_semaphore, #tpu.memory_space<semaphore_mem>> -> memref<!tpu.dma_semaphore, #tpu.memory_space<semaphore_mem>>
    %dma_wait3A_293 = arith.constant 0 : i32
    %dma_wait3A_294 = arith.constant 0 : i32
    %dma_wait3A_295 = arith.constant 0 : i32
    %dma_wait3A_296 = tpu.memref_slice %arg4[%dma_wait3A_279, %dma_wait3A_293, %add3A, %dma_wait3A_294, %dma_wait3A_295] : memref<200x8x32x8x128xf32, #tpu.memory_space<hbm>> -> memref<1x8x1x8x128xf32, #tpu.memory_space<hbm>>
    %dma_wait3A_297 = tpu.memref_squeeze %dma_wait3A_296 : memref<1x8x1x8x128xf32, #tpu.memory_space<hbm>> -> memref<8x8x128xf32, #tpu.memory_space<hbm>>
    %dma_wait3A_298 = arith.constant 0 : i32
    %dma_wait3A_299 = arith.constant 0 : i32
    %dma_wait3A_300 = arith.constant 0 : i32
    %dma_wait3A_301 = tpu.memref_slice %arg7[%dma_wait3A, %dma_wait3A_298, %dma_wait3A_299, %dma_wait3A_300] : memref<4x8x8x129xf32, #tpu.memory_space<vmem>> -> memref<1x8x8x128xf32, #tpu.memory_space<vmem>>
    %dma_wait3A_302 = tpu.memref_squeeze %dma_wait3A_301 : memref<1x8x8x128xf32, #tpu.memory_space<vmem>> -> memref<8x8x128xf32, #tpu.memory_space<vmem>>
    tpu.wait_dma2 semaphore(%dma_wait3A_292 : memref<!tpu.dma_semaphore, #tpu.memory_space<semaphore_mem>>) src(%dma_wait3A_302 : memref<8x8x128xf32, #tpu.memory_space<vmem>>) dst(%dma_wait3A_297 : memref<8x8x128xf32, #tpu.memory_space<hbm>>)
    %dma_wait3A_303 = arith.constant 1 : i32
    %dma_wait3A_304 = arith.constant 197 : i32
    %dma_wait3A_305 = arith.constant 1 : i32
    %dma_wait3A_306 = arith.constant 0 : i32
    %dma_wait3A_307 = arith.constant 0 : i32
    %dma_wait3A_308 = arith.constant 0 : i32
    %dma_wait3A_309 = tpu.memref_slice %arg7[%dma_wait3A_303, %dma_wait3A_306, %dma_wait3A_307, %dma_wait3A_308] : memref<4x8x8x129xf32, #tpu.memory_space<vmem>> -> memref<1x8x8x128xf32, #tpu.memory_space<vmem>>
    %dma_wait3A_310 = tpu.memref_squeeze %dma_wait3A_309 : memref<1x8x8x128xf32, #tpu.memory_space<vmem>> -> memref<8x8x128xf32, #tpu.memory_space<vmem>>
    %dma_wait3A_311 = arith.constant 0 : i32
    %dma_wait3A_312 = arith.constant 0 : i32
    %dma_wait3A_313 = arith.constant 0 : i32
    %dma_wait3A_314 = tpu.memref_slice %arg4[%dma_wait3A_304, %dma_wait3A_311, %add3A, %dma_wait3A_312, %dma_wait3A_313] : memref<200x8x32x8x128xf32, #tpu.memory_space<hbm>> -> memref<1x8x1x8x128xf32, #tpu.memory_space<hbm>>
    %dma_wait3A_315 = tpu.memref_squeeze %dma_wait3A_314 : memref<1x8x1x8x128xf32, #tpu.memory_space<hbm>> -> memref<8x8x128xf32, #tpu.memory_space<hbm>>
    %dma_wait3A_316 = tpu.memref_slice %arg10[%dma_wait3A_305] : memref<4x!tpu.dma_semaphore, #tpu.memory_space<semaphore_mem>> -> memref<1x!tpu.dma_semaphore, #tpu.memory_space<semaphore_mem>>
    %dma_wait3A_317 = tpu.memref_squeeze %dma_wait3A_316 : memref<1x!tpu.dma_semaphore, #tpu.memory_space<semaphore_mem>> -> memref<!tpu.dma_semaphore, #tpu.memory_space<semaphore_mem>>
    %dma_wait3A_318 = arith.constant 0 : i32
    %dma_wait3A_319 = arith.constant 0 : i32
    %dma_wait3A_320 = arith.constant 0 : i32
    %dma_wait3A_321 = tpu.memref_slice %arg4[%dma_wait3A_304, %dma_wait3A_318, %add3A, %dma_wait3A_319, %dma_wait3A_320] : memref<200x8x32x8x128xf32, #tpu.memory_space<hbm>> -> memref<1x8x1x8x128xf32, #tpu.memory_space<hbm>>
    %dma_wait3A_322 = tpu.memref_squeeze %dma_wait3A_321 : memref<1x8x1x8x128xf32, #tpu.memory_space<hbm>> -> memref<8x8x128xf32, #tpu.memory_space<hbm>>
    %dma_wait3A_323 = arith.constant 0 : i32
    %dma_wait3A_324 = arith.constant 0 : i32
    %dma_wait3A_325 = arith.constant 0 : i32
    %dma_wait3A_326 = tpu.memref_slice %arg7[%dma_wait3A_303, %dma_wait3A_323, %dma_wait3A_324, %dma_wait3A_325] : memref<4x8x8x129xf32, #tpu.memory_space<vmem>> -> memref<1x8x8x128xf32, #tpu.memory_space<vmem>>
    %dma_wait3A_327 = tpu.memref_squeeze %dma_wait3A_326 : memref<1x8x8x128xf32, #tpu.memory_space<vmem>> -> memref<8x8x128xf32, #tpu.memory_space<vmem>>
    tpu.wait_dma2 semaphore(%dma_wait3A_317 : memref<!tpu.dma_semaphore, #tpu.memory_space<semaphore_mem>>) src(%dma_wait3A_327 : memref<8x8x128xf32, #tpu.memory_space<vmem>>) dst(%dma_wait3A_322 : memref<8x8x128xf32, #tpu.memory_space<hbm>>)
    %dma_wait3A_328 = arith.constant 2 : i32
    %dma_wait3A_329 = arith.constant 198 : i32
    %dma_wait3A_330 = arith.constant 2 : i32
    %dma_wait3A_331 = arith.constant 0 : i32
    %dma_wait3A_332 = arith.constant 0 : i32
    %dma_wait3A_333 = arith.constant 0 : i32
    %dma_wait3A_334 = tpu.memref_slice %arg7[%dma_wait3A_328, %dma_wait3A_331, %dma_wait3A_332, %dma_wait3A_333] : memref<4x8x8x129xf32, #tpu.memory_space<vmem>> -> memref<1x8x8x128xf32, #tpu.memory_space<vmem>>
    %dma_wait3A_335 = tpu.memref_squeeze %dma_wait3A_334 : memref<1x8x8x128xf32, #tpu.memory_space<vmem>> -> memref<8x8x128xf32, #tpu.memory_space<vmem>>
    %dma_wait3A_336 = arith.constant 0 : i32
    %dma_wait3A_337 = arith.constant 0 : i32
    %dma_wait3A_338 = arith.constant 0 : i32
    %dma_wait3A_339 = tpu.memref_slice %arg4[%dma_wait3A_329, %dma_wait3A_336, %add3A, %dma_wait3A_337, %dma_wait3A_338] : memref<200x8x32x8x128xf32, #tpu.memory_space<hbm>> -> memref<1x8x1x8x128xf32, #tpu.memory_space<hbm>>
    %dma_wait3A_340 = tpu.memref_squeeze %dma_wait3A_339 : memref<1x8x1x8x128xf32, #tpu.memory_space<hbm>> -> memref<8x8x128xf32, #tpu.memory_space<hbm>>
    %dma_wait3A_341 = tpu.memref_slice %arg10[%dma_wait3A_330] : memref<4x!tpu.dma_semaphore, #tpu.memory_space<semaphore_mem>> -> memref<1x!tpu.dma_semaphore, #tpu.memory_space<semaphore_mem>>
    %dma_wait3A_342 = tpu.memref_squeeze %dma_wait3A_341 : memref<1x!tpu.dma_semaphore, #tpu.memory_space<semaphore_mem>> -> memref<!tpu.dma_semaphore, #tpu.memory_space<semaphore_mem>>
    %dma_wait3A_343 = arith.constant 0 : i32
    %dma_wait3A_344 = arith.constant 0 : i32
    %dma_wait3A_345 = arith.constant 0 : i32
    %dma_wait3A_346 = tpu.memref_slice %arg4[%dma_wait3A_329, %dma_wait3A_343, %add3A, %dma_wait3A_344, %dma_wait3A_345] : memref<200x8x32x8x128xf32, #tpu.memory_space<hbm>> -> memref<1x8x1x8x128xf32, #tpu.memory_space<hbm>>
    %dma_wait3A_347 = tpu.memref_squeeze %dma_wait3A_346 : memref<1x8x1x8x128xf32, #tpu.memory_space<hbm>> -> memref<8x8x128xf32, #tpu.memory_space<hbm>>
    %dma_wait3A_348 = arith.constant 0 : i32
    %dma_wait3A_349 = arith.constant 0 : i32
    %dma_wait3A_350 = arith.constant 0 : i32
    %dma_wait3A_351 = tpu.memref_slice %arg7[%dma_wait3A_328, %dma_wait3A_348, %dma_wait3A_349, %dma_wait3A_350] : memref<4x8x8x129xf32, #tpu.memory_space<vmem>> -> memref<1x8x8x128xf32, #tpu.memory_space<vmem>>
    %dma_wait3A_352 = tpu.memref_squeeze %dma_wait3A_351 : memref<1x8x8x128xf32, #tpu.memory_space<vmem>> -> memref<8x8x128xf32, #tpu.memory_space<vmem>>
    tpu.wait_dma2 semaphore(%dma_wait3A_342 : memref<!tpu.dma_semaphore, #tpu.memory_space<semaphore_mem>>) src(%dma_wait3A_352 : memref<8x8x128xf32, #tpu.memory_space<vmem>>) dst(%dma_wait3A_347 : memref<8x8x128xf32, #tpu.memory_space<hbm>>)
    %dma_wait3A_353 = arith.constant 3 : i32
    %dma_wait3A_354 = arith.constant 199 : i32
    %dma_wait3A_355 = arith.constant 3 : i32
    %dma_wait3A_356 = arith.constant 0 : i32
    %dma_wait3A_357 = arith.constant 0 : i32
    %dma_wait3A_358 = arith.constant 0 : i32
    %dma_wait3A_359 = tpu.memref_slice %arg7[%dma_wait3A_353, %dma_wait3A_356, %dma_wait3A_357, %dma_wait3A_358] : memref<4x8x8x129xf32, #tpu.memory_space<vmem>> -> memref<1x8x8x128xf32, #tpu.memory_space<vmem>>
    %dma_wait3A_360 = tpu.memref_squeeze %dma_wait3A_359 : memref<1x8x8x128xf32, #tpu.memory_space<vmem>> -> memref<8x8x128xf32, #tpu.memory_space<vmem>>
    %dma_wait3A_361 = arith.constant 0 : i32
    %dma_wait3A_362 = arith.constant 0 : i32
    %dma_wait3A_363 = arith.constant 0 : i32
    %dma_wait3A_364 = tpu.memref_slice %arg4[%dma_wait3A_354, %dma_wait3A_361, %add3A, %dma_wait3A_362, %dma_wait3A_363] : memref<200x8x32x8x128xf32, #tpu.memory_space<hbm>> -> memref<1x8x1x8x128xf32, #tpu.memory_space<hbm>>
    %dma_wait3A_365 = tpu.memref_squeeze %dma_wait3A_364 : memref<1x8x1x8x128xf32, #tpu.memory_space<hbm>> -> memref<8x8x128xf32, #tpu.memory_space<hbm>>
    %dma_wait3A_366 = tpu.memref_slice %arg10[%dma_wait3A_355] : memref<4x!tpu.dma_semaphore, #tpu.memory_space<semaphore_mem>> -> memref<1x!tpu.dma_semaphore, #tpu.memory_space<semaphore_mem>>
    %dma_wait3A_367 = tpu.memref_squeeze %dma_wait3A_366 : memref<1x!tpu.dma_semaphore, #tpu.memory_space<semaphore_mem>> -> memref<!tpu.dma_semaphore, #tpu.memory_space<semaphore_mem>>
    %dma_wait3A_368 = arith.constant 0 : i32
    %dma_wait3A_369 = arith.constant 0 : i32
    %dma_wait3A_370 = arith.constant 0 : i32
    %dma_wait3A_371 = tpu.memref_slice %arg4[%dma_wait3A_354, %dma_wait3A_368, %add3A, %dma_wait3A_369, %dma_wait3A_370] : memref<200x8x32x8x128xf32, #tpu.memory_space<hbm>> -> memref<1x8x1x8x128xf32, #tpu.memory_space<hbm>>
    %dma_wait3A_372 = tpu.memref_squeeze %dma_wait3A_371 : memref<1x8x1x8x128xf32, #tpu.memory_space<hbm>> -> memref<8x8x128xf32, #tpu.memory_space<hbm>>
    %dma_wait3A_373 = arith.constant 0 : i32
    %dma_wait3A_374 = arith.constant 0 : i32
    %dma_wait3A_375 = arith.constant 0 : i32
    %dma_wait3A_376 = tpu.memref_slice %arg7[%dma_wait3A_353, %dma_wait3A_373, %dma_wait3A_374, %dma_wait3A_375] : memref<4x8x8x129xf32, #tpu.memory_space<vmem>> -> memref<1x8x8x128xf32, #tpu.memory_space<vmem>>
    %dma_wait3A_377 = tpu.memref_squeeze %dma_wait3A_376 : memref<1x8x8x128xf32, #tpu.memory_space<vmem>> -> memref<8x8x128xf32, #tpu.memory_space<vmem>>
    tpu.wait_dma2 semaphore(%dma_wait3A_367 : memref<!tpu.dma_semaphore, #tpu.memory_space<semaphore_mem>>) src(%dma_wait3A_377 : memref<8x8x128xf32, #tpu.memory_space<vmem>>) dst(%dma_wait3A_372 : memref<8x8x128xf32, #tpu.memory_space<hbm>>)
    return
  }
}

</mosaic_0001>

<sc_bundles>
// kernel: kernel.3.cloned.1.call-start
scs
__scs_entry_jumppad:
0x0: {  	(pc) =	sbr.rel $0x88, $3  }
0x1: {  	(tag) =	ssettag $0x0;
	lr =	simm.s32 $0x1  }
0x2: {  	[smem:$0x3F9F] =	sst lr;
	_ =	strace $0xD0000000  }
0x3: {  	_ = 	snop  }
0x4: {  	_ = 	snop  }
0x5: {  	_ = 	snop  }
0x6: {  	_ = 	snop  }
0x7: {  	_ = 	snop  }
__scs_overlays_trampoline_lowered:
0x8: {  	[smem:$0x3FAE] =	sst s0  }
0x9: {  	[smem:$0x3FAF] =	sst s1  }
0xa: {  	[smem:$0x3FB0] =	sst s2  }
0xb: {  	[smem:$0x3FB1] =	sst s3  }
0xc: {  	[smem:$0x3FB2] =	sst s4  }
0xd: {  	[smem:$0x3FB3] =	sst s5  }
0xe: {  	[smem:$0x3FB4] =	sst s6  }
0xf: {  	[smem:$0x3FB5] =	sst s7  }
0x10: {  	[smem:$0x3FB6] =	sst s8  }
0x11: {  	[smem:$0x3FB7] =	sst s9;
	s0 =	simm.s32 @!p0 $0x0  }
0x12: {  	s1 =	sld [smem:$0x3F9D];
	s0 =	simm.s32 @p0 $0x1  }
0x13: {  	[smem:$0x3FB8] =	sst s0;
	s0 =	simm.s32 @!p1 $0x0  }
0x14: {  	s2 =	sld [smem:$0x3F9C];
	s0 =	simm.s32 @p1 $0x1  }
0x15: {  	[smem:$0x3FB9] =	sst s0;
	s0 =	simm.s32 @!p2 $0x0  }
0x16: {  	s3 =	sld [smem:$0x3FDB];
	s0 =	simm.s32 @p2 $0x1  }
0x17: {  	s4 =	simm.s32 $0x1BF5;
	[smem:$0x3FBB] =	sst s0  }
0x18: {  	s0 =	sld [smem:$0x3F9E];
	_ =	swait.ge [sflag:s4], $0x0  }
0x19: {  	s7 =	sld [smem:$0x3F9F]  }
0x1a: {  	s8 =	sadd.s32 $0xFFFFE003, lr  }
0x1b: {  	s9 =	sadd.s32 $0xFFFFFEF7, lr;
	s5 =	simm.s32 $0xFFFFFFFF;
	p2 =	slt.u32 s8, $0xFFFFF086  }
0x1c: {  	p1 =	slt.u32 s9, $0xF7A;
	s5 =	simm.s32 @!p2 $0x0  }
0x1d: {  	s5 =	simm.s32 @p1 $0x1;
	p0 =	seq.s32 s7, s2  }
0x1e: {  	s7 =	smul.u32 @!p0 $0xF7A, s2;
	p2 =	seq.s32 @!p0 s5, $0x0  }
0x1f: {  	s9 =	smul.u32 $0xF7A, s1;
	s8 =	simm.s32 @!p0 $0x1BF5;
	p2 =	por !p2, p0  }
0x20: {  	[sflag:s8] =	ssyncset.s32 @!p0 $0xFFFFF086;
	s6 =	sadd.s32 @!p0 s3, s7;
	s7 =	simm.s32 @!p0 $0x108  }
0x21: {  	s3 =	sadd.s32 s3, s9;
	s6 =	sadd.s32 @!p0 $0x88, s6;
	s7 =	simm.s32 @p2 $0x1082  }
0x22: {  	[simem:s7], [sflag:s8] =	dma.local @!p0 [hbm:s6], $0xF7A  }
0x23: {  	s9 =	sor.u32 $0xD0000000, s2;
	s6 =	simm.s32 $0x108;
	_ =	swait.ge @!p0 [sflag:s8], $0x0  }
0x24: {  	s3 =	sadd.s32 $0x88, s3;
	s6 =	simm.s32 @!p1 $0x1082;
	[sflag:s4] =	ssyncset.s32 $0xFFFFF086  }
0x25: {  	[simem:s6], [sflag:s4] =	dma.local [hbm:s3], $0xF7A  }
0x26: {  	[smem:$0x3F9F] =	sst s1;
	(tag) =	ssettag s2;
	_ =	strace s9  }
0x27: {  	s1 =	sld [smem:$0x3FAF]  }
0x28: {  	s2 =	sld [smem:$0x3FB0]  }
0x29: {  	s4 =	sld [smem:$0x3FB2]  }
0x2a: {  	p0 =	seq.s32 s5, $0x0;
	s5 =	sld [smem:$0x3FB3]  }
0x2b: {  	s6 =	sld [smem:$0x3FB4]  }
0x2c: {  	s7 =	sld [smem:$0x3FB5]  }
0x2d: {  	s3 =	simm.s32 $0x108;
	s8 =	sld [smem:$0x3FB6]  }
0x2e: {  	s3 =	simm.s32 @!p0 $0x1082;
	s9 =	sld [smem:$0x3FB7]  }
0x2f: {  	lr =	sadd.s32 s0, s3;
	s0 =	sld [smem:$0x3FAE]  }
0x30: {  	s3 =	sld [smem:$0x3FB1]  }
0x31: {  	[smem:$0x3FBA] =	sst s10  }
0x32: {  	s10 =	sld [smem:$0x3FB8];
	_ =	sdelay $0x3  }
0x33: {  	p0 =	seq.s32 s10, $0x1;
	s10 =	sld [smem:$0x3FBA];
	_ =	sdelay $0x3  }
0x34: {  	[smem:$0x3FBA] =	sst s10  }
0x35: {  	s10 =	sld [smem:$0x3FB9];
	_ =	sdelay $0x3  }
0x36: {  	p1 =	seq.s32 s10, $0x1;
	s10 =	sld [smem:$0x3FBA];
	_ =	sdelay $0x3  }
0x37: {  	[smem:$0x3FBA] =	sst s10  }
0x38: {  	s10 =	sld [smem:$0x3FBB]  }
0x39: {  	_ = 	snop;
	(pc) =	sbr.ind lr, $3  }
0x3a: {  	_ = 	snop  }
0x3b: {  	_ = 	snop  }
0x3c: {  	p2 =	seq.s32 s10, $0x1;
	s10 =	sld [smem:$0x3FBA]  }
0x3d: {  	_ =	shalt  }
0x3e: {  	_ =	shalt  }
0x3f: {  	_ =	shalt  }
0x40: {  	_ =	shalt  }
0x41: {  	_ =	shalt  }
0x42: {  	_ =	shalt  }
0x43: {  	_ =	shalt  }
0x44: {  	_ =	shalt  }
0x45: {  	_ =	shalt  }
0x46: {  	_ =	shalt  }
0x47: {  	_ =	shalt  }
0x48: {  	_ =	shalt  }
0x49: {  	_ =	shalt  }
0x4a: {  	_ =	shalt  }
0x4b: {  	_ =	shalt  }
0x4c: {  	_ =	shalt  }
0x4d: {  	_ =	shalt  }
0x4e: {  	_ =	shalt  }
0x4f: {  	_ =	shalt  }
0x50: {  	_ =	shalt  }
0x51: {  	_ =	shalt  }
0x52: {  	_ =	shalt  }
0x53: {  	_ =	shalt  }
0x54: {  	_ =	shalt  }
0x55: {  	_ =	shalt  }
0x56: {  	_ =	shalt  }
0x57: {  	_ =	shalt  }
0x58: {  	_ =	shalt  }
0x59: {  	_ =	shalt  }
0x5a: {  	_ =	shalt  }
0x5b: {  	_ =	shalt  }
0x5c: {  	_ =	shalt  }
0x5d: {  	_ =	shalt  }
0x5e: {  	_ =	shalt  }
0x5f: {  	_ =	shalt  }
0x60: {  	_ =	shalt  }
0x61: {  	_ =	shalt  }
0x62: {  	_ =	shalt  }
0x63: {  	_ =	shalt  }
0x64: {  	_ =	shalt  }
0x65: {  	_ =	shalt  }
0x66: {  	_ =	shalt  }
0x67: {  	_ =	shalt  }
0x68: {  	_ =	shalt  }
0x69: {  	_ =	shalt  }
0x6a: {  	_ =	shalt  }
0x6b: {  	_ =	shalt  }
0x6c: {  	_ =	shalt  }
0x6d: {  	_ =	shalt  }
0x6e: {  	_ =	shalt  }
0x6f: {  	_ =	shalt  }
0x70: {  	_ =	shalt  }
0x71: {  	_ =	shalt  }
0x72: {  	_ =	shalt  }
0x73: {  	_ =	shalt  }
0x74: {  	_ =	shalt  }
0x75: {  	_ =	shalt  }
0x76: {  	_ =	shalt  }
0x77: {  	_ =	shalt  }
0x78: {  	_ =	shalt  }
0x79: {  	_ =	shalt  }
0x7a: {  	_ =	shalt  }
0x7b: {  	_ =	shalt  }
0x7c: {  	_ =	shalt  }
0x7d: {  	_ =	shalt  }
0x7e: {  	_ =	shalt  }
0x7f: {  	_ =	shalt  }
0x80: {  	_ =	shalt  }
0x81: {  	_ =	shalt  }
0x82: {  	_ =	shalt  }
0x83: {  	_ =	shalt  }
0x84: {  	_ =	shalt  }
0x85: {  	_ =	shalt  }
0x86: {  	_ =	shalt  }
0x87: {  	_ =	shalt  }
.Lfunc_end0:
.L_simem_size_0:
called_computation_lowered:
.L_overlay_start_0:
0x88: {  	s2 =	sld [smem:$0x3FD9]  }
0x89: {  	s3 =	sld [smem:$0x3FFE];
	_ =	sdelay $0x1  }
0x8a: {  	s1 =	srdreg.scid  }
0x8b: {  	s0 =	sand.u32 $0x1, s1  }
0x8c: {  	s17 =	sshll.u32 s0, $0xA;
	s2 =	sadd.s32 s3, s2  }
0x8d: {  	s2 =	sadd.s32 s2, s17  }
0x8e: {  	[smem:$0x3FC6] =	sst s2  }
0x8f: {  	_ = 	snop  }
0x90: {  	s2 =	sld [smem:$0x3FD0];
	(tm) =	ssettm $0x1  }
0x91: {  	s18 =	sld [smem:$0x3FFB];
	_ =	sdelay $0x3  }
0x92: {  	_ =	strace s18  }
0x93: {  	s3 =	sld [smem:$0x3FFC];
	_ =	sdelay $0x3  }
0x94: {  	_ =	strace s3  }
0x95: {  	s3 =	sld [smem:$0x3FFD];
	_ =	sdelay $0x3  }
0x96: {  	_ =	strace s3  }
0x97: {  	_ =	strace $0x8FFFFFFF  }
0x98: {  	s19 =	sld [smem:$0x3FDB];
	_ =	sdelay $0x1  }
0x99: {  	s4 =	simm.s32 $_scs_section_size  }
0x9a: {  	s5 =	simm.s32 $_size__tile_overlayer_lowered;
	s6 =	simm.s32 $_tile_overlayer_lowered  }
0x9b: {  	s22 =	simm.s32 $0x1BFF;
	s21 =	sshll.u32 s6, $0x1;
	s3 =	sadd.s32 s4, s19  }
0x9c: {  	s7 =	simm.s32 $0x0;
	s20 =	sshll.u32 s5, $0x1;
	s5 =	sadd.s32 s21, s3  }
0x9d: {  	[timem:s7], [sflag:s22] =	dma.local [hbm:s5], s20  }
0x9e: {  	_ =	swait.ge [sflag:s22], s20  }
0x9f: {  	s4 =	ssub.s32 $0x0, s20;
	[sflag:s22] =	ssyncset.done $0x0  }
0xa0: {  	[sflag:s22] =	ssyncadd.s32 s4;
	_ =	sdelay $0x1  }
0xa1: {  	s23 =	simm.s32 $0x1B8B  }
0xa2: {  	_ =	swait.ge [sflag:s23], $0x1  }
0xa3: {  	[sflag:s23] =	ssyncset.done $0x0  }
0xa4: {  	s25 =	simm.s32 $0x1B8E;
	s24 =	sld [smem:$0x3FFE];
	[sflag:s23] =	ssyncadd.s32 $0xFFFFFFFF  }
0xa5: {  	s26 =	simm.s32 $execute0_lowered;
	[smem:$0x3FD2] =	sst s25  }
0xa6: {  	s5 =	sshll.u32 s26, $0x1;
	_ =	strace $0x80000046;
	[dreg:$0x1] =	wrdreg $0xFFFFFFFF  }
0xa7: {  	s28 =	simm.s32 $_size_execute0_lowered;
	s3 =	sadd.s32 s3, s5;
	[dreg:$0x0] =	wrdreg $0x0  }
0xa8: {  	s5 =	sshll.u32 s28, $0x1;
	[dreg:$0x2] =	wrdreg s3  }
0xa9: {  	[dreg:$0x3] =	wrdreg s5  }
0xaa: {  	[dreg:$0x4] =	wrdreg $0xC0  }
0xab: {  	_ =	task [dreg:s7], $0x5FFFF  }
0xac: {  	[dreg:$0x1] =	wrdreg $0xFFFFFFFF  }
0xad: {  	[dreg:$0x0] =	wrdreg $0x60  }
0xae: {  	[dreg:$0x2] =	wrdreg s24  }
0xaf: {  	[dreg:$0x3] =	wrdreg s2  }
0xb0: {  	[dreg:$0x4] =	wrdreg $0x9  }
0xb1: {  	_ =	task.clear_ibuf [dreg:s7], $0x5FFFF;
	_ =	strace $0x90000046  }
0xb2: {  	s29 =	simm.s32 $0x9;
	_ =	strace $0x80000048  }
0xb3: {  	_ =	swait.ge [sflag:s29], $0x1  }
0xb4: {  	[sflag:s29] =	ssyncadd.s32 $0xFFFFFFFF  }
0xb5: {  	_ =	strace $0x90000048  }
0xb6: {  	_ =	sfence  }
0xb7: {  	s30 =	sld [smem:$0x0];
	_ =	sdelay $0x2  }
0xb8: {  	s31 =	sshll.u32 s1, $0xD;
	s1 =	sshrl.u32 s1, $0x2  }
0xb9: {  	s3 =	sand.u32 $0x4000, s31;
	s1 =	sadd.s32 s1, s30  }
0xba: {  	s0 =	sor.u32 s3, s0;
	s1 =	sshll.u32 s1, $0x11  }
0xbb: {  	s0 =	sor.u32 s1, s0  }
0xbc: {  	s0 =	sadd.s32 $0x8F2B, s0  }
0xbd: {  	[sflag:s0] =	ssyncadd.remote.s32 $0x1  }
0xbe: {  	_ =	sfence.sel $0xFFFF  }
0xbf: {  	[dreg:$0x0] =	wrdreg $0xFFFFFFFF;
	(pc) =	sbr.abs _section_cstart, $3  }
0xc0: {  	[dreg:$0x1] =	wrdreg $0xFFFFFFFF  }
0xc1: {  	_ =	task.clear_ibuf [dreg:s7], $0x2FFFF;
	_ =	strace $0x9FFFFFFF  }
0xc2: {  	(tm) =	ssettm $0x7FFFFFFF  }
0xc3: {  	_ =	shalt  }
tec
execute0_lowered:
.L_overlay_start_1:
0x0: {  	(tag) =	ssettag $0x1  }
0x1: {  	s0 =	rddreg [dreg:$0x0];
	s1 =	srdreg.scid  }
0x2: {  	s3 =	stileid.u32;
	s2 =	rddreg [dreg:$0x1];
	s14 =	simm.s32 $0x40  }
0x3: {  	s28 =	simm.s32 $0x14400;
	s29 =	simm.s32 $0x1;
	s30 =	simm.s32 $0x5  }
0x4: {  	s31 =	simm.s32 $0x16400;
	s12 =	simm.s32 $0x18600;
	s15 =	simm.s32 $0x3  }
0x5: {  	s16 =	simm.s32 $0x7;
	s17 =	simm.s32 $0x1A800;
	s18 =	simm.s32 $0x4  }
0x6: {  	s19 =	simm.s32 $0x8;
	s20 =	simm.s32 $0x1CA00;
	s11 =	simm.s32 $0x0  }
0x7: {  	s1 =	sand.u32 $0x1, s1;
	s4 =	sshll.u32 s3, $0x1;
	s3 =	simm.s32 $0x0  }
0x8: {  	s8 =	sadd.s32 $0x10000, s2;
	s9 =	sadd.s32 $0x18000, s2;
	s5 =	sor.u32 s1, s4  }
0x9: {  	[smem:$0x7FF] =	sst s3;
	s1 =	ssub.s32 $0x2, s1;
	s4 =	sshll.u32 s5, $0x4  }
.Ltmp0:
0xa: {  	_ =	strace $0x80000047;
	s7 =	sshrl.u32 s1, $0x1;
	(pc) =	sbr.rel .LBB2_1-.Ltmp0, $4  }
0xb: {  	v0 =	vlaneseq.u32;
	s6 =	sadd.s32 s4, s0;
	s4 =	sadd.s32 $0xF5BA00, s0;
	s25 =	ssub.s32 s1, s7  }
0xc: {  	v0 =	vmul.u32 $0x88, v0;
	s7 =	sadd.s32 $0x8000, s2;
	s1 =	simm.s32 $0x2;
	s26 =	sadd.s32 $0xF42A00, s6  }
0xd: {  	s6 =	sshll.u32 s5, $0x7;
	s0 =	smax.u32 s25, $0x1;
	[dreg:$0x3] =	wrdreg s26  }
0xe: {  	v1 =	vadd.s32 $0x880, v0;
	v2 =	vadd.s32 $0x1100, v0;
	v3 =	vadd.s32 $0x1980, v0;
	s25 =	simm.s32 $0x12400;
	[dreg:$0x4] =	wrdreg s0;
	s0 =	simm.s32 $0x6  }
.LBB2_20:
0xf: {  	s5 =	simm.s32 $0x9  }
0x10: {  	_ =	swait.ge [sflag:s5], $0x2000  }
0x11: {  	[sflag:s5] =	ssyncset.done $0x0  }
0x12: {  	s23 =	simm.s32 $0xA;
	[sflag:s5] =	ssyncadd.s32 $0xFFFFE000  }
0x13: {  	_ =	swait.ge [sflag:s23], $0x2000  }
0x14: {  	[sflag:s23] =	ssyncset.done $0x0  }
0x15: {  	s24 =	simm.s32 $0xB;
	[sflag:s23] =	ssyncadd.s32 $0xFFFFE000  }
0x16: {  	_ =	swait.ge [sflag:s24], $0x2000  }
0x17: {  	[sflag:s24] =	ssyncset.done $0x0  }
0x18: {  	s10 =	simm.s32 $0xC;
	[sflag:s24] =	ssyncadd.s32 $0xFFFFE000  }
0x19: {  	_ =	swait.ge [sflag:s10], $0x2000  }
0x1a: {  	s11 =	rddreg [dreg:$0x5]  }
0x1b: {  	s26 =	rddreg [dreg:$0x4];
	s11 =	sadd.s32 $0x1, s11  }
0x1c: {  	p0 =	sne.s32 s11, s26  }
.Ltmp1:
0x1d: {  	_ = 	snop;
	(pc) =	sbr.rel @!p0 .LBB2_21-.Ltmp1, $3  }
0x1e: {  	_ =	sdelay $0x1  }
0x1f: {  	[sflag:s10] =	ssyncset.done $0x0  }
0x20: {  	[sflag:s10] =	ssyncadd.s32 $0xFFFFE000  }
.LBB2_1:
0x21: {  	[dreg:$0x5] =	wrdreg s11  }
0x22: {  	s5 =	rddreg [dreg:$0x3]  }
0x23: {  	s10 =	simm.s32 $0x80;
	s21 =	simm.s32 $0x1000;
	s22 =	simm.s32 $0xD  }
0x24: {  	[tilespmem:s3], [sflag:$0xD] =	stream.strided.gather [hbm4b:s5+s10], $0x6400, s21, s10, $0x38;
	[tilespmem:$0x1EC00] =	vst v63  }
0x25: {  	_ =	swait.ge [sflag:s22], $0x6400  }
0x26: {  	[sflag:s22] =	ssyncset.done $0x0  }
0x27: {  	s23 =	simm.s32 $0x6400;
	[sflag:s22] =	ssyncadd.s32 $0xFFFF9C00  }
0x28: {  	[tilespmem:s23], [sflag:$0x1] =	stream.indirect.gather [hbm4b:s4+s14], $0x80, s3, s14, $0xb8;
	[tilespmem:$0x1EC00] =	vst v63  }
0x29: {  	s24 =	simm.s32 $0x8400  }
0x2a: {  	[tilespmem:s24], [sflag:$0x5] =	stream.indirect.gather [hbm4b:s4+s14], $0x80, s14, s14, $0xb8;
	[tilespmem:$0x1EC00] =	vst v63  }
0x2b: {  	s26 =	simm.s32 $0xA400  }
0x2c: {  	[tilespmem:s26], [sflag:$0x2] =	stream.indirect.gather [hbm4b:s4+s14], $0x80, s10, s14, $0xb8;
	[tilespmem:$0x1EC00] =	vst v63  }
0x2d: {  	s11 =	simm.s32 $0xC400;
	s10 =	simm.s32 $0xC0  }
0x2e: {  	[tilespmem:s11], [sflag:$0x6] =	stream.indirect.gather [hbm4b:s4+s14], $0x80, s10, s14, $0xb8;
	[tilespmem:$0x1EC00] =	vst v63  }
0x2f: {  	s13 =	simm.s32 $0x100;
	s21 =	simm.s32 $0xE400  }
0x30: {  	[tilespmem:s21], [sflag:$0x3] =	stream.indirect.gather [hbm4b:s4+s14], $0x80, s13, s14, $0xb8;
	[tilespmem:$0x1EC00] =	vst v63  }
0x31: {  	s22 =	simm.s32 $0x140;
	s23 =	simm.s32 $0x10400  }
0x32: {  	[tilespmem:s23], [sflag:$0x7] =	stream.indirect.gather [hbm4b:s4+s14], $0x80, s22, s14, $0xb8;
	[tilespmem:$0x1EC00] =	vst v63  }
0x33: {  	s24 =	simm.s32 $0x180  }
0x34: {  	[tilespmem:s25], [sflag:$0x4] =	stream.indirect.gather [hbm4b:s4+s14], $0x80, s24, s14, $0xb8;
	[tilespmem:$0x1EC00] =	vst v63  }
0x35: {  	s26 =	simm.s32 $0x1C0;
	s11 =	simm.s32 $0x0  }
0x36: {  	[tilespmem:s28], [sflag:$0x8] =	stream.indirect.gather [hbm4b:s4+s14], $0x80, s26, s14, $0xb8;
	[tilespmem:$0x1EC00] =	vst v63  }
.LBB2_2:
0x37: {  	_ =	swait.ge [sflag:s29], $0x2000  }
0x38: {  	[sflag:s29] =	ssyncset.done $0x0  }
0x39: {  	[sflag:s29] =	ssyncadd.s32 $0xFFFFE000  }
0x3a: {  	_ =	swait.ge [sflag:s30], $0x2000  }
0x3b: {  	p0 =	seq.s32 s11, $0x0;
	[sflag:s30] =	ssyncset.done $0x0  }
0x3c: {  	s5 =	simm.s32 @!p0 $0x9;
	[sflag:s30] =	ssyncadd.s32 $0xFFFFE000  }
0x3d: {  	_ =	swait.ge @!p0 [sflag:s5], $0x2000  }
0x3e: {  	s13 =	simm.s32 $0x0;
	[sflag:s5] =	ssyncset.done @!p0 $0x0  }
0x3f: {  	s10 =	simm.s32 $0x6500;
	v4 =	vmov s13;
	[sflag:s5] =	ssyncadd.s32 @!p0 $0xFFFFE000  }
0x40: {  	v6 =	vand.u32 $0x78, v4;
	v5 =	vld [tilespmem:s10+$0xFFFFFF00]  }
0x41: {  	v4 =	vand.u32 $0x4, v4;
	v7 =	vadd.s32 v0, v6  }
0x42: {  	v8 =	vor.u32 v4, v7;
	_ =	sdelay $0x2  }
0x43: {  	v5 =	vmul.f32 $8.000000000e+00, v5;
	_ =	sdelay $0x1  }
0x44: {  	[tilespmem:v8+s31+$0x0] =	vst.idx.msk $0xffff, v5  }
0x45: {  	v5 =	vld [tilespmem:s10+$0xFFFFFF10]  }
0x46: {  	v54 =	vadd.s32 v1, v6  }
0x47: {  	v9 =	vor.u32 v4, v54;
	_ =	sdelay $0x2  }
0x48: {  	v5 =	vmul.f32 $8.000000000e+00, v5;
	_ =	sdelay $0x1  }
0x49: {  	[tilespmem:v9+s31+$0x0] =	vst.idx.msk $0xffff, v5  }
0x4a: {  	v5 =	vld [tilespmem:s10+$0xFFFFFF20]  }
0x4b: {  	v55 =	vadd.s32 v2, v6  }
0x4c: {  	v10 =	vor.u32 v4, v55;
	_ =	sdelay $0x2  }
0x4d: {  	v5 =	vmul.f32 $8.000000000e+00, v5;
	_ =	sdelay $0x1  }
0x4e: {  	[tilespmem:v10+s31+$0x0] =	vst.idx.msk $0xffff, v5  }
0x4f: {  	v5 =	vld [tilespmem:s10+$0xFFFFFF30]  }
0x50: {  	v6 =	vadd.s32 v3, v6  }
0x51: {  	v56 =	vor.u32 v4, v6;
	_ =	sdelay $0x2  }
0x52: {  	v5 =	vmul.f32 $8.000000000e+00, v5;
	_ =	sdelay $0x1  }
0x53: {  	[tilespmem:v56+s31+$0x0] =	vst.idx.msk $0xffff, v5  }
0x54: {  	v5 =	vld [tilespmem:s10+$0xFFFFFF80]  }
0x55: {  	v57 =	vor.u32 $0x1, v4  }
0x56: {  	v11 =	vor.u32 v57, v7;
	_ =	sdelay $0x2  }
0x57: {  	v5 =	vmul.f32 $8.000000000e+00, v5;
	_ =	sdelay $0x1  }
0x58: {  	[tilespmem:v11+s31+$0x0] =	vst.idx.msk $0xffff, v5  }
0x59: {  	v5 =	vld [tilespmem:s10+$0xFFFFFF90];
	_ =	sdelay $0x1  }
0x5a: {  	v58 =	vor.u32 v57, v54;
	_ =	sdelay $0x2  }
0x5b: {  	v5 =	vmul.f32 $8.000000000e+00, v5;
	_ =	sdelay $0x1  }
0x5c: {  	[tilespmem:v58+s31+$0x0] =	vst.idx.msk $0xffff, v5  }
0x5d: {  	v5 =	vld [tilespmem:s10+$0xFFFFFFA0];
	_ =	sdelay $0x1  }
0x5e: {  	v59 =	vor.u32 v57, v55;
	_ =	sdelay $0x2  }
0x5f: {  	v5 =	vmul.f32 $8.000000000e+00, v5;
	_ =	sdelay $0x1  }
0x60: {  	[tilespmem:v59+s31+$0x0] =	vst.idx.msk $0xffff, v5  }
0x61: {  	v5 =	vld [tilespmem:s10+$0xFFFFFFB0];
	_ =	sdelay $0x1  }
0x62: {  	v10 =	vor.u32 v57, v6;
	_ =	sdelay $0x2  }
0x63: {  	v5 =	vmul.f32 $8.000000000e+00, v5;
	_ =	sdelay $0x1  }
0x64: {  	[tilespmem:v10+s31+$0x0] =	vst.idx.msk $0xffff, v5  }
0x65: {  	v5 =	vld [tilespmem:s10+$0x0]  }
0x66: {  	v60 =	vor.u32 $0x2, v4  }
0x67: {  	v61 =	vor.u32 v60, v7;
	_ =	sdelay $0x2  }
0x68: {  	v5 =	vmul.f32 $8.000000000e+00, v5;
	_ =	sdelay $0x1  }
0x69: {  	[tilespmem:v61+s31+$0x0] =	vst.idx.msk $0xffff, v5  }
0x6a: {  	v5 =	vld [tilespmem:s10+$0x10];
	_ =	sdelay $0x1  }
0x6b: {  	v62 =	vor.u32 v60, v54;
	_ =	sdelay $0x2  }
0x6c: {  	v5 =	vmul.f32 $8.000000000e+00, v5;
	_ =	sdelay $0x1  }
0x6d: {  	[tilespmem:v62+s31+$0x0] =	vst.idx.msk $0xffff, v5  }
0x6e: {  	v5 =	vld [tilespmem:s10+$0x20];
	_ =	sdelay $0x1  }
0x6f: {  	v63 =	vor.u32 v60, v55;
	_ =	sdelay $0x2  }
0x70: {  	v5 =	vmul.f32 $8.000000000e+00, v5;
	_ =	sdelay $0x1  }
0x71: {  	[tilespmem:v63+s31+$0x0] =	vst.idx.msk $0xffff, v5  }
0x72: {  	v5 =	vld [tilespmem:s10+$0x30];
	_ =	sdelay $0x1  }
0x73: {  	v10 =	vor.u32 v60, v6;
	_ =	sdelay $0x2  }
0x74: {  	v5 =	vmul.f32 $8.000000000e+00, v5;
	_ =	sdelay $0x1  }
0x75: {  	[tilespmem:v10+s31+$0x0] =	vst.idx.msk $0xffff, v5  }
0x76: {  	v5 =	vld [tilespmem:s10+$0x80]  }
0x77: {  	v4 =	vor.u32 $0x3, v4  }
0x78: {  	v7 =	vor.u32 v4, v7;
	_ =	sdelay $0x2  }
0x79: {  	v5 =	vmul.f32 $8.000000000e+00, v5;
	_ =	sdelay $0x1  }
0x7a: {  	[tilespmem:v7+s31+$0x0] =	vst.idx.msk $0xffff, v5  }
0x7b: {  	v5 =	vld [tilespmem:s10+$0x90];
	_ =	sdelay $0x1  }
0x7c: {  	v7 =	vor.u32 v4, v54;
	_ =	sdelay $0x2  }
0x7d: {  	v5 =	vmul.f32 $8.000000000e+00, v5;
	_ =	sdelay $0x1  }
0x7e: {  	[tilespmem:v7+s31+$0x0] =	vst.idx.msk $0xffff, v5  }
0x7f: {  	v5 =	vld [tilespmem:s10+$0xA0];
	_ =	sdelay $0x1  }
0x80: {  	v7 =	vor.u32 v4, v55;
	_ =	sdelay $0x2  }
0x81: {  	v5 =	vmul.f32 $8.000000000e+00, v5;
	_ =	sdelay $0x1  }
0x82: {  	[tilespmem:v7+s31+$0x0] =	vst.idx.msk $0xffff, v5  }
0x83: {  	v5 =	vld [tilespmem:s10+$0xB0];
	_ =	sdelay $0x1  }
0x84: {  	v4 =	vor.u32 v4, v6;
	_ =	sdelay $0x2  }
0x85: {  	s21 =	simm.s32 $0x4;
	s13 =	simm.s32 $0x8;
	s5 =	sshll.u32 s11, $0x9;
	v5 =	vmul.f32 $8.000000000e+00, v5  }
.LBB2_3:
0x86: {  	p1 =	sne.s32 s13, $0x7C  }
0x87: {  	v6 =	vmov s21;
	s10 =	sadd.s32 $0x200, s10;
	s21 =	smov.u32 s13;
	s13 =	sadd.s32 $0x4, s13;
	[tilespmem:v4+s31+$0x0] =	vst.idx.msk $0xffff, v5  }
0x88: {  	v5 =	vand.u32 $0x78, v6;
	v4 =	vld [tilespmem:s10+$0xFFFFFF00]  }
0x89: {  	v6 =	vand.u32 $0x4, v6;
	v7 =	vadd.s32 v0, v5;
	v8 =	vadd.s32 v1, v5  }
0x8a: {  	v11 =	vadd.s32 v2, v5;
	v9 =	vor.u32 v6, v7;
	v10 =	vor.u32 v6, v8  }
0x8b: {  	v13 =	vadd.s32 v3, v5;
	v5 =	vor.u32 $0x1, v6;
	v12 =	vor.u32 v6, v11  }
0x8c: {  	v14 =	vor.u32 v6, v13;
	v15 =	vor.u32 v5, v7;
	v16 =	vor.u32 v5, v8  }
0x8d: {  	v17 =	vor.u32 v5, v11;
	v18 =	vor.u32 v5, v13;
	v4 =	vmul.f32 $8.000000000e+00, v4  }
0x8e: {  	v19 =	vor.u32 $0x3, v6;
	v5 =	vor.u32 $0x2, v6  }
0x8f: {  	v20 =	vor.u32 v5, v8;
	[tilespmem:v9+s31+$0x0] =	vst.idx.msk $0xffff, v4;
	v9 =	vor.u32 v5, v7  }
0x90: {  	v22 =	vor.u32 v5, v11;
	v23 =	vor.u32 v5, v13;
	v7 =	vor.u32 v19, v7;
	v21 =	vld [tilespmem:s10+$0xFFFFFF10]  }
0x91: {  	v6 =	vor.u32 v19, v8;
	v5 =	vor.u32 v19, v11;
	v4 =	vor.u32 v19, v13;
	_ =	sdelay $0x3  }
0x92: {  	v8 =	vmul.f32 $8.000000000e+00, v21;
	_ =	sdelay $0x1  }
0x93: {  	[tilespmem:v10+s31+$0x0] =	vst.idx.msk $0xffff, v8  }
0x94: {  	v8 =	vld [tilespmem:s10+$0xFFFFFF20];
	_ =	sdelay $0x4  }
0x95: {  	v8 =	vmul.f32 $8.000000000e+00, v8;
	_ =	sdelay $0x1  }
0x96: {  	[tilespmem:v12+s31+$0x0] =	vst.idx.msk $0xffff, v8  }
0x97: {  	v8 =	vld [tilespmem:s10+$0xFFFFFF30];
	_ =	sdelay $0x4  }
0x98: {  	v8 =	vmul.f32 $8.000000000e+00, v8;
	_ =	sdelay $0x1  }
0x99: {  	[tilespmem:v14+s31+$0x0] =	vst.idx.msk $0xffff, v8  }
0x9a: {  	v8 =	vld [tilespmem:s10+$0xFFFFFF80];
	_ =	sdelay $0x4  }
0x9b: {  	v8 =	vmul.f32 $8.000000000e+00, v8;
	_ =	sdelay $0x1  }
0x9c: {  	[tilespmem:v15+s31+$0x0] =	vst.idx.msk $0xffff, v8  }
0x9d: {  	v8 =	vld [tilespmem:s10+$0xFFFFFF90];
	_ =	sdelay $0x4  }
0x9e: {  	v8 =	vmul.f32 $8.000000000e+00, v8;
	_ =	sdelay $0x1  }
0x9f: {  	[tilespmem:v16+s31+$0x0] =	vst.idx.msk $0xffff, v8  }
0xa0: {  	v8 =	vld [tilespmem:s10+$0xFFFFFFA0];
	_ =	sdelay $0x4  }
0xa1: {  	v8 =	vmul.f32 $8.000000000e+00, v8;
	_ =	sdelay $0x1  }
0xa2: {  	[tilespmem:v17+s31+$0x0] =	vst.idx.msk $0xffff, v8  }
0xa3: {  	v8 =	vld [tilespmem:s10+$0xFFFFFFB0];
	_ =	sdelay $0x4  }
0xa4: {  	v8 =	vmul.f32 $8.000000000e+00, v8;
	_ =	sdelay $0x1  }
0xa5: {  	[tilespmem:v18+s31+$0x0] =	vst.idx.msk $0xffff, v8  }
0xa6: {  	v8 =	vld [tilespmem:s10+$0x0];
	_ =	sdelay $0x4  }
0xa7: {  	v8 =	vmul.f32 $8.000000000e+00, v8;
	_ =	sdelay $0x1  }
0xa8: {  	[tilespmem:v9+s31+$0x0] =	vst.idx.msk $0xffff, v8  }
0xa9: {  	v8 =	vld [tilespmem:s10+$0x10];
	_ =	sdelay $0x4  }
0xaa: {  	v8 =	vmul.f32 $8.000000000e+00, v8;
	_ =	sdelay $0x1  }
0xab: {  	[tilespmem:v20+s31+$0x0] =	vst.idx.msk $0xffff, v8  }
0xac: {  	v8 =	vld [tilespmem:s10+$0x20];
	_ =	sdelay $0x4  }
0xad: {  	v8 =	vmul.f32 $8.000000000e+00, v8;
	_ =	sdelay $0x1  }
0xae: {  	[tilespmem:v22+s31+$0x0] =	vst.idx.msk $0xffff, v8  }
0xaf: {  	v8 =	vld [tilespmem:s10+$0x30];
	_ =	sdelay $0x4  }
0xb0: {  	v8 =	vmul.f32 $8.000000000e+00, v8;
	_ =	sdelay $0x1  }
0xb1: {  	[tilespmem:v23+s31+$0x0] =	vst.idx.msk $0xffff, v8  }
0xb2: {  	v8 =	vld [tilespmem:s10+$0x80];
	_ =	sdelay $0x4  }
0xb3: {  	v8 =	vmul.f32 $8.000000000e+00, v8;
	_ =	sdelay $0x1  }
0xb4: {  	[tilespmem:v7+s31+$0x0] =	vst.idx.msk $0xffff, v8  }
0xb5: {  	v7 =	vld [tilespmem:s10+$0x90];
	_ =	sdelay $0x4  }
0xb6: {  	v7 =	vmul.f32 $8.000000000e+00, v7;
	_ =	sdelay $0x1  }
0xb7: {  	[tilespmem:v6+s31+$0x0] =	vst.idx.msk $0xffff, v7  }
0xb8: {  	v6 =	vld [tilespmem:s10+$0xA0];
	_ =	sdelay $0x4  }
0xb9: {  	v6 =	vmul.f32 $8.000000000e+00, v6;
	_ =	sdelay $0x1  }
0xba: {  	[tilespmem:v5+s31+$0x0] =	vst.idx.msk $0xffff, v6  }
0xbb: {  	v5 =	vld [tilespmem:s10+$0xB0]  }
.Ltmp2:
0xbc: {  	(pc) =	sbr.rel @p1 .LBB2_3-.Ltmp2, $2  }
0xbd: {  	_ =	sdelay $0x2  }
0xbe: {  	v5 =	vmul.f32 $8.000000000e+00, v5  }
0xbf: {  	_ =	sdelay $0x3  }
0xc0: {  	v6 =	vmov s21;
	s10 =	sadd.s32 $0x200, s10;
	[tilespmem:v4+s31+$0x0] =	vst.idx.msk $0xffff, v5  }
0xc1: {  	v5 =	vand.u32 $0x78, v6;
	v4 =	vld [tilespmem:s10+$0xFFFFFF00]  }
0xc2: {  	v6 =	vand.u32 $0x4, v6;
	v7 =	vadd.s32 v0, v5  }
0xc3: {  	v8 =	vor.u32 v6, v7;
	_ =	sdelay $0x2  }
0xc4: {  	v4 =	vmul.f32 $8.000000000e+00, v4;
	_ =	sdelay $0x1  }
0xc5: {  	[tilespmem:v8+s31+$0x0] =	vst.idx.msk $0xffff, v4  }
0xc6: {  	v4 =	vld [tilespmem:s10+$0xFFFFFF10]  }
0xc7: {  	v52 =	vadd.s32 v1, v5  }
0xc8: {  	v9 =	vor.u32 v6, v52;
	_ =	sdelay $0x2  }
0xc9: {  	v4 =	vmul.f32 $8.000000000e+00, v4;
	_ =	sdelay $0x1  }
0xca: {  	[tilespmem:v9+s31+$0x0] =	vst.idx.msk $0xffff, v4  }
0xcb: {  	v4 =	vld [tilespmem:s10+$0xFFFFFF20]  }
0xcc: {  	v53 =	vadd.s32 v2, v5  }
0xcd: {  	v10 =	vor.u32 v6, v53;
	_ =	sdelay $0x2  }
0xce: {  	v4 =	vmul.f32 $8.000000000e+00, v4;
	_ =	sdelay $0x1  }
0xcf: {  	[tilespmem:v10+s31+$0x0] =	vst.idx.msk $0xffff, v4  }
0xd0: {  	v4 =	vld [tilespmem:s10+$0xFFFFFF30]  }
0xd1: {  	v5 =	vadd.s32 v3, v5  }
0xd2: {  	v54 =	vor.u32 v6, v5;
	_ =	sdelay $0x2  }
0xd3: {  	v4 =	vmul.f32 $8.000000000e+00, v4;
	_ =	sdelay $0x1  }
0xd4: {  	[tilespmem:v54+s31+$0x0] =	vst.idx.msk $0xffff, v4  }
0xd5: {  	v4 =	vld [tilespmem:s10+$0xFFFFFF80]  }
0xd6: {  	v55 =	vor.u32 $0x1, v6  }
0xd7: {  	v11 =	vor.u32 v55, v7;
	_ =	sdelay $0x2  }
0xd8: {  	v4 =	vmul.f32 $8.000000000e+00, v4;
	_ =	sdelay $0x1  }
0xd9: {  	[tilespmem:v11+s31+$0x0] =	vst.idx.msk $0xffff, v4  }
0xda: {  	v4 =	vld [tilespmem:s10+$0xFFFFFF90];
	_ =	sdelay $0x1  }
0xdb: {  	v56 =	vor.u32 v55, v52;
	_ =	sdelay $0x2  }
0xdc: {  	v4 =	vmul.f32 $8.000000000e+00, v4;
	_ =	sdelay $0x1  }
0xdd: {  	[tilespmem:v56+s31+$0x0] =	vst.idx.msk $0xffff, v4  }
0xde: {  	v4 =	vld [tilespmem:s10+$0xFFFFFFA0];
	_ =	sdelay $0x1  }
0xdf: {  	v57 =	vor.u32 v55, v53;
	_ =	sdelay $0x2  }
0xe0: {  	v4 =	vmul.f32 $8.000000000e+00, v4;
	_ =	sdelay $0x1  }
0xe1: {  	[tilespmem:v57+s31+$0x0] =	vst.idx.msk $0xffff, v4  }
0xe2: {  	v4 =	vld [tilespmem:s10+$0xFFFFFFB0];
	_ =	sdelay $0x1  }
0xe3: {  	v10 =	vor.u32 v55, v5;
	_ =	sdelay $0x2  }
0xe4: {  	v4 =	vmul.f32 $8.000000000e+00, v4;
	_ =	sdelay $0x1  }
0xe5: {  	[tilespmem:v10+s31+$0x0] =	vst.idx.msk $0xffff, v4  }
0xe6: {  	v4 =	vld [tilespmem:s10+$0x0]  }
0xe7: {  	v58 =	vor.u32 $0x2, v6  }
0xe8: {  	v59 =	vor.u32 v58, v7;
	_ =	sdelay $0x2  }
0xe9: {  	v4 =	vmul.f32 $8.000000000e+00, v4;
	_ =	sdelay $0x1  }
0xea: {  	[tilespmem:v59+s31+$0x0] =	vst.idx.msk $0xffff, v4  }
0xeb: {  	v4 =	vld [tilespmem:s10+$0x10];
	_ =	sdelay $0x1  }
0xec: {  	v60 =	vor.u32 v58, v52;
	_ =	sdelay $0x2  }
0xed: {  	v4 =	vmul.f32 $8.000000000e+00, v4;
	_ =	sdelay $0x1  }
0xee: {  	[tilespmem:v60+s31+$0x0] =	vst.idx.msk $0xffff, v4  }
0xef: {  	v4 =	vld [tilespmem:s10+$0x20];
	_ =	sdelay $0x1  }
0xf0: {  	v61 =	vor.u32 v58, v53;
	_ =	sdelay $0x2  }
0xf1: {  	v4 =	vmul.f32 $8.000000000e+00, v4;
	_ =	sdelay $0x1  }
0xf2: {  	[tilespmem:v61+s31+$0x0] =	vst.idx.msk $0xffff, v4  }
0xf3: {  	v4 =	vld [tilespmem:s10+$0x30];
	_ =	sdelay $0x1  }
0xf4: {  	v10 =	vor.u32 v58, v5;
	_ =	sdelay $0x2  }
0xf5: {  	v4 =	vmul.f32 $8.000000000e+00, v4;
	_ =	sdelay $0x1  }
0xf6: {  	[tilespmem:v10+s31+$0x0] =	vst.idx.msk $0xffff, v4  }
0xf7: {  	v4 =	vld [tilespmem:s10+$0x80]  }
0xf8: {  	v6 =	vor.u32 $0x3, v6  }
0xf9: {  	v7 =	vor.u32 v6, v7;
	_ =	sdelay $0x2  }
0xfa: {  	v4 =	vmul.f32 $8.000000000e+00, v4;
	_ =	sdelay $0x1  }
0xfb: {  	[tilespmem:v7+s31+$0x0] =	vst.idx.msk $0xffff, v4  }
0xfc: {  	v4 =	vld [tilespmem:s10+$0x90];
	_ =	sdelay $0x1  }
0xfd: {  	v62 =	vor.u32 v6, v52;
	_ =	sdelay $0x2  }
0xfe: {  	v4 =	vmul.f32 $8.000000000e+00, v4;
	_ =	sdelay $0x1  }
0xff: {  	[tilespmem:v62+s31+$0x0] =	vst.idx.msk $0xffff, v4  }
0x100: {  	v4 =	vld [tilespmem:s10+$0xA0];
	_ =	sdelay $0x1  }
0x101: {  	v63 =	vor.u32 v6, v53;
	_ =	sdelay $0x2  }
0x102: {  	v4 =	vmul.f32 $8.000000000e+00, v4;
	_ =	sdelay $0x1  }
0x103: {  	[tilespmem:v63+s31+$0x0] =	vst.idx.msk $0xffff, v4  }
0x104: {  	v4 =	vld [tilespmem:s10+$0xB0];
	_ =	sdelay $0x1  }
0x105: {  	v5 =	vor.u32 v6, v5;
	_ =	sdelay $0x2  }
0x106: {  	s22 =	sshll.u32 s11, $0x11;
	v4 =	vmul.f32 $8.000000000e+00, v4  }
0x107: {  	s10 =	sor.u32 s6, s22  }
0x108: {  	s13 =	simm.s32 $0x16400;
	s21 =	sadd.s32 s2, s10;
	[tilespmem:v5+s31+$0x0] =	vst.idx.msk $0xffff, v4  }
0x109: {  	[hbm4b:s21+s3] =	stream.linear.scatter [tilespmem:s13], [sflag:$0x9], $0x80, $0x38;
	[tilespmem:$0x1EC00] =	vst v63  }
0x10a: {  	s23 =	simm.s32 $0x16488;
	s22 =	sadd.s32 $0x10, s21  }
0x10b: {  	[hbm4b:s22+s3] =	stream.linear.scatter [tilespmem:s23], [sflag:$0x9], $0x80, $0x38;
	[tilespmem:$0x1EC00] =	vst v63  }
0x10c: {  	s24 =	simm.s32 $0x16510;
	s26 =	sadd.s32 $0x20, s21  }
0x10d: {  	[hbm4b:s26+s3] =	stream.linear.scatter [tilespmem:s24], [sflag:$0x9], $0x80, $0x38;
	[tilespmem:$0x1EC00] =	vst v63  }
0x10e: {  	s22 =	simm.s32 $0x16598;
	s23 =	sadd.s32 $0x30, s21  }
0x10f: {  	[hbm4b:s23+s3] =	stream.linear.scatter [tilespmem:s22], [sflag:$0x9], $0x80, $0x38;
	[tilespmem:$0x1EC00] =	vst v63  }
0x110: {  	s24 =	simm.s32 $0x16620;
	s26 =	sadd.s32 $0x40, s21  }
0x111: {  	[hbm4b:s26+s3] =	stream.linear.scatter [tilespmem:s24], [sflag:$0x9], $0x80, $0x38;
	[tilespmem:$0x1EC00] =	vst v63  }
0x112: {  	s13 =	simm.s32 $0x440;
	s22 =	simm.s32 $0x166A8;
	s23 =	sadd.s32 $0x50, s21  }
0x113: {  	[hbm4b:s23+s3] =	stream.linear.scatter [tilespmem:s22], [sflag:$0x9], $0x80, $0x38;
	[tilespmem:$0x1EC00] =	vst v63  }
0x114: {  	s24 =	simm.s32 $0x16730;
	s26 =	sadd.s32 $0x60, s21;
	s22 =	simm.s32 $0x2200  }
0x115: {  	[hbm4b:s26+s3] =	stream.linear.scatter [tilespmem:s24], [sflag:$0x9], $0x80, $0x38;
	[tilespmem:$0x1EC00] =	vst v63  }
0x116: {  	s23 =	simm.s32 $0x167B8;
	s24 =	sadd.s32 $0x70, s21;
	s21 =	sadd.s32 $0x1000, s21  }
.LBB2_5:
0x117: {  	[hbm4b:s24+s3] =	stream.linear.scatter [tilespmem:s23], [sflag:$0x9], $0x80, $0x38;
	[tilespmem:$0x1EC00] =	vst v63  }
0x118: {  	s23 =	smov.u32 s13;
	s13 =	smov.u32 s22  }
0x119: {  	s26 =	sadd.s32 $0x1100, s22;
	s13 =	sshra.s32 s13, $0x2;
	s24 =	sadd.s32 $0x16400, s23  }
0x11a: {  	[hbm4b:s21+s3] =	stream.linear.scatter [tilespmem:s24], [sflag:$0x9], $0x80, $0x38;
	[tilespmem:$0x1EC00] =	vst v63  }
0x11b: {  	p1 =	sne.s32 s22, $0x7700;
	s22 =	sadd.s32 $0x16488, s23;
	s24 =	sadd.s32 $0x10, s21  }
0x11c: {  	[hbm4b:s24+s3] =	stream.linear.scatter [tilespmem:s22], [sflag:$0x9], $0x80, $0x38;
	[tilespmem:$0x1EC00] =	vst v63  }
0x11d: {  	s22 =	sadd.s32 $0x16510, s23;
	s24 =	sadd.s32 $0x20, s21  }
0x11e: {  	[hbm4b:s24+s3] =	stream.linear.scatter [tilespmem:s22], [sflag:$0x9], $0x80, $0x38;
	[tilespmem:$0x1EC00] =	vst v63  }
0x11f: {  	s22 =	sadd.s32 $0x16598, s23;
	s24 =	sadd.s32 $0x30, s21  }
0x120: {  	[hbm4b:s24+s3] =	stream.linear.scatter [tilespmem:s22], [sflag:$0x9], $0x80, $0x38;
	[tilespmem:$0x1EC00] =	vst v63  }
0x121: {  	s22 =	sadd.s32 $0x16620, s23;
	s24 =	sadd.s32 $0x40, s21  }
0x122: {  	[hbm4b:s24+s3] =	stream.linear.scatter [tilespmem:s22], [sflag:$0x9], $0x80, $0x38;
	[tilespmem:$0x1EC00] =	vst v63  }
.Ltmp3:
0x123: {  	s22 =	sadd.s32 $0x166A8, s23;
	s24 =	sadd.s32 $0x50, s21;
	(pc) =	sbr.rel @p1 .LBB2_5-.Ltmp3, $4  }
0x124: {  	[hbm4b:s24+s3] =	stream.linear.scatter [tilespmem:s22], [sflag:$0x9], $0x80, $0x38;
	[tilespmem:$0x1EC00] =	vst v63  }
0x125: {  	s22 =	sadd.s32 $0x16730, s23;
	s24 =	sadd.s32 $0x60, s21;
	s23 =	sadd.s32 $0x167B8, s23  }
0x126: {  	[hbm4b:s24+s3] =	stream.linear.scatter [tilespmem:s22], [sflag:$0x9], $0x80, $0x38;
	[tilespmem:$0x1EC00] =	vst v63  }
0x127: {  	s24 =	sadd.s32 $0x70, s21;
	s21 =	sadd.s32 $0x1000, s21;
	s22 =	smov.u32 s26  }
0x128: {  	[hbm4b:s24+s3] =	stream.linear.scatter [tilespmem:s23], [sflag:$0x9], $0x80, $0x38;
	[tilespmem:$0x1EC00] =	vst v63  }
0x129: {  	s22 =	sadd.s32 $0x16400, s13  }
0x12a: {  	[hbm4b:s21+s3] =	stream.linear.scatter [tilespmem:s22], [sflag:$0x9], $0x80, $0x38;
	[tilespmem:$0x1EC00] =	vst v63  }
0x12b: {  	s24 =	sadd.s32 $0x16488, s13;
	s26 =	sadd.s32 $0x10, s21  }
0x12c: {  	[hbm4b:s26+s3] =	stream.linear.scatter [tilespmem:s24], [sflag:$0x9], $0x80, $0x38;
	[tilespmem:$0x1EC00] =	vst v63  }
0x12d: {  	s24 =	sadd.s32 $0x16510, s13;
	s26 =	sadd.s32 $0x20, s21  }
0x12e: {  	[hbm4b:s26+s3] =	stream.linear.scatter [tilespmem:s24], [sflag:$0x9], $0x80, $0x38;
	[tilespmem:$0x1EC00] =	vst v63  }
0x12f: {  	s24 =	sadd.s32 $0x16598, s13;
	s26 =	sadd.s32 $0x30, s21  }
0x130: {  	[hbm4b:s26+s3] =	stream.linear.scatter [tilespmem:s24], [sflag:$0x9], $0x80, $0x38;
	[tilespmem:$0x1EC00] =	vst v63  }
0x131: {  	s24 =	sadd.s32 $0x16620, s13;
	s26 =	sadd.s32 $0x40, s21  }
0x132: {  	[hbm4b:s26+s3] =	stream.linear.scatter [tilespmem:s24], [sflag:$0x9], $0x80, $0x38;
	[tilespmem:$0x1EC00] =	vst v63  }
0x133: {  	s24 =	sadd.s32 $0x166A8, s13;
	s26 =	sadd.s32 $0x50, s21  }
0x134: {  	[hbm4b:s26+s3] =	stream.linear.scatter [tilespmem:s24], [sflag:$0x9], $0x80, $0x38;
	[tilespmem:$0x1EC00] =	vst v63  }
0x135: {  	s24 =	sadd.s32 $0x16730, s13;
	s26 =	sadd.s32 $0x60, s21  }
0x136: {  	[hbm4b:s26+s3] =	stream.linear.scatter [tilespmem:s24], [sflag:$0x9], $0x80, $0x38;
	[tilespmem:$0x1EC00] =	vst v63  }
0x137: {  	s23 =	sadd.s32 $0x70, s21;
	p1 =	seq.s32 s11, $0x31;
	s22 =	sadd.s32 $0x167B8, s13  }
0x138: {  	[hbm4b:s23+s3] =	stream.linear.scatter [tilespmem:s22], [sflag:$0x9], $0x80, $0x38;
	[tilespmem:$0x1EC00] =	vst v63  }
0x139: {  	s13 =	sadd.s32 @!p1 $0x200, s5;
	s21 =	simm.s32 @!p1 $0x40;
	s22 =	simm.s32 @!p1 $0x6400  }
0x13a: {  	[tilespmem:s22], [sflag:$0x1] =	stream.indirect.gather @!p1 [hbm4b:s4+s21], $0x80, s13, s21, $0xb8;
	[tilespmem:$0x1EC00] =	vst v63  }
0x13b: {  	s13 =	sadd.s32 @!p1 $0x240, s5;
	s22 =	simm.s32 @!p1 $0x8400  }
0x13c: {  	[tilespmem:s22], [sflag:$0x5] =	stream.indirect.gather @!p1 [hbm4b:s4+s21], $0x80, s13, s21, $0xb8;
	[tilespmem:$0x1EC00] =	vst v63  }
0x13d: {  	_ =	swait.ge [sflag:s1], $0x2000  }
0x13e: {  	[sflag:s1] =	ssyncset.done $0x0  }
0x13f: {  	[sflag:s1] =	ssyncadd.s32 $0xFFFFE000  }
0x140: {  	_ =	swait.ge [sflag:s0], $0x2000  }
0x141: {  	[sflag:s0] =	ssyncset.done $0x0  }
0x142: {  	s13 =	simm.s32 @!p0 $0xA;
	[sflag:s0] =	ssyncadd.s32 $0xFFFFE000  }
0x143: {  	_ =	swait.ge @!p0 [sflag:s13], $0x2000  }
0x144: {  	s24 =	simm.s32 $0x0;
	[sflag:s13] =	ssyncset.done @!p0 $0x0  }
0x145: {  	s26 =	simm.s32 $0x0;
	v4 =	vmov s24;
	[sflag:s13] =	ssyncadd.s32 @!p0 $0xFFFFE000  }
0x146: {  	v6 =	vand.u32 $0x78, v4;
	v5 =	vld [tilespmem:s26+$0xA400]  }
0x147: {  	v4 =	vand.u32 $0x4, v4;
	v7 =	vadd.s32 v0, v6  }
0x148: {  	v8 =	vor.u32 v4, v7;
	_ =	sdelay $0x2  }
0x149: {  	v5 =	vmul.f32 $8.000000000e+00, v5;
	_ =	sdelay $0x1  }
0x14a: {  	[tilespmem:v8+s12+$0x0] =	vst.idx.msk $0xffff, v5  }
0x14b: {  	v5 =	vld [tilespmem:s26+$0xA410]  }
0x14c: {  	v54 =	vadd.s32 v1, v6  }
0x14d: {  	v9 =	vor.u32 v4, v54;
	_ =	sdelay $0x2  }
0x14e: {  	v5 =	vmul.f32 $8.000000000e+00, v5;
	_ =	sdelay $0x1  }
0x14f: {  	[tilespmem:v9+s12+$0x0] =	vst.idx.msk $0xffff, v5  }
0x150: {  	v5 =	vld [tilespmem:s26+$0xA420]  }
0x151: {  	v55 =	vadd.s32 v2, v6  }
0x152: {  	v10 =	vor.u32 v4, v55;
	_ =	sdelay $0x2  }
0x153: {  	v5 =	vmul.f32 $8.000000000e+00, v5;
	_ =	sdelay $0x1  }
0x154: {  	[tilespmem:v10+s12+$0x0] =	vst.idx.msk $0xffff, v5  }
0x155: {  	v5 =	vld [tilespmem:s26+$0xA430]  }
0x156: {  	v6 =	vadd.s32 v3, v6  }
0x157: {  	v56 =	vor.u32 v4, v6;
	_ =	sdelay $0x2  }
0x158: {  	v5 =	vmul.f32 $8.000000000e+00, v5;
	_ =	sdelay $0x1  }
0x159: {  	[tilespmem:v56+s12+$0x0] =	vst.idx.msk $0xffff, v5  }
0x15a: {  	v5 =	vld [tilespmem:s26+$0xA480]  }
0x15b: {  	v57 =	vor.u32 $0x1, v4  }
0x15c: {  	v11 =	vor.u32 v57, v7;
	_ =	sdelay $0x2  }
0x15d: {  	v5 =	vmul.f32 $8.000000000e+00, v5;
	_ =	sdelay $0x1  }
0x15e: {  	[tilespmem:v11+s12+$0x0] =	vst.idx.msk $0xffff, v5  }
0x15f: {  	v5 =	vld [tilespmem:s26+$0xA490];
	_ =	sdelay $0x1  }
0x160: {  	v58 =	vor.u32 v57, v54;
	_ =	sdelay $0x2  }
0x161: {  	v5 =	vmul.f32 $8.000000000e+00, v5;
	_ =	sdelay $0x1  }
0x162: {  	[tilespmem:v58+s12+$0x0] =	vst.idx.msk $0xffff, v5  }
0x163: {  	v5 =	vld [tilespmem:s26+$0xA4A0];
	_ =	sdelay $0x1  }
0x164: {  	v59 =	vor.u32 v57, v55;
	_ =	sdelay $0x2  }
0x165: {  	v5 =	vmul.f32 $8.000000000e+00, v5;
	_ =	sdelay $0x1  }
0x166: {  	[tilespmem:v59+s12+$0x0] =	vst.idx.msk $0xffff, v5  }
0x167: {  	v5 =	vld [tilespmem:s26+$0xA4B0];
	_ =	sdelay $0x1  }
0x168: {  	v10 =	vor.u32 v57, v6;
	_ =	sdelay $0x2  }
0x169: {  	v5 =	vmul.f32 $8.000000000e+00, v5;
	_ =	sdelay $0x1  }
0x16a: {  	[tilespmem:v10+s12+$0x0] =	vst.idx.msk $0xffff, v5  }
0x16b: {  	v5 =	vld [tilespmem:s26+$0xA500]  }
0x16c: {  	v60 =	vor.u32 $0x2, v4  }
0x16d: {  	v61 =	vor.u32 v60, v7;
	_ =	sdelay $0x2  }
0x16e: {  	v5 =	vmul.f32 $8.000000000e+00, v5;
	_ =	sdelay $0x1  }
0x16f: {  	[tilespmem:v61+s12+$0x0] =	vst.idx.msk $0xffff, v5  }
0x170: {  	v5 =	vld [tilespmem:s26+$0xA510];
	_ =	sdelay $0x1  }
0x171: {  	v62 =	vor.u32 v60, v54;
	_ =	sdelay $0x2  }
0x172: {  	v5 =	vmul.f32 $8.000000000e+00, v5;
	_ =	sdelay $0x1  }
0x173: {  	[tilespmem:v62+s12+$0x0] =	vst.idx.msk $0xffff, v5  }
0x174: {  	v5 =	vld [tilespmem:s26+$0xA520];
	_ =	sdelay $0x1  }
0x175: {  	v63 =	vor.u32 v60, v55;
	_ =	sdelay $0x2  }
0x176: {  	v5 =	vmul.f32 $8.000000000e+00, v5;
	_ =	sdelay $0x1  }
0x177: {  	[tilespmem:v63+s12+$0x0] =	vst.idx.msk $0xffff, v5  }
0x178: {  	v5 =	vld [tilespmem:s26+$0xA530];
	_ =	sdelay $0x1  }
0x179: {  	v10 =	vor.u32 v60, v6;
	_ =	sdelay $0x2  }
0x17a: {  	v5 =	vmul.f32 $8.000000000e+00, v5;
	_ =	sdelay $0x1  }
0x17b: {  	[tilespmem:v10+s12+$0x0] =	vst.idx.msk $0xffff, v5  }
0x17c: {  	v5 =	vld [tilespmem:s26+$0xA580]  }
0x17d: {  	v4 =	vor.u32 $0x3, v4  }
0x17e: {  	v7 =	vor.u32 v4, v7;
	_ =	sdelay $0x2  }
0x17f: {  	v5 =	vmul.f32 $8.000000000e+00, v5;
	_ =	sdelay $0x1  }
0x180: {  	[tilespmem:v7+s12+$0x0] =	vst.idx.msk $0xffff, v5  }
0x181: {  	v5 =	vld [tilespmem:s26+$0xA590];
	_ =	sdelay $0x1  }
0x182: {  	v7 =	vor.u32 v4, v54;
	_ =	sdelay $0x2  }
0x183: {  	v5 =	vmul.f32 $8.000000000e+00, v5;
	_ =	sdelay $0x1  }
0x184: {  	[tilespmem:v7+s12+$0x0] =	vst.idx.msk $0xffff, v5  }
0x185: {  	v5 =	vld [tilespmem:s26+$0xA5A0];
	_ =	sdelay $0x1  }
0x186: {  	v7 =	vor.u32 v4, v55;
	_ =	sdelay $0x2  }
0x187: {  	v5 =	vmul.f32 $8.000000000e+00, v5;
	_ =	sdelay $0x1  }
0x188: {  	[tilespmem:v7+s12+$0x0] =	vst.idx.msk $0xffff, v5  }
0x189: {  	v5 =	vld [tilespmem:s26+$0xA5B0];
	_ =	sdelay $0x1  }
0x18a: {  	v4 =	vor.u32 v4, v6;
	_ =	sdelay $0x2  }
0x18b: {  	s21 =	simm.s32 $0x1000;
	s22 =	simm.s32 $0x4;
	s13 =	simm.s32 $0x800;
	v5 =	vmul.f32 $8.000000000e+00, v5  }
.LBB2_7:
0x18c: {  	p2 =	sne.s32 s21, $0xF800  }
0x18d: {  	v6 =	vmov s22;
	s23 =	sshra.s32 s13, $0x2;
	[tilespmem:v4+s12+$0x0] =	vst.idx.msk $0xffff, v5;
	s13 =	smov.u32 s21;
	s21 =	sadd.s32 $0x800, s21  }
0x18e: {  	v4 =	vld [tilespmem:s23+$0xA400];
	v5 =	vand.u32 $0x78, v6  }
0x18f: {  	v6 =	vand.u32 $0x4, v6;
	v7 =	vadd.s32 v0, v5;
	v8 =	vadd.s32 v1, v5  }
0x190: {  	v11 =	vadd.s32 v2, v5;
	v9 =	vor.u32 v6, v7;
	v10 =	vor.u32 v6, v8  }
0x191: {  	v13 =	vadd.s32 v3, v5;
	v5 =	vor.u32 $0x1, v6;
	v12 =	vor.u32 v6, v11  }
0x192: {  	v14 =	vor.u32 v6, v13;
	v15 =	vor.u32 v5, v7;
	v16 =	vor.u32 v5, v8  }
0x193: {  	v17 =	vor.u32 v5, v11;
	v18 =	vor.u32 v5, v13;
	v4 =	vmul.f32 $8.000000000e+00, v4  }
0x194: {  	v19 =	vor.u32 $0x3, v6;
	v5 =	vor.u32 $0x2, v6  }
0x195: {  	v20 =	vor.u32 v5, v8;
	[tilespmem:v9+s12+$0x0] =	vst.idx.msk $0xffff, v4;
	v9 =	vor.u32 v5, v7  }
0x196: {  	v22 =	vor.u32 v5, v11;
	v23 =	vor.u32 v5, v13;
	v7 =	vor.u32 v19, v7;
	v21 =	vld [tilespmem:s23+$0xA410]  }
0x197: {  	v6 =	vor.u32 v19, v8;
	v5 =	vor.u32 v19, v11;
	v4 =	vor.u32 v19, v13;
	_ =	sdelay $0x3  }
0x198: {  	v8 =	vmul.f32 $8.000000000e+00, v21;
	_ =	sdelay $0x1  }
0x199: {  	[tilespmem:v10+s12+$0x0] =	vst.idx.msk $0xffff, v8  }
0x19a: {  	v8 =	vld [tilespmem:s23+$0xA420];
	_ =	sdelay $0x4  }
0x19b: {  	v8 =	vmul.f32 $8.000000000e+00, v8;
	_ =	sdelay $0x1  }
0x19c: {  	[tilespmem:v12+s12+$0x0] =	vst.idx.msk $0xffff, v8  }
0x19d: {  	v8 =	vld [tilespmem:s23+$0xA430];
	_ =	sdelay $0x4  }
0x19e: {  	v8 =	vmul.f32 $8.000000000e+00, v8;
	_ =	sdelay $0x1  }
0x19f: {  	[tilespmem:v14+s12+$0x0] =	vst.idx.msk $0xffff, v8  }
0x1a0: {  	v8 =	vld [tilespmem:s23+$0xA480];
	_ =	sdelay $0x4  }
0x1a1: {  	v8 =	vmul.f32 $8.000000000e+00, v8;
	_ =	sdelay $0x1  }
0x1a2: {  	[tilespmem:v15+s12+$0x0] =	vst.idx.msk $0xffff, v8  }
0x1a3: {  	v8 =	vld [tilespmem:s23+$0xA490];
	_ =	sdelay $0x4  }
0x1a4: {  	v8 =	vmul.f32 $8.000000000e+00, v8;
	_ =	sdelay $0x1  }
0x1a5: {  	[tilespmem:v16+s12+$0x0] =	vst.idx.msk $0xffff, v8  }
0x1a6: {  	v8 =	vld [tilespmem:s23+$0xA4A0];
	_ =	sdelay $0x4  }
0x1a7: {  	v8 =	vmul.f32 $8.000000000e+00, v8;
	_ =	sdelay $0x1  }
0x1a8: {  	[tilespmem:v17+s12+$0x0] =	vst.idx.msk $0xffff, v8  }
0x1a9: {  	v8 =	vld [tilespmem:s23+$0xA4B0];
	_ =	sdelay $0x4  }
0x1aa: {  	v8 =	vmul.f32 $8.000000000e+00, v8;
	_ =	sdelay $0x1  }
0x1ab: {  	[tilespmem:v18+s12+$0x0] =	vst.idx.msk $0xffff, v8  }
0x1ac: {  	v8 =	vld [tilespmem:s23+$0xA500];
	_ =	sdelay $0x4  }
0x1ad: {  	v8 =	vmul.f32 $8.000000000e+00, v8;
	_ =	sdelay $0x1  }
0x1ae: {  	[tilespmem:v9+s12+$0x0] =	vst.idx.msk $0xffff, v8  }
0x1af: {  	v8 =	vld [tilespmem:s23+$0xA510];
	_ =	sdelay $0x4  }
0x1b0: {  	v8 =	vmul.f32 $8.000000000e+00, v8;
	_ =	sdelay $0x1  }
0x1b1: {  	[tilespmem:v20+s12+$0x0] =	vst.idx.msk $0xffff, v8  }
0x1b2: {  	v8 =	vld [tilespmem:s23+$0xA520];
	_ =	sdelay $0x4  }
0x1b3: {  	v8 =	vmul.f32 $8.000000000e+00, v8;
	_ =	sdelay $0x1  }
0x1b4: {  	[tilespmem:v22+s12+$0x0] =	vst.idx.msk $0xffff, v8  }
0x1b5: {  	v8 =	vld [tilespmem:s23+$0xA530];
	_ =	sdelay $0x4  }
0x1b6: {  	v8 =	vmul.f32 $8.000000000e+00, v8;
	_ =	sdelay $0x1  }
0x1b7: {  	[tilespmem:v23+s12+$0x0] =	vst.idx.msk $0xffff, v8  }
0x1b8: {  	v8 =	vld [tilespmem:s23+$0xA580];
	_ =	sdelay $0x4  }
0x1b9: {  	v8 =	vmul.f32 $8.000000000e+00, v8;
	_ =	sdelay $0x1  }
0x1ba: {  	[tilespmem:v7+s12+$0x0] =	vst.idx.msk $0xffff, v8  }
0x1bb: {  	v7 =	vld [tilespmem:s23+$0xA590];
	_ =	sdelay $0x4  }
0x1bc: {  	v7 =	vmul.f32 $8.000000000e+00, v7;
	_ =	sdelay $0x1  }
0x1bd: {  	[tilespmem:v6+s12+$0x0] =	vst.idx.msk $0xffff, v7  }
0x1be: {  	v6 =	vld [tilespmem:s23+$0xA5A0];
	_ =	sdelay $0x4  }
0x1bf: {  	v6 =	vmul.f32 $8.000000000e+00, v6;
	_ =	sdelay $0x1  }
0x1c0: {  	[tilespmem:v5+s12+$0x0] =	vst.idx.msk $0xffff, v6  }
0x1c1: {  	v5 =	vld [tilespmem:s23+$0xA5B0];
	_ =	sdelay $0x1  }
.Ltmp4:
0x1c2: {  	(pc) =	sbr.rel @p2 .LBB2_7-.Ltmp4, $3  }
0x1c3: {  	_ =	sdelay $0x1  }
0x1c4: {  	v5 =	vmul.f32 $8.000000000e+00, v5  }
0x1c5: {  	s22 =	sadd.s32 $0x4, s22  }
0x1c6: {  	_ =	sdelay $0x3  }
0x1c7: {  	v6 =	vmov s22;
	s13 =	sshra.s32 s13, $0x2;
	[tilespmem:v4+s12+$0x0] =	vst.idx.msk $0xffff, v5  }
0x1c8: {  	v4 =	vld [tilespmem:s13+$0xA400];
	v5 =	vand.u32 $0x78, v6  }
0x1c9: {  	v6 =	vand.u32 $0x4, v6;
	v7 =	vadd.s32 v0, v5  }
0x1ca: {  	v8 =	vor.u32 v6, v7;
	_ =	sdelay $0x2  }
0x1cb: {  	v4 =	vmul.f32 $8.000000000e+00, v4;
	_ =	sdelay $0x1  }
0x1cc: {  	[tilespmem:v8+s12+$0x0] =	vst.idx.msk $0xffff, v4  }
0x1cd: {  	v4 =	vld [tilespmem:s13+$0xA410]  }
0x1ce: {  	v52 =	vadd.s32 v1, v5  }
0x1cf: {  	v9 =	vor.u32 v6, v52;
	_ =	sdelay $0x2  }
0x1d0: {  	v4 =	vmul.f32 $8.000000000e+00, v4;
	_ =	sdelay $0x1  }
0x1d1: {  	[tilespmem:v9+s12+$0x0] =	vst.idx.msk $0xffff, v4  }
0x1d2: {  	v4 =	vld [tilespmem:s13+$0xA420]  }
0x1d3: {  	v53 =	vadd.s32 v2, v5  }
0x1d4: {  	v10 =	vor.u32 v6, v53;
	_ =	sdelay $0x2  }
0x1d5: {  	v4 =	vmul.f32 $8.000000000e+00, v4;
	_ =	sdelay $0x1  }
0x1d6: {  	[tilespmem:v10+s12+$0x0] =	vst.idx.msk $0xffff, v4  }
0x1d7: {  	v4 =	vld [tilespmem:s13+$0xA430]  }
0x1d8: {  	v5 =	vadd.s32 v3, v5  }
0x1d9: {  	v54 =	vor.u32 v6, v5;
	_ =	sdelay $0x2  }
0x1da: {  	v4 =	vmul.f32 $8.000000000e+00, v4;
	_ =	sdelay $0x1  }
0x1db: {  	[tilespmem:v54+s12+$0x0] =	vst.idx.msk $0xffff, v4  }
0x1dc: {  	v4 =	vld [tilespmem:s13+$0xA480]  }
0x1dd: {  	v55 =	vor.u32 $0x1, v6  }
0x1de: {  	v11 =	vor.u32 v55, v7;
	_ =	sdelay $0x2  }
0x1df: {  	v4 =	vmul.f32 $8.000000000e+00, v4;
	_ =	sdelay $0x1  }
0x1e0: {  	[tilespmem:v11+s12+$0x0] =	vst.idx.msk $0xffff, v4  }
0x1e1: {  	v4 =	vld [tilespmem:s13+$0xA490];
	_ =	sdelay $0x1  }
0x1e2: {  	v56 =	vor.u32 v55, v52;
	_ =	sdelay $0x2  }
0x1e3: {  	v4 =	vmul.f32 $8.000000000e+00, v4;
	_ =	sdelay $0x1  }
0x1e4: {  	[tilespmem:v56+s12+$0x0] =	vst.idx.msk $0xffff, v4  }
0x1e5: {  	v4 =	vld [tilespmem:s13+$0xA4A0];
	_ =	sdelay $0x1  }
0x1e6: {  	v57 =	vor.u32 v55, v53;
	_ =	sdelay $0x2  }
0x1e7: {  	v4 =	vmul.f32 $8.000000000e+00, v4;
	_ =	sdelay $0x1  }
0x1e8: {  	[tilespmem:v57+s12+$0x0] =	vst.idx.msk $0xffff, v4  }
0x1e9: {  	v4 =	vld [tilespmem:s13+$0xA4B0];
	_ =	sdelay $0x1  }
0x1ea: {  	v10 =	vor.u32 v55, v5;
	_ =	sdelay $0x2  }
0x1eb: {  	v4 =	vmul.f32 $8.000000000e+00, v4;
	_ =	sdelay $0x1  }
0x1ec: {  	[tilespmem:v10+s12+$0x0] =	vst.idx.msk $0xffff, v4  }
0x1ed: {  	v4 =	vld [tilespmem:s13+$0xA500]  }
0x1ee: {  	v58 =	vor.u32 $0x2, v6  }
0x1ef: {  	v59 =	vor.u32 v58, v7;
	_ =	sdelay $0x2  }
0x1f0: {  	v4 =	vmul.f32 $8.000000000e+00, v4;
	_ =	sdelay $0x1  }
0x1f1: {  	[tilespmem:v59+s12+$0x0] =	vst.idx.msk $0xffff, v4  }
0x1f2: {  	v4 =	vld [tilespmem:s13+$0xA510];
	_ =	sdelay $0x1  }
0x1f3: {  	v60 =	vor.u32 v58, v52;
	_ =	sdelay $0x2  }
0x1f4: {  	v4 =	vmul.f32 $8.000000000e+00, v4;
	_ =	sdelay $0x1  }
0x1f5: {  	[tilespmem:v60+s12+$0x0] =	vst.idx.msk $0xffff, v4  }
0x1f6: {  	v4 =	vld [tilespmem:s13+$0xA520];
	_ =	sdelay $0x1  }
0x1f7: {  	v61 =	vor.u32 v58, v53;
	_ =	sdelay $0x2  }
0x1f8: {  	v4 =	vmul.f32 $8.000000000e+00, v4;
	_ =	sdelay $0x1  }
0x1f9: {  	[tilespmem:v61+s12+$0x0] =	vst.idx.msk $0xffff, v4  }
0x1fa: {  	v4 =	vld [tilespmem:s13+$0xA530];
	_ =	sdelay $0x1  }
0x1fb: {  	v10 =	vor.u32 v58, v5;
	_ =	sdelay $0x2  }
0x1fc: {  	v4 =	vmul.f32 $8.000000000e+00, v4;
	_ =	sdelay $0x1  }
0x1fd: {  	[tilespmem:v10+s12+$0x0] =	vst.idx.msk $0xffff, v4  }
0x1fe: {  	v4 =	vld [tilespmem:s13+$0xA580]  }
0x1ff: {  	v6 =	vor.u32 $0x3, v6  }
0x200: {  	v7 =	vor.u32 v6, v7;
	_ =	sdelay $0x2  }
0x201: {  	v4 =	vmul.f32 $8.000000000e+00, v4;
	_ =	sdelay $0x1  }
0x202: {  	[tilespmem:v7+s12+$0x0] =	vst.idx.msk $0xffff, v4  }
0x203: {  	v4 =	vld [tilespmem:s13+$0xA590];
	_ =	sdelay $0x1  }
0x204: {  	v62 =	vor.u32 v6, v52;
	_ =	sdelay $0x2  }
0x205: {  	v4 =	vmul.f32 $8.000000000e+00, v4;
	_ =	sdelay $0x1  }
0x206: {  	[tilespmem:v62+s12+$0x0] =	vst.idx.msk $0xffff, v4  }
0x207: {  	v4 =	vld [tilespmem:s13+$0xA5A0];
	_ =	sdelay $0x1  }
0x208: {  	v63 =	vor.u32 v6, v53;
	_ =	sdelay $0x2  }
0x209: {  	v4 =	vmul.f32 $8.000000000e+00, v4;
	_ =	sdelay $0x1  }
0x20a: {  	[tilespmem:v63+s12+$0x0] =	vst.idx.msk $0xffff, v4  }
0x20b: {  	v4 =	vld [tilespmem:s13+$0xA5B0];
	_ =	sdelay $0x1  }
0x20c: {  	v5 =	vor.u32 v6, v5;
	_ =	sdelay $0x2  }
0x20d: {  	v4 =	vmul.f32 $8.000000000e+00, v4;
	_ =	sdelay $0x1  }
0x20e: {  	s21 =	sadd.s32 s10, s7;
	s26 =	simm.s32 $0x18600;
	[tilespmem:v5+s12+$0x0] =	vst.idx.msk $0xffff, v4  }
0x20f: {  	[hbm4b:s21+s3] =	stream.linear.scatter [tilespmem:s26], [sflag:$0xA], $0x80, $0x38;
	[tilespmem:$0x1EC00] =	vst v63  }
0x210: {  	s22 =	simm.s32 $0x18688;
	s23 =	sadd.s32 $0x10, s21  }
0x211: {  	[hbm4b:s23+s3] =	stream.linear.scatter [tilespmem:s22], [sflag:$0xA], $0x80, $0x38;
	[tilespmem:$0x1EC00] =	vst v63  }
0x212: {  	s24 =	simm.s32 $0x18710;
	s26 =	sadd.s32 $0x20, s21  }
0x213: {  	[hbm4b:s26+s3] =	stream.linear.scatter [tilespmem:s24], [sflag:$0xA], $0x80, $0x38;
	[tilespmem:$0x1EC00] =	vst v63  }
0x214: {  	s22 =	simm.s32 $0x18798;
	s23 =	sadd.s32 $0x30, s21  }
0x215: {  	[hbm4b:s23+s3] =	stream.linear.scatter [tilespmem:s22], [sflag:$0xA], $0x80, $0x38;
	[tilespmem:$0x1EC00] =	vst v63  }
0x216: {  	s24 =	simm.s32 $0x18820;
	s26 =	sadd.s32 $0x40, s21  }
0x217: {  	[hbm4b:s26+s3] =	stream.linear.scatter [tilespmem:s24], [sflag:$0xA], $0x80, $0x38;
	[tilespmem:$0x1EC00] =	vst v63  }
0x218: {  	s13 =	simm.s32 $0x440;
	s22 =	simm.s32 $0x188A8;
	s23 =	sadd.s32 $0x50, s21  }
0x219: {  	[hbm4b:s23+s3] =	stream.linear.scatter [tilespmem:s22], [sflag:$0xA], $0x80, $0x38;
	[tilespmem:$0x1EC00] =	vst v63  }
0x21a: {  	s24 =	simm.s32 $0x18930;
	s26 =	sadd.s32 $0x60, s21;
	s22 =	simm.s32 $0x2200  }
0x21b: {  	[hbm4b:s26+s3] =	stream.linear.scatter [tilespmem:s24], [sflag:$0xA], $0x80, $0x38;
	[tilespmem:$0x1EC00] =	vst v63  }
0x21c: {  	s23 =	simm.s32 $0x189B8;
	s24 =	sadd.s32 $0x70, s21;
	s21 =	sadd.s32 $0x1000, s21  }
.LBB2_9:
0x21d: {  	[hbm4b:s24+s3] =	stream.linear.scatter [tilespmem:s23], [sflag:$0xA], $0x80, $0x38;
	[tilespmem:$0x1EC00] =	vst v63  }
0x21e: {  	s23 =	smov.u32 s13;
	s13 =	smov.u32 s22  }
0x21f: {  	s26 =	sadd.s32 $0x1100, s22;
	s13 =	sshra.s32 s13, $0x2;
	s24 =	sadd.s32 $0x18600, s23  }
0x220: {  	[hbm4b:s21+s3] =	stream.linear.scatter [tilespmem:s24], [sflag:$0xA], $0x80, $0x38;
	[tilespmem:$0x1EC00] =	vst v63  }
0x221: {  	p2 =	sne.s32 s22, $0x7700;
	s22 =	sadd.s32 $0x18688, s23;
	s24 =	sadd.s32 $0x10, s21  }
0x222: {  	[hbm4b:s24+s3] =	stream.linear.scatter [tilespmem:s22], [sflag:$0xA], $0x80, $0x38;
	[tilespmem:$0x1EC00] =	vst v63  }
0x223: {  	s22 =	sadd.s32 $0x18710, s23;
	s24 =	sadd.s32 $0x20, s21  }
0x224: {  	[hbm4b:s24+s3] =	stream.linear.scatter [tilespmem:s22], [sflag:$0xA], $0x80, $0x38;
	[tilespmem:$0x1EC00] =	vst v63  }
0x225: {  	s22 =	sadd.s32 $0x18798, s23;
	s24 =	sadd.s32 $0x30, s21  }
0x226: {  	[hbm4b:s24+s3] =	stream.linear.scatter [tilespmem:s22], [sflag:$0xA], $0x80, $0x38;
	[tilespmem:$0x1EC00] =	vst v63  }
0x227: {  	s22 =	sadd.s32 $0x18820, s23;
	s24 =	sadd.s32 $0x40, s21  }
0x228: {  	[hbm4b:s24+s3] =	stream.linear.scatter [tilespmem:s22], [sflag:$0xA], $0x80, $0x38;
	[tilespmem:$0x1EC00] =	vst v63  }
.Ltmp5:
0x229: {  	s22 =	sadd.s32 $0x188A8, s23;
	s24 =	sadd.s32 $0x50, s21;
	(pc) =	sbr.rel @p2 .LBB2_9-.Ltmp5, $4  }
0x22a: {  	[hbm4b:s24+s3] =	stream.linear.scatter [tilespmem:s22], [sflag:$0xA], $0x80, $0x38;
	[tilespmem:$0x1EC00] =	vst v63  }
0x22b: {  	s22 =	sadd.s32 $0x18930, s23;
	s24 =	sadd.s32 $0x60, s21;
	s23 =	sadd.s32 $0x189B8, s23  }
0x22c: {  	[hbm4b:s24+s3] =	stream.linear.scatter [tilespmem:s22], [sflag:$0xA], $0x80, $0x38;
	[tilespmem:$0x1EC00] =	vst v63  }
0x22d: {  	s24 =	sadd.s32 $0x70, s21;
	s21 =	sadd.s32 $0x1000, s21;
	s22 =	smov.u32 s26  }
0x22e: {  	[hbm4b:s24+s3] =	stream.linear.scatter [tilespmem:s23], [sflag:$0xA], $0x80, $0x38;
	[tilespmem:$0x1EC00] =	vst v63  }
0x22f: {  	s22 =	sadd.s32 $0x18600, s13  }
0x230: {  	[hbm4b:s21+s3] =	stream.linear.scatter [tilespmem:s22], [sflag:$0xA], $0x80, $0x38;
	[tilespmem:$0x1EC00] =	vst v63  }
0x231: {  	s24 =	sadd.s32 $0x18688, s13;
	s26 =	sadd.s32 $0x10, s21  }
0x232: {  	[hbm4b:s26+s3] =	stream.linear.scatter [tilespmem:s24], [sflag:$0xA], $0x80, $0x38;
	[tilespmem:$0x1EC00] =	vst v63  }
0x233: {  	s24 =	sadd.s32 $0x18710, s13;
	s26 =	sadd.s32 $0x20, s21  }
0x234: {  	[hbm4b:s26+s3] =	stream.linear.scatter [tilespmem:s24], [sflag:$0xA], $0x80, $0x38;
	[tilespmem:$0x1EC00] =	vst v63  }
0x235: {  	s24 =	sadd.s32 $0x18798, s13;
	s26 =	sadd.s32 $0x30, s21  }
0x236: {  	[hbm4b:s26+s3] =	stream.linear.scatter [tilespmem:s24], [sflag:$0xA], $0x80, $0x38;
	[tilespmem:$0x1EC00] =	vst v63  }
0x237: {  	s24 =	sadd.s32 $0x18820, s13;
	s26 =	sadd.s32 $0x40, s21  }
0x238: {  	[hbm4b:s26+s3] =	stream.linear.scatter [tilespmem:s24], [sflag:$0xA], $0x80, $0x38;
	[tilespmem:$0x1EC00] =	vst v63  }
0x239: {  	s24 =	sadd.s32 $0x188A8, s13;
	s26 =	sadd.s32 $0x50, s21  }
0x23a: {  	[hbm4b:s26+s3] =	stream.linear.scatter [tilespmem:s24], [sflag:$0xA], $0x80, $0x38;
	[tilespmem:$0x1EC00] =	vst v63  }
0x23b: {  	s24 =	sadd.s32 $0x18930, s13;
	s26 =	sadd.s32 $0x60, s21  }
0x23c: {  	[hbm4b:s26+s3] =	stream.linear.scatter [tilespmem:s24], [sflag:$0xA], $0x80, $0x38;
	[tilespmem:$0x1EC00] =	vst v63  }
0x23d: {  	s23 =	sadd.s32 $0x70, s21;
	s22 =	sadd.s32 $0x189B8, s13  }
0x23e: {  	[hbm4b:s23+s3] =	stream.linear.scatter [tilespmem:s22], [sflag:$0xA], $0x80, $0x38;
	[tilespmem:$0x1EC00] =	vst v63  }
0x23f: {  	s13 =	sadd.s32 @!p1 $0x280, s5;
	s21 =	simm.s32 @!p1 $0x40;
	s22 =	simm.s32 @!p1 $0xA400  }
0x240: {  	[tilespmem:s22], [sflag:$0x2] =	stream.indirect.gather @!p1 [hbm4b:s4+s21], $0x80, s13, s21, $0xb8;
	[tilespmem:$0x1EC00] =	vst v63  }
0x241: {  	s13 =	sadd.s32 @!p1 $0x2C0, s5;
	s22 =	simm.s32 @!p1 $0xC400  }
0x242: {  	[tilespmem:s22], [sflag:$0x6] =	stream.indirect.gather @!p1 [hbm4b:s4+s21], $0x80, s13, s21, $0xb8;
	[tilespmem:$0x1EC00] =	vst v63  }
0x243: {  	_ =	swait.ge [sflag:s15], $0x2000  }
0x244: {  	[sflag:s15] =	ssyncset.done $0x0  }
0x245: {  	[sflag:s15] =	ssyncadd.s32 $0xFFFFE000  }
0x246: {  	_ =	swait.ge [sflag:s16], $0x2000  }
0x247: {  	[sflag:s16] =	ssyncset.done $0x0  }
0x248: {  	s13 =	simm.s32 @!p0 $0xB;
	[sflag:s16] =	ssyncadd.s32 $0xFFFFE000  }
0x249: {  	_ =	swait.ge @!p0 [sflag:s13], $0x2000  }
0x24a: {  	s24 =	simm.s32 $0x0;
	[sflag:s13] =	ssyncset.done @!p0 $0x0  }
0x24b: {  	s26 =	simm.s32 $0x0;
	v4 =	vmov s24;
	[sflag:s13] =	ssyncadd.s32 @!p0 $0xFFFFE000  }
0x24c: {  	v6 =	vand.u32 $0x78, v4;
	v5 =	vld [tilespmem:s26+$0xE400]  }
0x24d: {  	v4 =	vand.u32 $0x4, v4;
	v7 =	vadd.s32 v0, v6  }
0x24e: {  	v8 =	vor.u32 v4, v7;
	_ =	sdelay $0x2  }
0x24f: {  	v5 =	vmul.f32 $8.000000000e+00, v5;
	_ =	sdelay $0x1  }
0x250: {  	[tilespmem:v8+s17+$0x0] =	vst.idx.msk $0xffff, v5  }
0x251: {  	v5 =	vld [tilespmem:s26+$0xE410]  }
0x252: {  	v54 =	vadd.s32 v1, v6  }
0x253: {  	v9 =	vor.u32 v4, v54;
	_ =	sdelay $0x2  }
0x254: {  	v5 =	vmul.f32 $8.000000000e+00, v5;
	_ =	sdelay $0x1  }
0x255: {  	[tilespmem:v9+s17+$0x0] =	vst.idx.msk $0xffff, v5  }
0x256: {  	v5 =	vld [tilespmem:s26+$0xE420]  }
0x257: {  	v55 =	vadd.s32 v2, v6  }
0x258: {  	v10 =	vor.u32 v4, v55;
	_ =	sdelay $0x2  }
0x259: {  	v5 =	vmul.f32 $8.000000000e+00, v5;
	_ =	sdelay $0x1  }
0x25a: {  	[tilespmem:v10+s17+$0x0] =	vst.idx.msk $0xffff, v5  }
0x25b: {  	v5 =	vld [tilespmem:s26+$0xE430]  }
0x25c: {  	v6 =	vadd.s32 v3, v6  }
0x25d: {  	v56 =	vor.u32 v4, v6;
	_ =	sdelay $0x2  }
0x25e: {  	v5 =	vmul.f32 $8.000000000e+00, v5;
	_ =	sdelay $0x1  }
0x25f: {  	[tilespmem:v56+s17+$0x0] =	vst.idx.msk $0xffff, v5  }
0x260: {  	v5 =	vld [tilespmem:s26+$0xE480]  }
0x261: {  	v57 =	vor.u32 $0x1, v4  }
0x262: {  	v11 =	vor.u32 v57, v7;
	_ =	sdelay $0x2  }
0x263: {  	v5 =	vmul.f32 $8.000000000e+00, v5;
	_ =	sdelay $0x1  }
0x264: {  	[tilespmem:v11+s17+$0x0] =	vst.idx.msk $0xffff, v5  }
0x265: {  	v5 =	vld [tilespmem:s26+$0xE490];
	_ =	sdelay $0x1  }
0x266: {  	v58 =	vor.u32 v57, v54;
	_ =	sdelay $0x2  }
0x267: {  	v5 =	vmul.f32 $8.000000000e+00, v5;
	_ =	sdelay $0x1  }
0x268: {  	[tilespmem:v58+s17+$0x0] =	vst.idx.msk $0xffff, v5  }
0x269: {  	v5 =	vld [tilespmem:s26+$0xE4A0];
	_ =	sdelay $0x1  }
0x26a: {  	v59 =	vor.u32 v57, v55;
	_ =	sdelay $0x2  }
0x26b: {  	v5 =	vmul.f32 $8.000000000e+00, v5;
	_ =	sdelay $0x1  }
0x26c: {  	[tilespmem:v59+s17+$0x0] =	vst.idx.msk $0xffff, v5  }
0x26d: {  	v5 =	vld [tilespmem:s26+$0xE4B0];
	_ =	sdelay $0x1  }
0x26e: {  	v10 =	vor.u32 v57, v6;
	_ =	sdelay $0x2  }
0x26f: {  	v5 =	vmul.f32 $8.000000000e+00, v5;
	_ =	sdelay $0x1  }
0x270: {  	[tilespmem:v10+s17+$0x0] =	vst.idx.msk $0xffff, v5  }
0x271: {  	v5 =	vld [tilespmem:s26+$0xE500]  }
0x272: {  	v60 =	vor.u32 $0x2, v4  }
0x273: {  	v61 =	vor.u32 v60, v7;
	_ =	sdelay $0x2  }
0x274: {  	v5 =	vmul.f32 $8.000000000e+00, v5;
	_ =	sdelay $0x1  }
0x275: {  	[tilespmem:v61+s17+$0x0] =	vst.idx.msk $0xffff, v5  }
0x276: {  	v5 =	vld [tilespmem:s26+$0xE510];
	_ =	sdelay $0x1  }
0x277: {  	v62 =	vor.u32 v60, v54;
	_ =	sdelay $0x2  }
0x278: {  	v5 =	vmul.f32 $8.000000000e+00, v5;
	_ =	sdelay $0x1  }
0x279: {  	[tilespmem:v62+s17+$0x0] =	vst.idx.msk $0xffff, v5  }
0x27a: {  	v5 =	vld [tilespmem:s26+$0xE520];
	_ =	sdelay $0x1  }
0x27b: {  	v63 =	vor.u32 v60, v55;
	_ =	sdelay $0x2  }
0x27c: {  	v5 =	vmul.f32 $8.000000000e+00, v5;
	_ =	sdelay $0x1  }
0x27d: {  	[tilespmem:v63+s17+$0x0] =	vst.idx.msk $0xffff, v5  }
0x27e: {  	v5 =	vld [tilespmem:s26+$0xE530];
	_ =	sdelay $0x1  }
0x27f: {  	v10 =	vor.u32 v60, v6;
	_ =	sdelay $0x2  }
0x280: {  	v5 =	vmul.f32 $8.000000000e+00, v5;
	_ =	sdelay $0x1  }
0x281: {  	[tilespmem:v10+s17+$0x0] =	vst.idx.msk $0xffff, v5  }
0x282: {  	v5 =	vld [tilespmem:s26+$0xE580]  }
0x283: {  	v4 =	vor.u32 $0x3, v4  }
0x284: {  	v7 =	vor.u32 v4, v7;
	_ =	sdelay $0x2  }
0x285: {  	v5 =	vmul.f32 $8.000000000e+00, v5;
	_ =	sdelay $0x1  }
0x286: {  	[tilespmem:v7+s17+$0x0] =	vst.idx.msk $0xffff, v5  }
0x287: {  	v5 =	vld [tilespmem:s26+$0xE590];
	_ =	sdelay $0x1  }
0x288: {  	v7 =	vor.u32 v4, v54;
	_ =	sdelay $0x2  }
0x289: {  	v5 =	vmul.f32 $8.000000000e+00, v5;
	_ =	sdelay $0x1  }
0x28a: {  	[tilespmem:v7+s17+$0x0] =	vst.idx.msk $0xffff, v5  }
0x28b: {  	v5 =	vld [tilespmem:s26+$0xE5A0];
	_ =	sdelay $0x1  }
0x28c: {  	v7 =	vor.u32 v4, v55;
	_ =	sdelay $0x2  }
0x28d: {  	v5 =	vmul.f32 $8.000000000e+00, v5;
	_ =	sdelay $0x1  }
0x28e: {  	[tilespmem:v7+s17+$0x0] =	vst.idx.msk $0xffff, v5  }
0x28f: {  	v5 =	vld [tilespmem:s26+$0xE5B0];
	_ =	sdelay $0x1  }
0x290: {  	v4 =	vor.u32 v4, v6;
	_ =	sdelay $0x2  }
0x291: {  	s21 =	simm.s32 $0x1000;
	s22 =	simm.s32 $0x4;
	s13 =	simm.s32 $0x800;
	v5 =	vmul.f32 $8.000000000e+00, v5  }
.LBB2_11:
0x292: {  	p2 =	sne.s32 s21, $0xF800  }
0x293: {  	v6 =	vmov s22;
	s23 =	sshra.s32 s13, $0x2;
	[tilespmem:v4+s17+$0x0] =	vst.idx.msk $0xffff, v5;
	s13 =	smov.u32 s21;
	s21 =	sadd.s32 $0x800, s21  }
0x294: {  	v4 =	vld [tilespmem:s23+$0xE400];
	v5 =	vand.u32 $0x78, v6  }
0x295: {  	v6 =	vand.u32 $0x4, v6;
	v7 =	vadd.s32 v0, v5;
	v8 =	vadd.s32 v1, v5  }
0x296: {  	v11 =	vadd.s32 v2, v5;
	v9 =	vor.u32 v6, v7;
	v10 =	vor.u32 v6, v8  }
0x297: {  	v13 =	vadd.s32 v3, v5;
	v5 =	vor.u32 $0x1, v6;
	v12 =	vor.u32 v6, v11  }
0x298: {  	v14 =	vor.u32 v6, v13;
	v15 =	vor.u32 v5, v7;
	v16 =	vor.u32 v5, v8  }
0x299: {  	v17 =	vor.u32 v5, v11;
	v18 =	vor.u32 v5, v13;
	v4 =	vmul.f32 $8.000000000e+00, v4  }
0x29a: {  	v19 =	vor.u32 $0x3, v6;
	v5 =	vor.u32 $0x2, v6  }
0x29b: {  	v20 =	vor.u32 v5, v8;
	[tilespmem:v9+s17+$0x0] =	vst.idx.msk $0xffff, v4;
	v9 =	vor.u32 v5, v7  }
0x29c: {  	v22 =	vor.u32 v5, v11;
	v23 =	vor.u32 v5, v13;
	v7 =	vor.u32 v19, v7;
	v21 =	vld [tilespmem:s23+$0xE410]  }
0x29d: {  	v6 =	vor.u32 v19, v8;
	v5 =	vor.u32 v19, v11;
	v4 =	vor.u32 v19, v13;
	_ =	sdelay $0x3  }
0x29e: {  	v8 =	vmul.f32 $8.000000000e+00, v21;
	_ =	sdelay $0x1  }
0x29f: {  	[tilespmem:v10+s17+$0x0] =	vst.idx.msk $0xffff, v8  }
0x2a0: {  	v8 =	vld [tilespmem:s23+$0xE420];
	_ =	sdelay $0x4  }
0x2a1: {  	v8 =	vmul.f32 $8.000000000e+00, v8;
	_ =	sdelay $0x1  }
0x2a2: {  	[tilespmem:v12+s17+$0x0] =	vst.idx.msk $0xffff, v8  }
0x2a3: {  	v8 =	vld [tilespmem:s23+$0xE430];
	_ =	sdelay $0x4  }
0x2a4: {  	v8 =	vmul.f32 $8.000000000e+00, v8;
	_ =	sdelay $0x1  }
0x2a5: {  	[tilespmem:v14+s17+$0x0] =	vst.idx.msk $0xffff, v8  }
0x2a6: {  	v8 =	vld [tilespmem:s23+$0xE480];
	_ =	sdelay $0x4  }
0x2a7: {  	v8 =	vmul.f32 $8.000000000e+00, v8;
	_ =	sdelay $0x1  }
0x2a8: {  	[tilespmem:v15+s17+$0x0] =	vst.idx.msk $0xffff, v8  }
0x2a9: {  	v8 =	vld [tilespmem:s23+$0xE490];
	_ =	sdelay $0x4  }
0x2aa: {  	v8 =	vmul.f32 $8.000000000e+00, v8;
	_ =	sdelay $0x1  }
0x2ab: {  	[tilespmem:v16+s17+$0x0] =	vst.idx.msk $0xffff, v8  }
0x2ac: {  	v8 =	vld [tilespmem:s23+$0xE4A0];
	_ =	sdelay $0x4  }
0x2ad: {  	v8 =	vmul.f32 $8.000000000e+00, v8;
	_ =	sdelay $0x1  }
0x2ae: {  	[tilespmem:v17+s17+$0x0] =	vst.idx.msk $0xffff, v8  }
0x2af: {  	v8 =	vld [tilespmem:s23+$0xE4B0];
	_ =	sdelay $0x4  }
0x2b0: {  	v8 =	vmul.f32 $8.000000000e+00, v8;
	_ =	sdelay $0x1  }
0x2b1: {  	[tilespmem:v18+s17+$0x0] =	vst.idx.msk $0xffff, v8  }
0x2b2: {  	v8 =	vld [tilespmem:s23+$0xE500];
	_ =	sdelay $0x4  }
0x2b3: {  	v8 =	vmul.f32 $8.000000000e+00, v8;
	_ =	sdelay $0x1  }
0x2b4: {  	[tilespmem:v9+s17+$0x0] =	vst.idx.msk $0xffff, v8  }
0x2b5: {  	v8 =	vld [tilespmem:s23+$0xE510];
	_ =	sdelay $0x4  }
0x2b6: {  	v8 =	vmul.f32 $8.000000000e+00, v8;
	_ =	sdelay $0x1  }
0x2b7: {  	[tilespmem:v20+s17+$0x0] =	vst.idx.msk $0xffff, v8  }
0x2b8: {  	v8 =	vld [tilespmem:s23+$0xE520];
	_ =	sdelay $0x4  }
0x2b9: {  	v8 =	vmul.f32 $8.000000000e+00, v8;
	_ =	sdelay $0x1  }
0x2ba: {  	[tilespmem:v22+s17+$0x0] =	vst.idx.msk $0xffff, v8  }
0x2bb: {  	v8 =	vld [tilespmem:s23+$0xE530];
	_ =	sdelay $0x4  }
0x2bc: {  	v8 =	vmul.f32 $8.000000000e+00, v8;
	_ =	sdelay $0x1  }
0x2bd: {  	[tilespmem:v23+s17+$0x0] =	vst.idx.msk $0xffff, v8  }
0x2be: {  	v8 =	vld [tilespmem:s23+$0xE580];
	_ =	sdelay $0x4  }
0x2bf: {  	v8 =	vmul.f32 $8.000000000e+00, v8;
	_ =	sdelay $0x1  }
0x2c0: {  	[tilespmem:v7+s17+$0x0] =	vst.idx.msk $0xffff, v8  }
0x2c1: {  	v7 =	vld [tilespmem:s23+$0xE590];
	_ =	sdelay $0x4  }
0x2c2: {  	v7 =	vmul.f32 $8.000000000e+00, v7;
	_ =	sdelay $0x1  }
0x2c3: {  	[tilespmem:v6+s17+$0x0] =	vst.idx.msk $0xffff, v7  }
0x2c4: {  	v6 =	vld [tilespmem:s23+$0xE5A0];
	_ =	sdelay $0x4  }
0x2c5: {  	v6 =	vmul.f32 $8.000000000e+00, v6;
	_ =	sdelay $0x1  }
0x2c6: {  	[tilespmem:v5+s17+$0x0] =	vst.idx.msk $0xffff, v6  }
0x2c7: {  	v5 =	vld [tilespmem:s23+$0xE5B0];
	_ =	sdelay $0x1  }
.Ltmp6:
0x2c8: {  	(pc) =	sbr.rel @p2 .LBB2_11-.Ltmp6, $3  }
0x2c9: {  	_ =	sdelay $0x1  }
0x2ca: {  	v5 =	vmul.f32 $8.000000000e+00, v5  }
0x2cb: {  	s22 =	sadd.s32 $0x4, s22  }
0x2cc: {  	_ =	sdelay $0x3  }
0x2cd: {  	v6 =	vmov s22;
	s13 =	sshra.s32 s13, $0x2;
	[tilespmem:v4+s17+$0x0] =	vst.idx.msk $0xffff, v5  }
0x2ce: {  	v4 =	vld [tilespmem:s13+$0xE400];
	v5 =	vand.u32 $0x78, v6  }
0x2cf: {  	v6 =	vand.u32 $0x4, v6;
	v7 =	vadd.s32 v0, v5  }
0x2d0: {  	v8 =	vor.u32 v6, v7;
	_ =	sdelay $0x2  }
0x2d1: {  	v4 =	vmul.f32 $8.000000000e+00, v4;
	_ =	sdelay $0x1  }
0x2d2: {  	[tilespmem:v8+s17+$0x0] =	vst.idx.msk $0xffff, v4  }
0x2d3: {  	v4 =	vld [tilespmem:s13+$0xE410]  }
0x2d4: {  	v52 =	vadd.s32 v1, v5  }
0x2d5: {  	v9 =	vor.u32 v6, v52;
	_ =	sdelay $0x2  }
0x2d6: {  	v4 =	vmul.f32 $8.000000000e+00, v4;
	_ =	sdelay $0x1  }
0x2d7: {  	[tilespmem:v9+s17+$0x0] =	vst.idx.msk $0xffff, v4  }
0x2d8: {  	v4 =	vld [tilespmem:s13+$0xE420]  }
0x2d9: {  	v53 =	vadd.s32 v2, v5  }
0x2da: {  	v10 =	vor.u32 v6, v53;
	_ =	sdelay $0x2  }
0x2db: {  	v4 =	vmul.f32 $8.000000000e+00, v4;
	_ =	sdelay $0x1  }
0x2dc: {  	[tilespmem:v10+s17+$0x0] =	vst.idx.msk $0xffff, v4  }
0x2dd: {  	v4 =	vld [tilespmem:s13+$0xE430]  }
0x2de: {  	v5 =	vadd.s32 v3, v5  }
0x2df: {  	v54 =	vor.u32 v6, v5;
	_ =	sdelay $0x2  }
0x2e0: {  	v4 =	vmul.f32 $8.000000000e+00, v4;
	_ =	sdelay $0x1  }
0x2e1: {  	[tilespmem:v54+s17+$0x0] =	vst.idx.msk $0xffff, v4  }
0x2e2: {  	v4 =	vld [tilespmem:s13+$0xE480]  }
0x2e3: {  	v55 =	vor.u32 $0x1, v6  }
0x2e4: {  	v11 =	vor.u32 v55, v7;
	_ =	sdelay $0x2  }
0x2e5: {  	v4 =	vmul.f32 $8.000000000e+00, v4;
	_ =	sdelay $0x1  }
0x2e6: {  	[tilespmem:v11+s17+$0x0] =	vst.idx.msk $0xffff, v4  }
0x2e7: {  	v4 =	vld [tilespmem:s13+$0xE490];
	_ =	sdelay $0x1  }
0x2e8: {  	v56 =	vor.u32 v55, v52;
	_ =	sdelay $0x2  }
0x2e9: {  	v4 =	vmul.f32 $8.000000000e+00, v4;
	_ =	sdelay $0x1  }
0x2ea: {  	[tilespmem:v56+s17+$0x0] =	vst.idx.msk $0xffff, v4  }
0x2eb: {  	v4 =	vld [tilespmem:s13+$0xE4A0];
	_ =	sdelay $0x1  }
0x2ec: {  	v57 =	vor.u32 v55, v53;
	_ =	sdelay $0x2  }
0x2ed: {  	v4 =	vmul.f32 $8.000000000e+00, v4;
	_ =	sdelay $0x1  }
0x2ee: {  	[tilespmem:v57+s17+$0x0] =	vst.idx.msk $0xffff, v4  }
0x2ef: {  	v4 =	vld [tilespmem:s13+$0xE4B0];
	_ =	sdelay $0x1  }
0x2f0: {  	v10 =	vor.u32 v55, v5;
	_ =	sdelay $0x2  }
0x2f1: {  	v4 =	vmul.f32 $8.000000000e+00, v4;
	_ =	sdelay $0x1  }
0x2f2: {  	[tilespmem:v10+s17+$0x0] =	vst.idx.msk $0xffff, v4  }
0x2f3: {  	v4 =	vld [tilespmem:s13+$0xE500]  }
0x2f4: {  	v58 =	vor.u32 $0x2, v6  }
0x2f5: {  	v59 =	vor.u32 v58, v7;
	_ =	sdelay $0x2  }
0x2f6: {  	v4 =	vmul.f32 $8.000000000e+00, v4;
	_ =	sdelay $0x1  }
0x2f7: {  	[tilespmem:v59+s17+$0x0] =	vst.idx.msk $0xffff, v4  }
0x2f8: {  	v4 =	vld [tilespmem:s13+$0xE510];
	_ =	sdelay $0x1  }
0x2f9: {  	v60 =	vor.u32 v58, v52;
	_ =	sdelay $0x2  }
0x2fa: {  	v4 =	vmul.f32 $8.000000000e+00, v4;
	_ =	sdelay $0x1  }
0x2fb: {  	[tilespmem:v60+s17+$0x0] =	vst.idx.msk $0xffff, v4  }
0x2fc: {  	v4 =	vld [tilespmem:s13+$0xE520];
	_ =	sdelay $0x1  }
0x2fd: {  	v61 =	vor.u32 v58, v53;
	_ =	sdelay $0x2  }
0x2fe: {  	v4 =	vmul.f32 $8.000000000e+00, v4;
	_ =	sdelay $0x1  }
0x2ff: {  	[tilespmem:v61+s17+$0x0] =	vst.idx.msk $0xffff, v4  }
0x300: {  	v4 =	vld [tilespmem:s13+$0xE530];
	_ =	sdelay $0x1  }
0x301: {  	v10 =	vor.u32 v58, v5;
	_ =	sdelay $0x2  }
0x302: {  	v4 =	vmul.f32 $8.000000000e+00, v4;
	_ =	sdelay $0x1  }
0x303: {  	[tilespmem:v10+s17+$0x0] =	vst.idx.msk $0xffff, v4  }
0x304: {  	v4 =	vld [tilespmem:s13+$0xE580]  }
0x305: {  	v6 =	vor.u32 $0x3, v6  }
0x306: {  	v7 =	vor.u32 v6, v7;
	_ =	sdelay $0x2  }
0x307: {  	v4 =	vmul.f32 $8.000000000e+00, v4;
	_ =	sdelay $0x1  }
0x308: {  	[tilespmem:v7+s17+$0x0] =	vst.idx.msk $0xffff, v4  }
0x309: {  	v4 =	vld [tilespmem:s13+$0xE590];
	_ =	sdelay $0x1  }
0x30a: {  	v62 =	vor.u32 v6, v52;
	_ =	sdelay $0x2  }
0x30b: {  	v4 =	vmul.f32 $8.000000000e+00, v4;
	_ =	sdelay $0x1  }
0x30c: {  	[tilespmem:v62+s17+$0x0] =	vst.idx.msk $0xffff, v4  }
0x30d: {  	v4 =	vld [tilespmem:s13+$0xE5A0];
	_ =	sdelay $0x1  }
0x30e: {  	v63 =	vor.u32 v6, v53;
	_ =	sdelay $0x2  }
0x30f: {  	v4 =	vmul.f32 $8.000000000e+00, v4;
	_ =	sdelay $0x1  }
0x310: {  	[tilespmem:v63+s17+$0x0] =	vst.idx.msk $0xffff, v4  }
0x311: {  	v4 =	vld [tilespmem:s13+$0xE5B0];
	_ =	sdelay $0x1  }
0x312: {  	v5 =	vor.u32 v6, v5;
	_ =	sdelay $0x2  }
0x313: {  	v4 =	vmul.f32 $8.000000000e+00, v4;
	_ =	sdelay $0x1  }
0x314: {  	s21 =	sadd.s32 s10, s8;
	s26 =	simm.s32 $0x1A800;
	[tilespmem:v5+s17+$0x0] =	vst.idx.msk $0xffff, v4  }
0x315: {  	[hbm4b:s21+s3] =	stream.linear.scatter [tilespmem:s26], [sflag:$0xB], $0x80, $0x38;
	[tilespmem:$0x1EC00] =	vst v63  }
0x316: {  	s22 =	simm.s32 $0x1A888;
	s23 =	sadd.s32 $0x10, s21  }
0x317: {  	[hbm4b:s23+s3] =	stream.linear.scatter [tilespmem:s22], [sflag:$0xB], $0x80, $0x38;
	[tilespmem:$0x1EC00] =	vst v63  }
0x318: {  	s24 =	simm.s32 $0x1A910;
	s26 =	sadd.s32 $0x20, s21  }
0x319: {  	[hbm4b:s26+s3] =	stream.linear.scatter [tilespmem:s24], [sflag:$0xB], $0x80, $0x38;
	[tilespmem:$0x1EC00] =	vst v63  }
0x31a: {  	s22 =	simm.s32 $0x1A998;
	s23 =	sadd.s32 $0x30, s21  }
0x31b: {  	[hbm4b:s23+s3] =	stream.linear.scatter [tilespmem:s22], [sflag:$0xB], $0x80, $0x38;
	[tilespmem:$0x1EC00] =	vst v63  }
0x31c: {  	s24 =	simm.s32 $0x1AA20;
	s26 =	sadd.s32 $0x40, s21  }
0x31d: {  	[hbm4b:s26+s3] =	stream.linear.scatter [tilespmem:s24], [sflag:$0xB], $0x80, $0x38;
	[tilespmem:$0x1EC00] =	vst v63  }
0x31e: {  	s13 =	simm.s32 $0x440;
	s22 =	simm.s32 $0x1AAA8;
	s23 =	sadd.s32 $0x50, s21  }
0x31f: {  	[hbm4b:s23+s3] =	stream.linear.scatter [tilespmem:s22], [sflag:$0xB], $0x80, $0x38;
	[tilespmem:$0x1EC00] =	vst v63  }
0x320: {  	s24 =	simm.s32 $0x1AB30;
	s26 =	sadd.s32 $0x60, s21;
	s22 =	simm.s32 $0x2200  }
0x321: {  	[hbm4b:s26+s3] =	stream.linear.scatter [tilespmem:s24], [sflag:$0xB], $0x80, $0x38;
	[tilespmem:$0x1EC00] =	vst v63  }
0x322: {  	s23 =	simm.s32 $0x1ABB8;
	s24 =	sadd.s32 $0x70, s21;
	s21 =	sadd.s32 $0x1000, s21  }
.LBB2_13:
0x323: {  	[hbm4b:s24+s3] =	stream.linear.scatter [tilespmem:s23], [sflag:$0xB], $0x80, $0x38;
	[tilespmem:$0x1EC00] =	vst v63  }
0x324: {  	s23 =	smov.u32 s13;
	s13 =	smov.u32 s22  }
0x325: {  	s26 =	sadd.s32 $0x1100, s22;
	s13 =	sshra.s32 s13, $0x2;
	s24 =	sadd.s32 $0x1A800, s23  }
0x326: {  	[hbm4b:s21+s3] =	stream.linear.scatter [tilespmem:s24], [sflag:$0xB], $0x80, $0x38;
	[tilespmem:$0x1EC00] =	vst v63  }
0x327: {  	p2 =	sne.s32 s22, $0x7700;
	s22 =	sadd.s32 $0x1A888, s23;
	s24 =	sadd.s32 $0x10, s21  }
0x328: {  	[hbm4b:s24+s3] =	stream.linear.scatter [tilespmem:s22], [sflag:$0xB], $0x80, $0x38;
	[tilespmem:$0x1EC00] =	vst v63  }
0x329: {  	s22 =	sadd.s32 $0x1A910, s23;
	s24 =	sadd.s32 $0x20, s21  }
0x32a: {  	[hbm4b:s24+s3] =	stream.linear.scatter [tilespmem:s22], [sflag:$0xB], $0x80, $0x38;
	[tilespmem:$0x1EC00] =	vst v63  }
0x32b: {  	s22 =	sadd.s32 $0x1A998, s23;
	s24 =	sadd.s32 $0x30, s21  }
0x32c: {  	[hbm4b:s24+s3] =	stream.linear.scatter [tilespmem:s22], [sflag:$0xB], $0x80, $0x38;
	[tilespmem:$0x1EC00] =	vst v63  }
0x32d: {  	s22 =	sadd.s32 $0x1AA20, s23;
	s24 =	sadd.s32 $0x40, s21  }
0x32e: {  	[hbm4b:s24+s3] =	stream.linear.scatter [tilespmem:s22], [sflag:$0xB], $0x80, $0x38;
	[tilespmem:$0x1EC00] =	vst v63  }
.Ltmp7:
0x32f: {  	s22 =	sadd.s32 $0x1AAA8, s23;
	s24 =	sadd.s32 $0x50, s21;
	(pc) =	sbr.rel @p2 .LBB2_13-.Ltmp7, $4  }
0x330: {  	[hbm4b:s24+s3] =	stream.linear.scatter [tilespmem:s22], [sflag:$0xB], $0x80, $0x38;
	[tilespmem:$0x1EC00] =	vst v63  }
0x331: {  	s22 =	sadd.s32 $0x1AB30, s23;
	s24 =	sadd.s32 $0x60, s21;
	s23 =	sadd.s32 $0x1ABB8, s23  }
0x332: {  	[hbm4b:s24+s3] =	stream.linear.scatter [tilespmem:s22], [sflag:$0xB], $0x80, $0x38;
	[tilespmem:$0x1EC00] =	vst v63  }
0x333: {  	s24 =	sadd.s32 $0x70, s21;
	s21 =	sadd.s32 $0x1000, s21;
	s22 =	smov.u32 s26  }
0x334: {  	[hbm4b:s24+s3] =	stream.linear.scatter [tilespmem:s23], [sflag:$0xB], $0x80, $0x38;
	[tilespmem:$0x1EC00] =	vst v63  }
0x335: {  	s22 =	sadd.s32 $0x1A800, s13  }
0x336: {  	[hbm4b:s21+s3] =	stream.linear.scatter [tilespmem:s22], [sflag:$0xB], $0x80, $0x38;
	[tilespmem:$0x1EC00] =	vst v63  }
0x337: {  	s24 =	sadd.s32 $0x1A888, s13;
	s26 =	sadd.s32 $0x10, s21  }
0x338: {  	[hbm4b:s26+s3] =	stream.linear.scatter [tilespmem:s24], [sflag:$0xB], $0x80, $0x38;
	[tilespmem:$0x1EC00] =	vst v63  }
0x339: {  	s24 =	sadd.s32 $0x1A910, s13;
	s26 =	sadd.s32 $0x20, s21  }
0x33a: {  	[hbm4b:s26+s3] =	stream.linear.scatter [tilespmem:s24], [sflag:$0xB], $0x80, $0x38;
	[tilespmem:$0x1EC00] =	vst v63  }
0x33b: {  	s24 =	sadd.s32 $0x1A998, s13;
	s26 =	sadd.s32 $0x30, s21  }
0x33c: {  	[hbm4b:s26+s3] =	stream.linear.scatter [tilespmem:s24], [sflag:$0xB], $0x80, $0x38;
	[tilespmem:$0x1EC00] =	vst v63  }
0x33d: {  	s24 =	sadd.s32 $0x1AA20, s13;
	s26 =	sadd.s32 $0x40, s21  }
0x33e: {  	[hbm4b:s26+s3] =	stream.linear.scatter [tilespmem:s24], [sflag:$0xB], $0x80, $0x38;
	[tilespmem:$0x1EC00] =	vst v63  }
0x33f: {  	s24 =	sadd.s32 $0x1AAA8, s13;
	s26 =	sadd.s32 $0x50, s21  }
0x340: {  	[hbm4b:s26+s3] =	stream.linear.scatter [tilespmem:s24], [sflag:$0xB], $0x80, $0x38;
	[tilespmem:$0x1EC00] =	vst v63  }
0x341: {  	s24 =	sadd.s32 $0x1AB30, s13;
	s26 =	sadd.s32 $0x60, s21  }
0x342: {  	[hbm4b:s26+s3] =	stream.linear.scatter [tilespmem:s24], [sflag:$0xB], $0x80, $0x38;
	[tilespmem:$0x1EC00] =	vst v63  }
0x343: {  	s23 =	sadd.s32 $0x70, s21;
	s22 =	sadd.s32 $0x1ABB8, s13  }
0x344: {  	[hbm4b:s23+s3] =	stream.linear.scatter [tilespmem:s22], [sflag:$0xB], $0x80, $0x38;
	[tilespmem:$0x1EC00] =	vst v63  }
0x345: {  	s13 =	sadd.s32 @!p1 $0x300, s5;
	s21 =	simm.s32 @!p1 $0x40;
	s22 =	simm.s32 @!p1 $0xE400  }
0x346: {  	[tilespmem:s22], [sflag:$0x3] =	stream.indirect.gather @!p1 [hbm4b:s4+s21], $0x80, s13, s21, $0xb8;
	[tilespmem:$0x1EC00] =	vst v63  }
0x347: {  	s13 =	sadd.s32 @!p1 $0x340, s5;
	s22 =	simm.s32 @!p1 $0x10400  }
0x348: {  	[tilespmem:s22], [sflag:$0x7] =	stream.indirect.gather @!p1 [hbm4b:s4+s21], $0x80, s13, s21, $0xb8;
	[tilespmem:$0x1EC00] =	vst v63  }
0x349: {  	_ =	swait.ge [sflag:s18], $0x2000  }
0x34a: {  	[sflag:s18] =	ssyncset.done $0x0  }
0x34b: {  	[sflag:s18] =	ssyncadd.s32 $0xFFFFE000  }
0x34c: {  	_ =	swait.ge [sflag:s19], $0x2000  }
0x34d: {  	[sflag:s19] =	ssyncset.done $0x0  }
0x34e: {  	s13 =	simm.s32 @!p0 $0xC;
	[sflag:s19] =	ssyncadd.s32 $0xFFFFE000  }
0x34f: {  	_ =	swait.ge @!p0 [sflag:s13], $0x2000  }
0x350: {  	s24 =	simm.s32 $0x0;
	[sflag:s13] =	ssyncset.done @!p0 $0x0  }
0x351: {  	s26 =	simm.s32 $0x0;
	v4 =	vmov s24;
	[sflag:s13] =	ssyncadd.s32 @!p0 $0xFFFFE000  }
0x352: {  	v6 =	vand.u32 $0x78, v4;
	v5 =	vld [tilespmem:s26+$0x12400]  }
0x353: {  	v4 =	vand.u32 $0x4, v4;
	v7 =	vadd.s32 v0, v6  }
0x354: {  	v8 =	vor.u32 v4, v7;
	_ =	sdelay $0x2  }
0x355: {  	v5 =	vmul.f32 $8.000000000e+00, v5;
	_ =	sdelay $0x1  }
0x356: {  	[tilespmem:v8+s20+$0x0] =	vst.idx.msk $0xffff, v5  }
0x357: {  	v5 =	vld [tilespmem:s26+$0x12410]  }
0x358: {  	v54 =	vadd.s32 v1, v6  }
0x359: {  	v9 =	vor.u32 v4, v54;
	_ =	sdelay $0x2  }
0x35a: {  	v5 =	vmul.f32 $8.000000000e+00, v5;
	_ =	sdelay $0x1  }
0x35b: {  	[tilespmem:v9+s20+$0x0] =	vst.idx.msk $0xffff, v5  }
0x35c: {  	v5 =	vld [tilespmem:s26+$0x12420]  }
0x35d: {  	v55 =	vadd.s32 v2, v6  }
0x35e: {  	v10 =	vor.u32 v4, v55;
	_ =	sdelay $0x2  }
0x35f: {  	v5 =	vmul.f32 $8.000000000e+00, v5;
	_ =	sdelay $0x1  }
0x360: {  	[tilespmem:v10+s20+$0x0] =	vst.idx.msk $0xffff, v5  }
0x361: {  	v5 =	vld [tilespmem:s26+$0x12430]  }
0x362: {  	v6 =	vadd.s32 v3, v6  }
0x363: {  	v56 =	vor.u32 v4, v6;
	_ =	sdelay $0x2  }
0x364: {  	v5 =	vmul.f32 $8.000000000e+00, v5;
	_ =	sdelay $0x1  }
0x365: {  	[tilespmem:v56+s20+$0x0] =	vst.idx.msk $0xffff, v5  }
0x366: {  	v5 =	vld [tilespmem:s26+$0x12480]  }
0x367: {  	v57 =	vor.u32 $0x1, v4  }
0x368: {  	v11 =	vor.u32 v57, v7;
	_ =	sdelay $0x2  }
0x369: {  	v5 =	vmul.f32 $8.000000000e+00, v5;
	_ =	sdelay $0x1  }
0x36a: {  	[tilespmem:v11+s20+$0x0] =	vst.idx.msk $0xffff, v5  }
0x36b: {  	v5 =	vld [tilespmem:s26+$0x12490];
	_ =	sdelay $0x1  }
0x36c: {  	v58 =	vor.u32 v57, v54;
	_ =	sdelay $0x2  }
0x36d: {  	v5 =	vmul.f32 $8.000000000e+00, v5;
	_ =	sdelay $0x1  }
0x36e: {  	[tilespmem:v58+s20+$0x0] =	vst.idx.msk $0xffff, v5  }
0x36f: {  	v5 =	vld [tilespmem:s26+$0x124A0];
	_ =	sdelay $0x1  }
0x370: {  	v59 =	vor.u32 v57, v55;
	_ =	sdelay $0x2  }
0x371: {  	v5 =	vmul.f32 $8.000000000e+00, v5;
	_ =	sdelay $0x1  }
0x372: {  	[tilespmem:v59+s20+$0x0] =	vst.idx.msk $0xffff, v5  }
0x373: {  	v5 =	vld [tilespmem:s26+$0x124B0];
	_ =	sdelay $0x1  }
0x374: {  	v10 =	vor.u32 v57, v6;
	_ =	sdelay $0x2  }
0x375: {  	v5 =	vmul.f32 $8.000000000e+00, v5;
	_ =	sdelay $0x1  }
0x376: {  	[tilespmem:v10+s20+$0x0] =	vst.idx.msk $0xffff, v5  }
0x377: {  	v5 =	vld [tilespmem:s26+$0x12500]  }
0x378: {  	v60 =	vor.u32 $0x2, v4  }
0x379: {  	v61 =	vor.u32 v60, v7;
	_ =	sdelay $0x2  }
0x37a: {  	v5 =	vmul.f32 $8.000000000e+00, v5;
	_ =	sdelay $0x1  }
0x37b: {  	[tilespmem:v61+s20+$0x0] =	vst.idx.msk $0xffff, v5  }
0x37c: {  	v5 =	vld [tilespmem:s26+$0x12510];
	_ =	sdelay $0x1  }
0x37d: {  	v62 =	vor.u32 v60, v54;
	_ =	sdelay $0x2  }
0x37e: {  	v5 =	vmul.f32 $8.000000000e+00, v5;
	_ =	sdelay $0x1  }
0x37f: {  	[tilespmem:v62+s20+$0x0] =	vst.idx.msk $0xffff, v5  }
0x380: {  	v5 =	vld [tilespmem:s26+$0x12520];
	_ =	sdelay $0x1  }
0x381: {  	v63 =	vor.u32 v60, v55;
	_ =	sdelay $0x2  }
0x382: {  	v5 =	vmul.f32 $8.000000000e+00, v5;
	_ =	sdelay $0x1  }
0x383: {  	[tilespmem:v63+s20+$0x0] =	vst.idx.msk $0xffff, v5  }
0x384: {  	v5 =	vld [tilespmem:s26+$0x12530];
	_ =	sdelay $0x1  }
0x385: {  	v10 =	vor.u32 v60, v6;
	_ =	sdelay $0x2  }
0x386: {  	v5 =	vmul.f32 $8.000000000e+00, v5;
	_ =	sdelay $0x1  }
0x387: {  	[tilespmem:v10+s20+$0x0] =	vst.idx.msk $0xffff, v5  }
0x388: {  	v5 =	vld [tilespmem:s26+$0x12580]  }
0x389: {  	v4 =	vor.u32 $0x3, v4  }
0x38a: {  	v7 =	vor.u32 v4, v7;
	_ =	sdelay $0x2  }
0x38b: {  	v5 =	vmul.f32 $8.000000000e+00, v5;
	_ =	sdelay $0x1  }
0x38c: {  	[tilespmem:v7+s20+$0x0] =	vst.idx.msk $0xffff, v5  }
0x38d: {  	v5 =	vld [tilespmem:s26+$0x12590];
	_ =	sdelay $0x1  }
0x38e: {  	v7 =	vor.u32 v4, v54;
	_ =	sdelay $0x2  }
0x38f: {  	v5 =	vmul.f32 $8.000000000e+00, v5;
	_ =	sdelay $0x1  }
0x390: {  	[tilespmem:v7+s20+$0x0] =	vst.idx.msk $0xffff, v5  }
0x391: {  	v5 =	vld [tilespmem:s26+$0x125A0];
	_ =	sdelay $0x1  }
0x392: {  	v7 =	vor.u32 v4, v55;
	_ =	sdelay $0x2  }
0x393: {  	v5 =	vmul.f32 $8.000000000e+00, v5;
	_ =	sdelay $0x1  }
0x394: {  	[tilespmem:v7+s20+$0x0] =	vst.idx.msk $0xffff, v5  }
0x395: {  	v5 =	vld [tilespmem:s26+$0x125B0];
	_ =	sdelay $0x1  }
0x396: {  	v4 =	vor.u32 v4, v6;
	_ =	sdelay $0x2  }
0x397: {  	s21 =	simm.s32 $0x1000;
	s22 =	simm.s32 $0x4;
	s13 =	simm.s32 $0x800;
	v5 =	vmul.f32 $8.000000000e+00, v5  }
.LBB2_15:
0x398: {  	p0 =	sne.s32 s21, $0xF800  }
0x399: {  	v6 =	vmov s22;
	s23 =	sshra.s32 s13, $0x2;
	[tilespmem:v4+s20+$0x0] =	vst.idx.msk $0xffff, v5;
	s13 =	smov.u32 s21;
	s21 =	sadd.s32 $0x800, s21  }
0x39a: {  	v4 =	vld [tilespmem:s23+$0x12400];
	v5 =	vand.u32 $0x78, v6  }
0x39b: {  	v6 =	vand.u32 $0x4, v6;
	v7 =	vadd.s32 v0, v5;
	v8 =	vadd.s32 v1, v5  }
0x39c: {  	v11 =	vadd.s32 v2, v5;
	v9 =	vor.u32 v6, v7;
	v10 =	vor.u32 v6, v8  }
0x39d: {  	v13 =	vadd.s32 v3, v5;
	v5 =	vor.u32 $0x1, v6;
	v12 =	vor.u32 v6, v11  }
0x39e: {  	v14 =	vor.u32 v6, v13;
	v15 =	vor.u32 v5, v7;
	v16 =	vor.u32 v5, v8  }
0x39f: {  	v17 =	vor.u32 v5, v11;
	v18 =	vor.u32 v5, v13;
	v4 =	vmul.f32 $8.000000000e+00, v4  }
0x3a0: {  	v19 =	vor.u32 $0x3, v6;
	v5 =	vor.u32 $0x2, v6  }
0x3a1: {  	v20 =	vor.u32 v5, v8;
	[tilespmem:v9+s20+$0x0] =	vst.idx.msk $0xffff, v4;
	v9 =	vor.u32 v5, v7  }
0x3a2: {  	v22 =	vor.u32 v5, v11;
	v23 =	vor.u32 v5, v13;
	v7 =	vor.u32 v19, v7;
	v21 =	vld [tilespmem:s23+$0x12410]  }
0x3a3: {  	v6 =	vor.u32 v19, v8;
	v5 =	vor.u32 v19, v11;
	v4 =	vor.u32 v19, v13;
	_ =	sdelay $0x3  }
0x3a4: {  	v8 =	vmul.f32 $8.000000000e+00, v21;
	_ =	sdelay $0x1  }
0x3a5: {  	[tilespmem:v10+s20+$0x0] =	vst.idx.msk $0xffff, v8  }
0x3a6: {  	v8 =	vld [tilespmem:s23+$0x12420];
	_ =	sdelay $0x4  }
0x3a7: {  	v8 =	vmul.f32 $8.000000000e+00, v8;
	_ =	sdelay $0x1  }
0x3a8: {  	[tilespmem:v12+s20+$0x0] =	vst.idx.msk $0xffff, v8  }
0x3a9: {  	v8 =	vld [tilespmem:s23+$0x12430];
	_ =	sdelay $0x4  }
0x3aa: {  	v8 =	vmul.f32 $8.000000000e+00, v8;
	_ =	sdelay $0x1  }
0x3ab: {  	[tilespmem:v14+s20+$0x0] =	vst.idx.msk $0xffff, v8  }
0x3ac: {  	v8 =	vld [tilespmem:s23+$0x12480];
	_ =	sdelay $0x4  }
0x3ad: {  	v8 =	vmul.f32 $8.000000000e+00, v8;
	_ =	sdelay $0x1  }
0x3ae: {  	[tilespmem:v15+s20+$0x0] =	vst.idx.msk $0xffff, v8  }
0x3af: {  	v8 =	vld [tilespmem:s23+$0x12490];
	_ =	sdelay $0x4  }
0x3b0: {  	v8 =	vmul.f32 $8.000000000e+00, v8;
	_ =	sdelay $0x1  }
0x3b1: {  	[tilespmem:v16+s20+$0x0] =	vst.idx.msk $0xffff, v8  }
0x3b2: {  	v8 =	vld [tilespmem:s23+$0x124A0];
	_ =	sdelay $0x4  }
0x3b3: {  	v8 =	vmul.f32 $8.000000000e+00, v8;
	_ =	sdelay $0x1  }
0x3b4: {  	[tilespmem:v17+s20+$0x0] =	vst.idx.msk $0xffff, v8  }
0x3b5: {  	v8 =	vld [tilespmem:s23+$0x124B0];
	_ =	sdelay $0x4  }
0x3b6: {  	v8 =	vmul.f32 $8.000000000e+00, v8;
	_ =	sdelay $0x1  }
0x3b7: {  	[tilespmem:v18+s20+$0x0] =	vst.idx.msk $0xffff, v8  }
0x3b8: {  	v8 =	vld [tilespmem:s23+$0x12500];
	_ =	sdelay $0x4  }
0x3b9: {  	v8 =	vmul.f32 $8.000000000e+00, v8;
	_ =	sdelay $0x1  }
0x3ba: {  	[tilespmem:v9+s20+$0x0] =	vst.idx.msk $0xffff, v8  }
0x3bb: {  	v8 =	vld [tilespmem:s23+$0x12510];
	_ =	sdelay $0x4  }
0x3bc: {  	v8 =	vmul.f32 $8.000000000e+00, v8;
	_ =	sdelay $0x1  }
0x3bd: {  	[tilespmem:v20+s20+$0x0] =	vst.idx.msk $0xffff, v8  }
0x3be: {  	v8 =	vld [tilespmem:s23+$0x12520];
	_ =	sdelay $0x4  }
0x3bf: {  	v8 =	vmul.f32 $8.000000000e+00, v8;
	_ =	sdelay $0x1  }
0x3c0: {  	[tilespmem:v22+s20+$0x0] =	vst.idx.msk $0xffff, v8  }
0x3c1: {  	v8 =	vld [tilespmem:s23+$0x12530];
	_ =	sdelay $0x4  }
0x3c2: {  	v8 =	vmul.f32 $8.000000000e+00, v8;
	_ =	sdelay $0x1  }
0x3c3: {  	[tilespmem:v23+s20+$0x0] =	vst.idx.msk $0xffff, v8  }
0x3c4: {  	v8 =	vld [tilespmem:s23+$0x12580];
	_ =	sdelay $0x4  }
0x3c5: {  	v8 =	vmul.f32 $8.000000000e+00, v8;
	_ =	sdelay $0x1  }
0x3c6: {  	[tilespmem:v7+s20+$0x0] =	vst.idx.msk $0xffff, v8  }
0x3c7: {  	v7 =	vld [tilespmem:s23+$0x12590];
	_ =	sdelay $0x4  }
0x3c8: {  	v7 =	vmul.f32 $8.000000000e+00, v7;
	_ =	sdelay $0x1  }
0x3c9: {  	[tilespmem:v6+s20+$0x0] =	vst.idx.msk $0xffff, v7  }
0x3ca: {  	v6 =	vld [tilespmem:s23+$0x125A0];
	_ =	sdelay $0x4  }
0x3cb: {  	v6 =	vmul.f32 $8.000000000e+00, v6;
	_ =	sdelay $0x1  }
0x3cc: {  	[tilespmem:v5+s20+$0x0] =	vst.idx.msk $0xffff, v6  }
0x3cd: {  	v5 =	vld [tilespmem:s23+$0x125B0];
	_ =	sdelay $0x1  }
.Ltmp8:
0x3ce: {  	(pc) =	sbr.rel @p0 .LBB2_15-.Ltmp8, $3  }
0x3cf: {  	_ =	sdelay $0x1  }
0x3d0: {  	v5 =	vmul.f32 $8.000000000e+00, v5  }
0x3d1: {  	s22 =	sadd.s32 $0x4, s22  }
0x3d2: {  	_ =	sdelay $0x3  }
0x3d3: {  	v6 =	vmov s22;
	s13 =	sshra.s32 s13, $0x2;
	[tilespmem:v4+s20+$0x0] =	vst.idx.msk $0xffff, v5  }
0x3d4: {  	v4 =	vld [tilespmem:s13+$0x12400];
	v5 =	vand.u32 $0x78, v6  }
0x3d5: {  	v6 =	vand.u32 $0x4, v6;
	v7 =	vadd.s32 v0, v5  }
0x3d6: {  	v8 =	vor.u32 v6, v7;
	_ =	sdelay $0x2  }
0x3d7: {  	v4 =	vmul.f32 $8.000000000e+00, v4;
	_ =	sdelay $0x1  }
0x3d8: {  	[tilespmem:v8+s20+$0x0] =	vst.idx.msk $0xffff, v4  }
0x3d9: {  	v4 =	vld [tilespmem:s13+$0x12410]  }
0x3da: {  	v52 =	vadd.s32 v1, v5  }
0x3db: {  	v9 =	vor.u32 v6, v52;
	_ =	sdelay $0x2  }
0x3dc: {  	v4 =	vmul.f32 $8.000000000e+00, v4;
	_ =	sdelay $0x1  }
0x3dd: {  	[tilespmem:v9+s20+$0x0] =	vst.idx.msk $0xffff, v4  }
0x3de: {  	v4 =	vld [tilespmem:s13+$0x12420]  }
0x3df: {  	v53 =	vadd.s32 v2, v5  }
0x3e0: {  	v10 =	vor.u32 v6, v53;
	_ =	sdelay $0x2  }
0x3e1: {  	v4 =	vmul.f32 $8.000000000e+00, v4;
	_ =	sdelay $0x1  }
0x3e2: {  	[tilespmem:v10+s20+$0x0] =	vst.idx.msk $0xffff, v4  }
0x3e3: {  	v4 =	vld [tilespmem:s13+$0x12430]  }
0x3e4: {  	v5 =	vadd.s32 v3, v5  }
0x3e5: {  	v54 =	vor.u32 v6, v5;
	_ =	sdelay $0x2  }
0x3e6: {  	v4 =	vmul.f32 $8.000000000e+00, v4;
	_ =	sdelay $0x1  }
0x3e7: {  	[tilespmem:v54+s20+$0x0] =	vst.idx.msk $0xffff, v4  }
0x3e8: {  	v4 =	vld [tilespmem:s13+$0x12480]  }
0x3e9: {  	v55 =	vor.u32 $0x1, v6  }
0x3ea: {  	v11 =	vor.u32 v55, v7;
	_ =	sdelay $0x2  }
0x3eb: {  	v4 =	vmul.f32 $8.000000000e+00, v4;
	_ =	sdelay $0x1  }
0x3ec: {  	[tilespmem:v11+s20+$0x0] =	vst.idx.msk $0xffff, v4  }
0x3ed: {  	v4 =	vld [tilespmem:s13+$0x12490];
	_ =	sdelay $0x1  }
0x3ee: {  	v56 =	vor.u32 v55, v52;
	_ =	sdelay $0x2  }
0x3ef: {  	v4 =	vmul.f32 $8.000000000e+00, v4;
	_ =	sdelay $0x1  }
0x3f0: {  	[tilespmem:v56+s20+$0x0] =	vst.idx.msk $0xffff, v4  }
0x3f1: {  	v4 =	vld [tilespmem:s13+$0x124A0];
	_ =	sdelay $0x1  }
0x3f2: {  	v57 =	vor.u32 v55, v53;
	_ =	sdelay $0x2  }
0x3f3: {  	v4 =	vmul.f32 $8.000000000e+00, v4;
	_ =	sdelay $0x1  }
0x3f4: {  	[tilespmem:v57+s20+$0x0] =	vst.idx.msk $0xffff, v4  }
0x3f5: {  	v4 =	vld [tilespmem:s13+$0x124B0];
	_ =	sdelay $0x1  }
0x3f6: {  	v10 =	vor.u32 v55, v5;
	_ =	sdelay $0x2  }
0x3f7: {  	v4 =	vmul.f32 $8.000000000e+00, v4;
	_ =	sdelay $0x1  }
0x3f8: {  	[tilespmem:v10+s20+$0x0] =	vst.idx.msk $0xffff, v4  }
0x3f9: {  	v4 =	vld [tilespmem:s13+$0x12500]  }
0x3fa: {  	v58 =	vor.u32 $0x2, v6  }
0x3fb: {  	v59 =	vor.u32 v58, v7;
	_ =	sdelay $0x2  }
0x3fc: {  	v4 =	vmul.f32 $8.000000000e+00, v4;
	_ =	sdelay $0x1  }
0x3fd: {  	[tilespmem:v59+s20+$0x0] =	vst.idx.msk $0xffff, v4  }
0x3fe: {  	v4 =	vld [tilespmem:s13+$0x12510];
	_ =	sdelay $0x1  }
0x3ff: {  	v60 =	vor.u32 v58, v52;
	_ =	sdelay $0x2  }
0x400: {  	v4 =	vmul.f32 $8.000000000e+00, v4;
	_ =	sdelay $0x1  }
0x401: {  	[tilespmem:v60+s20+$0x0] =	vst.idx.msk $0xffff, v4  }
0x402: {  	v4 =	vld [tilespmem:s13+$0x12520];
	_ =	sdelay $0x1  }
0x403: {  	v61 =	vor.u32 v58, v53;
	_ =	sdelay $0x2  }
0x404: {  	v4 =	vmul.f32 $8.000000000e+00, v4;
	_ =	sdelay $0x1  }
0x405: {  	[tilespmem:v61+s20+$0x0] =	vst.idx.msk $0xffff, v4  }
0x406: {  	v4 =	vld [tilespmem:s13+$0x12530];
	_ =	sdelay $0x1  }
0x407: {  	v10 =	vor.u32 v58, v5;
	_ =	sdelay $0x2  }
0x408: {  	v4 =	vmul.f32 $8.000000000e+00, v4;
	_ =	sdelay $0x1  }
0x409: {  	[tilespmem:v10+s20+$0x0] =	vst.idx.msk $0xffff, v4  }
0x40a: {  	v4 =	vld [tilespmem:s13+$0x12580]  }
0x40b: {  	v6 =	vor.u32 $0x3, v6  }
0x40c: {  	v7 =	vor.u32 v6, v7;
	_ =	sdelay $0x2  }
0x40d: {  	v4 =	vmul.f32 $8.000000000e+00, v4;
	_ =	sdelay $0x1  }
0x40e: {  	[tilespmem:v7+s20+$0x0] =	vst.idx.msk $0xffff, v4  }
0x40f: {  	v4 =	vld [tilespmem:s13+$0x12590];
	_ =	sdelay $0x1  }
0x410: {  	v62 =	vor.u32 v6, v52;
	_ =	sdelay $0x2  }
0x411: {  	v4 =	vmul.f32 $8.000000000e+00, v4;
	_ =	sdelay $0x1  }
0x412: {  	[tilespmem:v62+s20+$0x0] =	vst.idx.msk $0xffff, v4  }
0x413: {  	v4 =	vld [tilespmem:s13+$0x125A0];
	_ =	sdelay $0x1  }
0x414: {  	v63 =	vor.u32 v6, v53;
	_ =	sdelay $0x2  }
0x415: {  	v4 =	vmul.f32 $8.000000000e+00, v4;
	_ =	sdelay $0x1  }
0x416: {  	[tilespmem:v63+s20+$0x0] =	vst.idx.msk $0xffff, v4  }
0x417: {  	v4 =	vld [tilespmem:s13+$0x125B0];
	_ =	sdelay $0x1  }
0x418: {  	v5 =	vor.u32 v6, v5;
	_ =	sdelay $0x2  }
0x419: {  	v4 =	vmul.f32 $8.000000000e+00, v4;
	_ =	sdelay $0x1  }
0x41a: {  	s22 =	simm.s32 $0x1CA00;
	s13 =	sadd.s32 s10, s9;
	[tilespmem:v5+s20+$0x0] =	vst.idx.msk $0xffff, v4  }
0x41b: {  	[hbm4b:s13+s3] =	stream.linear.scatter [tilespmem:s22], [sflag:$0xC], $0x80, $0x38;
	[tilespmem:$0x1EC00] =	vst v63  }
0x41c: {  	s23 =	simm.s32 $0x1CA88;
	s21 =	sadd.s32 $0x10, s13  }
0x41d: {  	[hbm4b:s21+s3] =	stream.linear.scatter [tilespmem:s23], [sflag:$0xC], $0x80, $0x38;
	[tilespmem:$0x1EC00] =	vst v63  }
0x41e: {  	s24 =	simm.s32 $0x1CB10;
	s10 =	simm.s32 $0x440;
	s26 =	sadd.s32 $0x20, s13  }
0x41f: {  	[hbm4b:s26+s3] =	stream.linear.scatter [tilespmem:s24], [sflag:$0xC], $0x80, $0x38;
	[tilespmem:$0x1EC00] =	vst v63  }
0x420: {  	s22 =	simm.s32 $0x1CB98;
	s23 =	sadd.s32 $0x30, s13;
	s21 =	simm.s32 $0x2200  }
0x421: {  	[hbm4b:s23+s3] =	stream.linear.scatter [tilespmem:s22], [sflag:$0xC], $0x80, $0x38;
	[tilespmem:$0x1EC00] =	vst v63  }
0x422: {  	s24 =	simm.s32 $0x1CC20;
	s26 =	sadd.s32 $0x40, s13;
	s22 =	simm.s32 $0x1CCA8  }
0x423: {  	[hbm4b:s26+s3] =	stream.linear.scatter [tilespmem:s24], [sflag:$0xC], $0x80, $0x38;
	[tilespmem:$0x1EC00] =	vst v63  }
0x424: {  	s23 =	sadd.s32 $0x50, s13;
	s24 =	simm.s32 $0x1CD30;
	s26 =	sadd.s32 $0x60, s13  }
0x425: {  	[hbm4b:s23+s3] =	stream.linear.scatter [tilespmem:s22], [sflag:$0xC], $0x80, $0x38;
	[tilespmem:$0x1EC00] =	vst v63  }
0x426: {  	s22 =	simm.s32 $0x1CDB8;
	s23 =	sadd.s32 $0x70, s13;
	s13 =	sadd.s32 $0x1000, s13  }
0x427: {  	[hbm4b:s26+s3] =	stream.linear.scatter [tilespmem:s24], [sflag:$0xC], $0x80, $0x38;
	[tilespmem:$0x1EC00] =	vst v63  }
.LBB2_17:
0x428: {  	[hbm4b:s23+s3] =	stream.linear.scatter [tilespmem:s22], [sflag:$0xC], $0x80, $0x38;
	[tilespmem:$0x1EC00] =	vst v63  }
0x429: {  	s22 =	smov.u32 s10;
	s10 =	smov.u32 s21  }
0x42a: {  	s24 =	sadd.s32 $0x1100, s21;
	s10 =	sshra.s32 s10, $0x2;
	s23 =	sadd.s32 $0x1CA00, s22  }
0x42b: {  	[hbm4b:s13+s3] =	stream.linear.scatter [tilespmem:s23], [sflag:$0xC], $0x80, $0x38;
	[tilespmem:$0x1EC00] =	vst v63  }
0x42c: {  	p0 =	sne.s32 s21, $0x7700;
	s21 =	sadd.s32 $0x1CA88, s22;
	s23 =	sadd.s32 $0x10, s13  }
0x42d: {  	[hbm4b:s23+s3] =	stream.linear.scatter [tilespmem:s21], [sflag:$0xC], $0x80, $0x38;
	[tilespmem:$0x1EC00] =	vst v63  }
0x42e: {  	s21 =	sadd.s32 $0x1CB10, s22;
	s23 =	sadd.s32 $0x20, s13  }
0x42f: {  	[hbm4b:s23+s3] =	stream.linear.scatter [tilespmem:s21], [sflag:$0xC], $0x80, $0x38;
	[tilespmem:$0x1EC00] =	vst v63  }
0x430: {  	s21 =	sadd.s32 $0x1CB98, s22;
	s23 =	sadd.s32 $0x30, s13  }
0x431: {  	[hbm4b:s23+s3] =	stream.linear.scatter [tilespmem:s21], [sflag:$0xC], $0x80, $0x38;
	[tilespmem:$0x1EC00] =	vst v63  }
0x432: {  	s21 =	sadd.s32 $0x1CC20, s22;
	s23 =	sadd.s32 $0x40, s13  }
0x433: {  	[hbm4b:s23+s3] =	stream.linear.scatter [tilespmem:s21], [sflag:$0xC], $0x80, $0x38;
	[tilespmem:$0x1EC00] =	vst v63  }
.Ltmp9:
0x434: {  	s21 =	sadd.s32 $0x1CCA8, s22;
	s23 =	sadd.s32 $0x50, s13;
	(pc) =	sbr.rel @p0 .LBB2_17-.Ltmp9, $4  }
0x435: {  	[hbm4b:s23+s3] =	stream.linear.scatter [tilespmem:s21], [sflag:$0xC], $0x80, $0x38;
	[tilespmem:$0x1EC00] =	vst v63  }
0x436: {  	s21 =	sadd.s32 $0x1CD30, s22;
	s23 =	sadd.s32 $0x60, s13;
	s22 =	sadd.s32 $0x1CDB8, s22  }
0x437: {  	[hbm4b:s23+s3] =	stream.linear.scatter [tilespmem:s21], [sflag:$0xC], $0x80, $0x38;
	[tilespmem:$0x1EC00] =	vst v63  }
0x438: {  	s23 =	sadd.s32 $0x70, s13;
	s13 =	sadd.s32 $0x1000, s13;
	s21 =	smov.u32 s24  }
0x439: {  	[hbm4b:s23+s3] =	stream.linear.scatter [tilespmem:s22], [sflag:$0xC], $0x80, $0x38;
	[tilespmem:$0x1EC00] =	vst v63  }
0x43a: {  	s21 =	sadd.s32 $0x1CA00, s10  }
0x43b: {  	[hbm4b:s13+s3] =	stream.linear.scatter [tilespmem:s21], [sflag:$0xC], $0x80, $0x38;
	[tilespmem:$0x1EC00] =	vst v63  }
0x43c: {  	s24 =	sadd.s32 $0x1CA88, s10;
	s26 =	sadd.s32 $0x10, s13  }
0x43d: {  	[hbm4b:s26+s3] =	stream.linear.scatter [tilespmem:s24], [sflag:$0xC], $0x80, $0x38;
	[tilespmem:$0x1EC00] =	vst v63  }
0x43e: {  	s22 =	sadd.s32 $0x1CB10, s10;
	s23 =	sadd.s32 $0x20, s13  }
0x43f: {  	[hbm4b:s23+s3] =	stream.linear.scatter [tilespmem:s22], [sflag:$0xC], $0x80, $0x38;
	[tilespmem:$0x1EC00] =	vst v63  }
0x440: {  	s24 =	sadd.s32 $0x1CB98, s10;
	s26 =	sadd.s32 $0x30, s13  }
0x441: {  	[hbm4b:s26+s3] =	stream.linear.scatter [tilespmem:s24], [sflag:$0xC], $0x80, $0x38;
	[tilespmem:$0x1EC00] =	vst v63  }
0x442: {  	s22 =	sadd.s32 $0x1CC20, s10;
	s23 =	sadd.s32 $0x40, s13  }
0x443: {  	[hbm4b:s23+s3] =	stream.linear.scatter [tilespmem:s22], [sflag:$0xC], $0x80, $0x38;
	[tilespmem:$0x1EC00] =	vst v63  }
0x444: {  	s24 =	sadd.s32 $0x1CCA8, s10;
	s26 =	sadd.s32 $0x50, s13  }
0x445: {  	[hbm4b:s26+s3] =	stream.linear.scatter [tilespmem:s24], [sflag:$0xC], $0x80, $0x38;
	[tilespmem:$0x1EC00] =	vst v63  }
.Ltmp10:
0x446: {  	_ = 	snop;
	(pc) =	sbr.rel @p1 .LBB2_20-.Ltmp10, $4  }
0x447: {  	s22 =	sadd.s32 $0x1CD30, s10;
	s23 =	sadd.s32 $0x60, s13  }
0x448: {  	[hbm4b:s23+s3] =	stream.linear.scatter [tilespmem:s22], [sflag:$0xC], $0x80, $0x38;
	[tilespmem:$0x1EC00] =	vst v63  }
0x449: {  	s24 =	sadd.s32 $0x1CDB8, s10;
	s26 =	sadd.s32 $0x70, s13  }
0x44a: {  	[hbm4b:s26+s3] =	stream.linear.scatter [tilespmem:s24], [sflag:$0xC], $0x80, $0x38;
	[tilespmem:$0x1EC00] =	vst v63  }
.Ltmp11:
0x44b: {  	(pc) =	sbr.rel .LBB2_2-.Ltmp11, $4  }
0x44c: {  	s10 =	sadd.s32 $0x380, s5  }
0x44d: {  	[tilespmem:s25], [sflag:$0x4] =	stream.indirect.gather [hbm4b:s4+s14], $0x80, s10, s14, $0xb8;
	[tilespmem:$0x1EC00] =	vst v63  }
0x44e: {  	s26 =	sadd.s32 $0x3C0, s5;
	s11 =	sadd.s32 $0x1, s11  }
0x44f: {  	[tilespmem:s28], [sflag:$0x8] =	stream.indirect.gather [hbm4b:s4+s14], $0x80, s26, s14, $0xb8;
	[tilespmem:$0x1EC00] =	vst v63  }
.LBB2_21:
0x450: {  	_ =	sfence.sel $0x180000  }
0x451: {  	[bflag:$0x0] =	sbarrier.arrive $0xFFFF  }
0x452: {  	_ =	strace $0x90000047  }
0x453: {  	s0 =	stileid.u32;
	[bflag:$0x2] =	sbarrier.arrive $0xFFFF  }
0x454: {  	p0 =	sne.s32 s0, $0x0;
	s0 =	rddreg [dreg:$0x2]  }
0x455: {  	s0 =	sadd.s32 @!p0 $0x100000, s0  }
0x456: {  	[sflag:s0] =	ssyncadd.tile.s32 @!p0 $0x1;
	_ =	shalt  }
.Lfunc_end2:
_tile_overlayer_lowered:
.L_overlay_start_2:
0x457: {  	(tag) =	ssettag $0x2  }
0x458: {  	s0 =	rddreg [dreg:$0x0];
	s2 =	stileid.u32  }
0x459: {  	s1 =	rddreg [dreg:$0x1];
	p0 =	sne.s32 s2, $0x0  }
0x45a: {  	s3 =	rddreg [dreg:$0x2];
	[bflag:$0x3] =	sbarrier.arrive $0xFFFF;
	s2 =	simm.s32 @!p0 $0x1C0D  }
0x45b: {  	[timem:s3], [sflag:s2] =	dma.local @!p0 [hbm:s0], s1  }
0x45c: {  	s0 =	simm.s32 @!p0 $0xD  }
0x45d: {  	_ =	swait.ge @!p0 [sflag:s0], s1  }
0x45e: {  	s1 =	ssub.s32 @!p0 $0x0, s1;
	[sflag:s0] =	ssyncset.done @!p0 $0x0  }
0x45f: {  	[sflag:s0] =	ssyncadd.s32 @!p0 s1  }
0x460: {  	[bflag:$0x3] =	sbarrier.arrive $0xFFFF  }
0x461: {  	_ =	shalt  }

</sc_bundles>
